<compile_context>
chip_gen: v7x
topology: tpu7x:2x2x1
jax: 0.10.2.dev20260603
libtpu: 0.0.44.dev20260713+nightly
codegen_flags: <defaults>
</compile_context>

<pallas_src>
import functools

import jax
import jax.numpy as jnp
from jax import lax
from jax.experimental import pallas as pl
from jax.experimental.pallas import tpu as pltpu
from jax.experimental.pallas import tpu_sc as plsc

BN = 1024
BNQ = 512
VCHUNK = 576
RSUB = 32
_NC, _NS = 2, 16
_NW = _NC * _NS


def _vprep_body(vert_ref, sw_ref, tm_ref, vmat_ref, v2_ref, table_ref):
    v = vert_ref.shape[0]
    vp = vmat_ref.shape[0]
    j = sw_ref.shape[1]
    pv = jnp.concatenate(
        [vert_ref[...], jnp.full((vp - v, 3), 1e8, jnp.float32)], axis=0)
    vmat_ref[...] = jnp.concatenate(
        [-2.0 * pv, jnp.zeros((vp, 5), jnp.float32)], axis=1)
    vx, vy, vz = pv[:, 0:1], pv[:, 1:2], pv[:, 2:3]
    v2_ref[...] = vx * vx + vy * vy + vz * vz
    swp = jnp.concatenate(
        [sw_ref[...], jnp.zeros((vp - v, j), jnp.float32)], axis=0)
    table_ref[...] = lax.dot_general(
        swp, tm_ref[...], (((1,), (0,)), ((), ())),
        preferred_element_type=jnp.float32)


def _nn_body(cat_ref, vm_ref, v2_ref, idx_ref):
    xt = jnp.transpose(cat_ref[...])
    vp = vm_ref.shape[0]
    best = jnp.full((RSUB, BNQ), jnp.inf, jnp.float32)
    besti = jnp.zeros((RSUB, BNQ), jnp.int32)
    for c in range(vp // VCHUNK):
        m = lax.dot_general(
            vm_ref[c * VCHUNK:(c + 1) * VCHUNK, :], xt,
            (((1,), (0,)), ((), ())), preferred_element_type=jnp.float32)
        d = m + v2_ref[c * VCHUNK:(c + 1) * VCHUNK, :]
        for s in range(VCHUNK // RSUB):
            ch = d[s * RSUB:(s + 1) * RSUB, :]
            cid = c * (VCHUNK // RSUB) + s
            upd = ch < best
            best = jnp.minimum(best, ch)
            besti = jnp.where(upd, cid, besti)
    sio = lax.broadcasted_iota(jnp.int32, (RSUB, BNQ), 0)
    vv = besti * RSUB + sio
    gmin = jnp.min(best, axis=0, keepdims=True)
    vcand = jnp.where(best == gmin, vv, jnp.int32(2 ** 30))
    idx_ref[...] = jnp.clip(jnp.min(vcand, axis=0), 0, vp - 1)


def _make_sc_lbs(b_total):
    b_per_w = b_total // _NW
    nch = 2
    csz = b_per_w // nch
    groups = csz // 16
    mesh = plsc.VectorSubcoreMesh(core_axis_name="c", subcore_axis_name="s")

    @functools.partial(
        pl.kernel, mesh=mesh,
        out_type=[
            jax.ShapeDtypeStruct((b_total, 16), jnp.float32),
            jax.ShapeDtypeStruct((b_total, 4), jnp.float32),
            jax.ShapeDtypeStruct((b_total, 9), jnp.float32),
        ],
        compiler_params=pltpu.CompilerParams(
            use_tc_tiling_on_sc=False, needs_layout_passes=False),
        scratch_types=[
            pltpu.VMEM((csz,), jnp.int32),
            pltpu.VMEM((csz, 16), jnp.float32),
            pltpu.VMEM((csz, 8), jnp.float32),
            pltpu.VMEM((csz, 4), jnp.float32),
            pltpu.VMEM((csz, 9), jnp.float32),
            pltpu.SemaphoreType.DMA,
        ],
    )
    def fused(table_hbm, idx_hbm, cat_hbm, t_out, xb_out, rb_out,
              idx_v, t_v, cq_v, xb_v, rb_v, sem):
        wid = lax.axis_index("s") * _NC + lax.axis_index("c")

        iota = lax.broadcasted_iota(jnp.int32, (16,), 0)

        def col(k):
            return jnp.full((16,), k, jnp.int32)

        def body(g, carry):
            row = g * 16 + iota
            t = [plsc.load_gather(t_v, [row, col(k)]) for k in range(16)]
            px = plsc.load_gather(cq_v, [row, col(0)])
            py = plsc.load_gather(cq_v, [row, col(1)])
            pz = plsc.load_gather(cq_v, [row, col(2)])
            qr = plsc.load_gather(cq_v, [row, col(3)])
            qx = plsc.load_gather(cq_v, [row, col(4)])
            qy = plsc.load_gather(cq_v, [row, col(5)])
            qz = plsc.load_gather(cq_v, [row, col(6)])
            ss = qr * qr + qx * qx + qy * qy + qz * qz
            seed = jnp.int32(0x5F3759DF) - lax.shift_right_logical(
                plsc.bitcast(ss, jnp.int32), 1)
            y = plsc.bitcast(seed, jnp.float32)
            for _ in range(3):
                y = y * (1.5 - 0.5 * ss * y * y)
            r, xq, yq, zq = qr * y, qx * y, qy * y, qz * y
            rm = [
                1 - 2 * (yq * yq + zq * zq), 2 * (xq * yq - r * zq), 2 * (xq * zq + r * yq),
                2 * (xq * yq + r * zq), 1 - 2 * (xq * xq + zq * zq), 2 * (yq * zq - r * xq),
                2 * (xq * zq - r * yq), 2 * (yq * zq + r * xq), 1 - 2 * (xq * xq + yq * yq),
            ]
            for i in range(3):
                xb = t[4 * i] * px + t[4 * i + 1] * py + t[4 * i + 2] * pz + t[4 * i + 3]
                plsc.store_scatter(xb_v, [row, col(i)], xb)
                for j in range(3):
                    rb = (t[4 * i] * rm[j] + t[4 * i + 1] * rm[3 + j]
                          + t[4 * i + 2] * rm[6 + j])
                    plsc.store_scatter(rb_v, [row, col(3 * i + j)], rb)
            return carry

        for ch in range(nch):
            base = wid * b_per_w + ch * csz
            pltpu.sync_copy(idx_hbm.at[pl.ds(base, csz)], idx_v)
            pltpu.sync_copy(cat_hbm.at[pl.ds(base, csz)], cq_v)
            pltpu.async_copy(table_hbm.at[idx_v], t_v, sem).wait()
            lax.fori_loop(0, groups, body, 0)
            pltpu.sync_copy(t_v, t_out.at[pl.ds(base, csz)])
            pltpu.sync_copy(xb_v, xb_out.at[pl.ds(base, csz)])
            pltpu.sync_copy(rb_v, rb_out.at[pl.ds(base, csz)])

    return fused


def kernel(xyz, smpl_verts, skinning_weights, transforms_mat, rotation):
    n = xyz.shape[0]
    v = smpl_verts.shape[0]
    j = skinning_weights.shape[1]
    npad = -(-n // BN) * BN
    vp = -(-v // VCHUNK) * VCHUNK

    tm16 = transforms_mat.reshape(j, 16).astype(jnp.float32)

    vmat, v2, vt_table = pl.pallas_call(
        _vprep_body,
        out_shape=[
            jax.ShapeDtypeStruct((vp, 8), jnp.float32),
            jax.ShapeDtypeStruct((vp, 1), jnp.float32),
            jax.ShapeDtypeStruct((vp, 16), jnp.float32),
        ],
    )(smpl_verts, skinning_weights, tm16)

    catp = jnp.pad(jnp.concatenate([xyz, rotation], axis=1),
                   ((0, npad - n), (0, 1)))

    nbq = npad // BNQ
    idx3 = pl.pallas_call(
        _nn_body,
        grid=(nbq,),
        in_specs=[
            pl.BlockSpec((BNQ, 8), lambda i: (i, 0)),
            pl.BlockSpec((vp, 8), lambda i: (0, 0)),
            pl.BlockSpec((vp, 1), lambda i: (0, 0)),
        ],
        out_specs=pl.BlockSpec((BNQ,), lambda i: (i,)),
        out_shape=jax.ShapeDtypeStruct((npad,), jnp.int32),
    )(catp, vmat, v2)
    idx = idx3

    t16, xb4, rb9 = _make_sc_lbs(npad)(vt_table, idx, catp)

    x_bar = xb4[:n, :3]
    rotation_bar = rb9[:n].reshape(n, 3, 3)
    t_fwd = t16[:n].reshape(n, 4, 4)
    return x_bar, rotation_bar, t_fwd

# --- scband reference (transcript-rebuilt; emitter-appended) ---
"""Pipeline reference for scband-smplnn-12463995093356 (READ-ONLY COPY).

The authoritative reference and input builder live on the scoring server;
editing this copy changes nothing except your own understanding.
"""

import jax, jax.numpy as jnp
import numpy as np

N = 100000
V = 6890
J = 24
CHUNK = 5000


def setup_inputs(seed: int = 0) -> dict:
    key = jax.random.key(seed)
    k1, k2, k3, k4, k5 = jax.random.split(key, 5)
    xyz = jax.random.normal(k1, (N, 3), dtype=jnp.float32)
    smpl_verts = jax.random.normal(k2, (V, 3), dtype=jnp.float32)
    w = jax.random.uniform(k3, (V, J), dtype=jnp.float32) + 1e-3
    skinning_weights = w / jnp.sum(w, axis=1, keepdims=True)
    transforms_mat = jax.random.normal(k4, (J, 4, 4), dtype=jnp.float32) * 0.1 + jnp.eye(4, dtype=jnp.float32)[None]
    rotation = jax.random.normal(k5, (N, 4), dtype=jnp.float32)
    return {
        "xyz": xyz,
        "smpl_verts": smpl_verts,
        "skinning_weights": skinning_weights,
        "transforms_mat": transforms_mat,
        "rotation": rotation,
    }


def nn_idx(xyz, verts):
    # 1-NN (knn_points with K=1): chunked to bound peak memory of the [N, V] distance matrix
    v2 = jnp.sum(verts * verts, axis=1)

    def chunk_fn(xc):
        d = jnp.sum(xc * xc, axis=1, keepdims=True) - 2.0 * (xc @ verts.T) + v2[None, :]
        return jnp.argmin(d, axis=1)

    chunks = xyz.reshape(-1, CHUNK, 3)
    idx = jax.lax.map(chunk_fn, chunks)
    return idx.reshape(-1)


def build_rotation(q):
    # quaternion (r, x, y, z) -> rotation matrix, standard gaussian-splatting build_rotation
    norm = jnp.sqrt(jnp.sum(q * q, axis=-1, keepdims=True))
    q = q / norm
    r, x, y, z = q[:, 0], q[:, 1], q[:, 2], q[:, 3]
    R = jnp.stack(
        [
            1 - 2 * (y * y + z * z), 2 * (x * y - r * z), 2 * (x * z + r * y),
            2 * (x * y + r * z), 1 - 2 * (x * x + z * z), 2 * (y * z - r * x),
            2 * (x * z - r * y), 2 * (y * z + r * x), 1 - 2 * (x * x + y * y),
        ],
        axis=-1,
    )
    return R.reshape(-1, 3, 3)


def reference(xyz, smpl_verts, skinning_weights, transforms_mat, rotation):
    n_pts = xyz.shape[0]
    # query_weights: 1-NN lookup then gather skinning weights
    p_idx = nn_idx(xyz, smpl_verts)
    pts_W = skinning_weights[p_idx, :]
    # T_fwd = pts_W @ transforms_mat.view(-1, 16) -> [N, 4, 4]
    T_fwd = jnp.matmul(pts_W, transforms_mat.reshape(-1, 16)).reshape(n_pts, 4, 4).astype(jnp.float32)
    # transform points homogeneously
    homo_coord = jnp.ones((n_pts, 1), dtype=jnp.float32)
    x_hat_homo = jnp.concatenate([xyz, homo_coord], axis=-1).reshape(n_pts, 4, 1)
    x_bar = jnp.matmul(T_fwd, x_hat_homo)[:, :3, 0]
    # rotate gaussian orientations
    rotation_hat = build_rotation(rotation)
    rotation_bar = jnp.matmul(T_fwd[:, :3, :3], rotation_hat)
    return x_bar, rotation_bar, T_fwd

if __name__ == "__main__":
    import jax
    _d = setup_inputs()
    print(jax.jit(kernel)(*tuple(_d.values())))

</pallas_src>

<mosaic_0001>
#map = affine_map<(d0, d1) -> (0, 0)>
#map1 = affine_map<(d0, d1) -> (0)>
module attributes {stable_mosaic.version = 14 : i64} {
  func.func @fused(%arg0: i32, %arg1: i32, %arg2: memref<6912x16xf32, #tpu.memory_space<hbm>>, %arg3: memref<100352xi32, #tpu.memory_space<hbm>>, %arg4: memref<100352x8xf32, #tpu.memory_space<hbm>>, %arg5: memref<100352x16xf32, #tpu.memory_space<hbm>>, %arg6: memref<100352x4xf32, #tpu.memory_space<hbm>>, %arg7: memref<100352x9xf32, #tpu.memory_space<hbm>>, %arg8: memref<1568xi32, #tpu.memory_space<vmem>>, %arg9: memref<1568x16xf32, #tpu.memory_space<vmem>>, %arg10: memref<1568x8xf32, #tpu.memory_space<vmem>>, %arg11: memref<1568x4xf32, #tpu.memory_space<vmem>>, %arg12: memref<1568x9xf32, #tpu.memory_space<vmem>>, %arg13: memref<!tpu.dma_semaphore, #tpu.memory_space<semaphore_mem>>) attributes {dimension_semantics = [#tpu.dimension_semantics<core_parallel>, #tpu.dimension_semantics<subcore_parallel>], iteration_bounds = array<i64: 2, 16>, scalar_prefetch = 0 : i64, scratch_operands = 6 : i64, tpu.core_type = #tpu.core_type<sc_vector_subcore>, window_params = [{transform_indices = #map}, {transform_indices = #map1}, {transform_indices = #map}, {transform_indices = #map}, {transform_indices = #map}, {transform_indices = #map}]} {
    %mul3A = arith.constant 2 : i32
    %mul3A_0 = arith.muli %arg1, %mul3A : i32
    %add3A = arith.addi %mul3A_0, %arg0 : i32
    %iota3A = tpu.iota {dimensions = array<i32: 0>} : vector<16xi32>
    %mul3A_1 = arith.constant 3136 : i32
    %mul3A_2 = arith.muli %add3A, %mul3A_1 : i32
    %add3A_3 = arith.constant 0 : i32
    %add3A_4 = arith.addi %mul3A_2, %add3A_3 : i32
    "tpu.region"() ({
      %run_scoped3A = tpu.sem_alloc : memref<!tpu.dma_semaphore, #tpu.memory_space<semaphore_mem>>
      %dma_start3A_30 = tpu.memref_slice %arg3[%add3A_4] : memref<100352xi32, #tpu.memory_space<hbm>> -> memref<1568xi32, #tpu.memory_space<hbm>>
      %dma_start3A_31 = tpu.memref_slice %arg3[%add3A_4] : memref<100352xi32, #tpu.memory_space<hbm>> -> memref<1568xi32, #tpu.memory_space<hbm>>
      tpu.enqueue_dma source(%dma_start3A_31 : memref<1568xi32, #tpu.memory_space<hbm>>) target(%arg8 : memref<1568xi32, #tpu.memory_space<vmem>>) target_semaphore(%run_scoped3A : memref<!tpu.dma_semaphore, #tpu.memory_space<semaphore_mem>>)
      %dma_wait3A_32 = tpu.memref_slice %arg3[%add3A_4] : memref<100352xi32, #tpu.memory_space<hbm>> -> memref<1568xi32, #tpu.memory_space<hbm>>
      %dma_wait3A_33 = tpu.memref_slice %arg3[%add3A_4] : memref<100352xi32, #tpu.memory_space<hbm>> -> memref<1568xi32, #tpu.memory_space<hbm>>
      tpu.wait_dma2 semaphore(%run_scoped3A : memref<!tpu.dma_semaphore, #tpu.memory_space<semaphore_mem>>) src(%dma_wait3A_33 : memref<1568xi32, #tpu.memory_space<hbm>>) dst(%arg8 : memref<1568xi32, #tpu.memory_space<vmem>>)
      tpu.yield
    }) : () -> ()
    "tpu.region"() ({
      %run_scoped3A = tpu.sem_alloc : memref<!tpu.dma_semaphore, #tpu.memory_space<semaphore_mem>>
      %dma_start3A_30 = arith.constant 0 : i32
      %dma_start3A_31 = tpu.memref_slice %arg4[%add3A_4, %dma_start3A_30] : memref<100352x8xf32, #tpu.memory_space<hbm>> -> memref<1568x8xf32, #tpu.memory_space<hbm>>
      %dma_start3A_32 = arith.constant 0 : i32
      %dma_start3A_33 = tpu.memref_slice %arg4[%add3A_4, %dma_start3A_32] : memref<100352x8xf32, #tpu.memory_space<hbm>> -> memref<1568x8xf32, #tpu.memory_space<hbm>>
      tpu.enqueue_dma source(%dma_start3A_33 : memref<1568x8xf32, #tpu.memory_space<hbm>>) target(%arg10 : memref<1568x8xf32, #tpu.memory_space<vmem>>) target_semaphore(%run_scoped3A : memref<!tpu.dma_semaphore, #tpu.memory_space<semaphore_mem>>)
      %dma_wait3A_34 = arith.constant 0 : i32
      %dma_wait3A_35 = tpu.memref_slice %arg4[%add3A_4, %dma_wait3A_34] : memref<100352x8xf32, #tpu.memory_space<hbm>> -> memref<1568x8xf32, #tpu.memory_space<hbm>>
      %dma_wait3A_36 = arith.constant 0 : i32
      %dma_wait3A_37 = tpu.memref_slice %arg4[%add3A_4, %dma_wait3A_36] : memref<100352x8xf32, #tpu.memory_space<hbm>> -> memref<1568x8xf32, #tpu.memory_space<hbm>>
      tpu.wait_dma2 semaphore(%run_scoped3A : memref<!tpu.dma_semaphore, #tpu.memory_space<semaphore_mem>>) src(%dma_wait3A_37 : memref<1568x8xf32, #tpu.memory_space<hbm>>) dst(%arg10 : memref<1568x8xf32, #tpu.memory_space<vmem>>)
      tpu.yield
    }) : () -> ()
    %dma_start3A = arith.constant 0 : i32
    %dma_start3A_5 = arith.constant 0 : i32
    %dma_start3A_6 = tpu.memref_slice %arg2[%dma_start3A, %dma_start3A_5] : memref<6912x16xf32, #tpu.memory_space<hbm>> -> memref<6912x16xf32, #tpu.memory_space<hbm>>
    tpu.enqueue_indirect_dma source(%dma_start3A_6 : memref<6912x16xf32, #tpu.memory_space<hbm>>) target(%arg9 : memref<1568x16xf32, #tpu.memory_space<vmem>>) offsets(%arg8 : memref<1568xi32, #tpu.memory_space<vmem>>) semaphore(%arg13 : memref<!tpu.dma_semaphore, #tpu.memory_space<semaphore_mem>>)
    %dma_wait3A = arith.constant 0 : i32
    %dma_wait3A_7 = arith.constant 0 : i32
    %dma_wait3A_8 = tpu.memref_slice %arg2[%dma_wait3A, %dma_wait3A_7] : memref<6912x16xf32, #tpu.memory_space<hbm>> -> memref<6912x16xf32, #tpu.memory_space<hbm>>
    tpu.wait_indirect_dma semaphore(%arg13 : memref<!tpu.dma_semaphore, #tpu.memory_space<semaphore_mem>>) src(%dma_wait3A_8 : memref<6912x16xf32, #tpu.memory_space<hbm>>) dst(%arg9 : memref<1568x16xf32, #tpu.memory_space<vmem>>)
    %scan3A = arith.constant 0 : i32
    %scan3A_9 = arith.constant 0 : i32
    %scan3A_10 = arith.constant 98 : i32
    %scan3A_11 = arith.addi %scan3A_9, %scan3A_10 : i32
    %scan3A_12 = arith.constant 1 : i32
    scf.for %scan3A_30 = %scan3A_9 to %scan3A_11 step %scan3A_12  : i32 {
      %mul3A_31 = arith.constant 16 : i32
      %mul3A_32 = arith.muli %scan3A_30, %mul3A_31 : i32
      %add3A_33 = vector.broadcast %mul3A_32 : i32 to vector<16xi32>
      %add3A_34 = arith.addi %add3A_33, %iota3A : vector<16xi32>
      %broadcast_in_dim3A = arith.constant 0 : i32
      %broadcast_in_dim3A_35 = vector.broadcast %broadcast_in_dim3A : i32 to vector<16xi32>
      %gather3A = tpu.vector_load_idx %arg9[%add3A_34, %broadcast_in_dim3A_35] : memref<1568x16xf32, #tpu.memory_space<vmem>>[vector<16xi32>, vector<16xi32>], vector<16xf32>,
      %broadcast_in_dim3A_36 = arith.constant 1 : i32
      %broadcast_in_dim3A_37 = vector.broadcast %broadcast_in_dim3A_36 : i32 to vector<16xi32>
      %gather3A_38 = tpu.vector_load_idx %arg9[%add3A_34, %broadcast_in_dim3A_37] : memref<1568x16xf32, #tpu.memory_space<vmem>>[vector<16xi32>, vector<16xi32>], vector<16xf32>,
      %broadcast_in_dim3A_39 = arith.constant 2 : i32
      %broadcast_in_dim3A_40 = vector.broadcast %broadcast_in_dim3A_39 : i32 to vector<16xi32>
      %gather3A_41 = tpu.vector_load_idx %arg9[%add3A_34, %broadcast_in_dim3A_40] : memref<1568x16xf32, #tpu.memory_space<vmem>>[vector<16xi32>, vector<16xi32>], vector<16xf32>,
      %broadcast_in_dim3A_42 = arith.constant 3 : i32
      %broadcast_in_dim3A_43 = vector.broadcast %broadcast_in_dim3A_42 : i32 to vector<16xi32>
      %gather3A_44 = tpu.vector_load_idx %arg9[%add3A_34, %broadcast_in_dim3A_43] : memref<1568x16xf32, #tpu.memory_space<vmem>>[vector<16xi32>, vector<16xi32>], vector<16xf32>,
      %broadcast_in_dim3A_45 = arith.constant 4 : i32
      %broadcast_in_dim3A_46 = vector.broadcast %broadcast_in_dim3A_45 : i32 to vector<16xi32>
      %gather3A_47 = tpu.vector_load_idx %arg9[%add3A_34, %broadcast_in_dim3A_46] : memref<1568x16xf32, #tpu.memory_space<vmem>>[vector<16xi32>, vector<16xi32>], vector<16xf32>,
      %broadcast_in_dim3A_48 = arith.constant 5 : i32
      %broadcast_in_dim3A_49 = vector.broadcast %broadcast_in_dim3A_48 : i32 to vector<16xi32>
      %gather3A_50 = tpu.vector_load_idx %arg9[%add3A_34, %broadcast_in_dim3A_49] : memref<1568x16xf32, #tpu.memory_space<vmem>>[vector<16xi32>, vector<16xi32>], vector<16xf32>,
      %broadcast_in_dim3A_51 = arith.constant 6 : i32
      %broadcast_in_dim3A_52 = vector.broadcast %broadcast_in_dim3A_51 : i32 to vector<16xi32>
      %gather3A_53 = tpu.vector_load_idx %arg9[%add3A_34, %broadcast_in_dim3A_52] : memref<1568x16xf32, #tpu.memory_space<vmem>>[vector<16xi32>, vector<16xi32>], vector<16xf32>,
      %broadcast_in_dim3A_54 = arith.constant 7 : i32
      %broadcast_in_dim3A_55 = vector.broadcast %broadcast_in_dim3A_54 : i32 to vector<16xi32>
      %gather3A_56 = tpu.vector_load_idx %arg9[%add3A_34, %broadcast_in_dim3A_55] : memref<1568x16xf32, #tpu.memory_space<vmem>>[vector<16xi32>, vector<16xi32>], vector<16xf32>,
      %broadcast_in_dim3A_57 = arith.constant 8 : i32
      %broadcast_in_dim3A_58 = vector.broadcast %broadcast_in_dim3A_57 : i32 to vector<16xi32>
      %gather3A_59 = tpu.vector_load_idx %arg9[%add3A_34, %broadcast_in_dim3A_58] : memref<1568x16xf32, #tpu.memory_space<vmem>>[vector<16xi32>, vector<16xi32>], vector<16xf32>,
      %broadcast_in_dim3A_60 = arith.constant 9 : i32
      %broadcast_in_dim3A_61 = vector.broadcast %broadcast_in_dim3A_60 : i32 to vector<16xi32>
      %gather3A_62 = tpu.vector_load_idx %arg9[%add3A_34, %broadcast_in_dim3A_61] : memref<1568x16xf32, #tpu.memory_space<vmem>>[vector<16xi32>, vector<16xi32>], vector<16xf32>,
      %broadcast_in_dim3A_63 = arith.constant 10 : i32
      %broadcast_in_dim3A_64 = vector.broadcast %broadcast_in_dim3A_63 : i32 to vector<16xi32>
      %gather3A_65 = tpu.vector_load_idx %arg9[%add3A_34, %broadcast_in_dim3A_64] : memref<1568x16xf32, #tpu.memory_space<vmem>>[vector<16xi32>, vector<16xi32>], vector<16xf32>,
      %broadcast_in_dim3A_66 = arith.constant 11 : i32
      %broadcast_in_dim3A_67 = vector.broadcast %broadcast_in_dim3A_66 : i32 to vector<16xi32>
      %gather3A_68 = tpu.vector_load_idx %arg9[%add3A_34, %broadcast_in_dim3A_67] : memref<1568x16xf32, #tpu.memory_space<vmem>>[vector<16xi32>, vector<16xi32>], vector<16xf32>,
      %broadcast_in_dim3A_69 = arith.constant 12 : i32
      %broadcast_in_dim3A_70 = vector.broadcast %broadcast_in_dim3A_69 : i32 to vector<16xi32>
      %gather3A_71 = tpu.vector_load_idx %arg9[%add3A_34, %broadcast_in_dim3A_70] : memref<1568x16xf32, #tpu.memory_space<vmem>>[vector<16xi32>, vector<16xi32>], vector<16xf32>,
      %broadcast_in_dim3A_72 = arith.constant 13 : i32
      %broadcast_in_dim3A_73 = vector.broadcast %broadcast_in_dim3A_72 : i32 to vector<16xi32>
      %gather3A_74 = tpu.vector_load_idx %arg9[%add3A_34, %broadcast_in_dim3A_73] : memref<1568x16xf32, #tpu.memory_space<vmem>>[vector<16xi32>, vector<16xi32>], vector<16xf32>,
      %broadcast_in_dim3A_75 = arith.constant 14 : i32
      %broadcast_in_dim3A_76 = vector.broadcast %broadcast_in_dim3A_75 : i32 to vector<16xi32>
      %gather3A_77 = tpu.vector_load_idx %arg9[%add3A_34, %broadcast_in_dim3A_76] : memref<1568x16xf32, #tpu.memory_space<vmem>>[vector<16xi32>, vector<16xi32>], vector<16xf32>,
      %broadcast_in_dim3A_78 = arith.constant 15 : i32
      %broadcast_in_dim3A_79 = vector.broadcast %broadcast_in_dim3A_78 : i32 to vector<16xi32>
      %gather3A_80 = tpu.vector_load_idx %arg9[%add3A_34, %broadcast_in_dim3A_79] : memref<1568x16xf32, #tpu.memory_space<vmem>>[vector<16xi32>, vector<16xi32>], vector<16xf32>,
      %broadcast_in_dim3A_81 = arith.constant 0 : i32
      %broadcast_in_dim3A_82 = vector.broadcast %broadcast_in_dim3A_81 : i32 to vector<16xi32>
      %gather3A_83 = tpu.vector_load_idx %arg10[%add3A_34, %broadcast_in_dim3A_82] : memref<1568x8xf32, #tpu.memory_space<vmem>>[vector<16xi32>, vector<16xi32>], vector<16xf32>,
      %broadcast_in_dim3A_84 = arith.constant 1 : i32
      %broadcast_in_dim3A_85 = vector.broadcast %broadcast_in_dim3A_84 : i32 to vector<16xi32>
      %gather3A_86 = tpu.vector_load_idx %arg10[%add3A_34, %broadcast_in_dim3A_85] : memref<1568x8xf32, #tpu.memory_space<vmem>>[vector<16xi32>, vector<16xi32>], vector<16xf32>,
      %broadcast_in_dim3A_87 = arith.constant 2 : i32
      %broadcast_in_dim3A_88 = vector.broadcast %broadcast_in_dim3A_87 : i32 to vector<16xi32>
      %gather3A_89 = tpu.vector_load_idx %arg10[%add3A_34, %broadcast_in_dim3A_88] : memref<1568x8xf32, #tpu.memory_space<vmem>>[vector<16xi32>, vector<16xi32>], vector<16xf32>,
      %broadcast_in_dim3A_90 = arith.constant 3 : i32
      %broadcast_in_dim3A_91 = vector.broadcast %broadcast_in_dim3A_90 : i32 to vector<16xi32>
      %gather3A_92 = tpu.vector_load_idx %arg10[%add3A_34, %broadcast_in_dim3A_91] : memref<1568x8xf32, #tpu.memory_space<vmem>>[vector<16xi32>, vector<16xi32>], vector<16xf32>,
      %broadcast_in_dim3A_93 = arith.constant 4 : i32
      %broadcast_in_dim3A_94 = vector.broadcast %broadcast_in_dim3A_93 : i32 to vector<16xi32>
      %gather3A_95 = tpu.vector_load_idx %arg10[%add3A_34, %broadcast_in_dim3A_94] : memref<1568x8xf32, #tpu.memory_space<vmem>>[vector<16xi32>, vector<16xi32>], vector<16xf32>,
      %broadcast_in_dim3A_96 = arith.constant 5 : i32
      %broadcast_in_dim3A_97 = vector.broadcast %broadcast_in_dim3A_96 : i32 to vector<16xi32>
      %gather3A_98 = tpu.vector_load_idx %arg10[%add3A_34, %broadcast_in_dim3A_97] : memref<1568x8xf32, #tpu.memory_space<vmem>>[vector<16xi32>, vector<16xi32>], vector<16xf32>,
      %broadcast_in_dim3A_99 = arith.constant 6 : i32
      %broadcast_in_dim3A_100 = vector.broadcast %broadcast_in_dim3A_99 : i32 to vector<16xi32>
      %gather3A_101 = tpu.vector_load_idx %arg10[%add3A_34, %broadcast_in_dim3A_100] : memref<1568x8xf32, #tpu.memory_space<vmem>>[vector<16xi32>, vector<16xi32>], vector<16xf32>,
      %mul3A_102 = arith.mulf %gather3A_92, %gather3A_92 : vector<16xf32>
      %mul3A_103 = arith.mulf %gather3A_95, %gather3A_95 : vector<16xf32>
      %add3A_104 = arith.addf %mul3A_102, %mul3A_103 : vector<16xf32>
      %mul3A_105 = arith.mulf %gather3A_98, %gather3A_98 : vector<16xf32>
      %add3A_106 = arith.addf %add3A_104, %mul3A_105 : vector<16xf32>
      %mul3A_107 = arith.mulf %gather3A_101, %gather3A_101 : vector<16xf32>
      %add3A_108 = arith.addf %add3A_106, %mul3A_107 : vector<16xf32>
      %bitcast3A = vector.bitcast %add3A_108 : vector<16xf32> to vector<16xi32>
      %shift_right_logical3A = arith.constant 1 : i32
      %shift_right_logical3A_109 = vector.broadcast %shift_right_logical3A : i32 to vector<16xi32>
      %shift_right_logical3A_110 = arith.shrui %bitcast3A, %shift_right_logical3A_109 : vector<16xi32>
      %sub3A = arith.constant 1597463007 : i32
      %sub3A_111 = vector.broadcast %sub3A : i32 to vector<16xi32>
      %sub3A_112 = arith.subi %sub3A_111, %shift_right_logical3A_110 : vector<16xi32>
      %bitcast3A_113 = vector.bitcast %sub3A_112 : vector<16xi32> to vector<16xf32>
      %mul3A_114 = arith.constant 5.000000e-01 : f32
      %mul3A_115 = vector.broadcast %mul3A_114 : f32 to vector<16xf32>
      %mul3A_116 = arith.mulf %mul3A_115, %add3A_108 : vector<16xf32>
      %mul3A_117 = arith.mulf %mul3A_116, %bitcast3A_113 : vector<16xf32>
      %mul3A_118 = arith.mulf %mul3A_117, %bitcast3A_113 : vector<16xf32>
      %sub3A_119 = arith.constant 1.500000e+00 : f32
      %sub3A_120 = vector.broadcast %sub3A_119 : f32 to vector<16xf32>
      %sub3A_121 = arith.subf %sub3A_120, %mul3A_118 : vector<16xf32>
      %mul3A_122 = arith.mulf %bitcast3A_113, %sub3A_121 : vector<16xf32>
      %mul3A_123 = arith.constant 5.000000e-01 : f32
      %mul3A_124 = vector.broadcast %mul3A_123 : f32 to vector<16xf32>
      %mul3A_125 = arith.mulf %mul3A_124, %add3A_108 : vector<16xf32>
      %mul3A_126 = arith.mulf %mul3A_125, %mul3A_122 : vector<16xf32>
      %mul3A_127 = arith.mulf %mul3A_126, %mul3A_122 : vector<16xf32>
      %sub3A_128 = arith.constant 1.500000e+00 : f32
      %sub3A_129 = vector.broadcast %sub3A_128 : f32 to vector<16xf32>
      %sub3A_130 = arith.subf %sub3A_129, %mul3A_127 : vector<16xf32>
      %mul3A_131 = arith.mulf %mul3A_122, %sub3A_130 : vector<16xf32>
      %mul3A_132 = arith.constant 5.000000e-01 : f32
      %mul3A_133 = vector.broadcast %mul3A_132 : f32 to vector<16xf32>
      %mul3A_134 = arith.mulf %mul3A_133, %add3A_108 : vector<16xf32>
      %mul3A_135 = arith.mulf %mul3A_134, %mul3A_131 : vector<16xf32>
      %mul3A_136 = arith.mulf %mul3A_135, %mul3A_131 : vector<16xf32>
      %sub3A_137 = arith.constant 1.500000e+00 : f32
      %sub3A_138 = vector.broadcast %sub3A_137 : f32 to vector<16xf32>
      %sub3A_139 = arith.subf %sub3A_138, %mul3A_136 : vector<16xf32>
      %mul3A_140 = arith.mulf %mul3A_131, %sub3A_139 : vector<16xf32>
      %mul3A_141 = arith.mulf %gather3A_92, %mul3A_140 : vector<16xf32>
      %mul3A_142 = arith.mulf %gather3A_95, %mul3A_140 : vector<16xf32>
      %mul3A_143 = arith.mulf %gather3A_98, %mul3A_140 : vector<16xf32>
      %mul3A_144 = arith.mulf %gather3A_101, %mul3A_140 : vector<16xf32>
      %mul3A_145 = arith.mulf %mul3A_143, %mul3A_143 : vector<16xf32>
      %mul3A_146 = arith.mulf %mul3A_144, %mul3A_144 : vector<16xf32>
      %add3A_147 = arith.addf %mul3A_145, %mul3A_146 : vector<16xf32>
      %mul3A_148 = arith.constant 2.000000e+00 : f32
      %mul3A_149 = vector.broadcast %mul3A_148 : f32 to vector<16xf32>
      %mul3A_150 = arith.mulf %mul3A_149, %add3A_147 : vector<16xf32>
      %sub3A_151 = arith.constant 1.000000e+00 : f32
      %sub3A_152 = vector.broadcast %sub3A_151 : f32 to vector<16xf32>
      %sub3A_153 = arith.subf %sub3A_152, %mul3A_150 : vector<16xf32>
      %mul3A_154 = arith.mulf %mul3A_142, %mul3A_143 : vector<16xf32>
      %mul3A_155 = arith.mulf %mul3A_141, %mul3A_144 : vector<16xf32>
      %sub3A_156 = arith.subf %mul3A_154, %mul3A_155 : vector<16xf32>
      %mul3A_157 = arith.constant 2.000000e+00 : f32
      %mul3A_158 = vector.broadcast %mul3A_157 : f32 to vector<16xf32>
      %mul3A_159 = arith.mulf %mul3A_158, %sub3A_156 : vector<16xf32>
      %mul3A_160 = arith.mulf %mul3A_142, %mul3A_144 : vector<16xf32>
      %mul3A_161 = arith.mulf %mul3A_141, %mul3A_143 : vector<16xf32>
      %add3A_162 = arith.addf %mul3A_160, %mul3A_161 : vector<16xf32>
      %mul3A_163 = arith.constant 2.000000e+00 : f32
      %mul3A_164 = vector.broadcast %mul3A_163 : f32 to vector<16xf32>
      %mul3A_165 = arith.mulf %mul3A_164, %add3A_162 : vector<16xf32>
      %mul3A_166 = arith.mulf %mul3A_142, %mul3A_143 : vector<16xf32>
      %mul3A_167 = arith.mulf %mul3A_141, %mul3A_144 : vector<16xf32>
      %add3A_168 = arith.addf %mul3A_166, %mul3A_167 : vector<16xf32>
      %mul3A_169 = arith.constant 2.000000e+00 : f32
      %mul3A_170 = vector.broadcast %mul3A_169 : f32 to vector<16xf32>
      %mul3A_171 = arith.mulf %mul3A_170, %add3A_168 : vector<16xf32>
      %mul3A_172 = arith.mulf %mul3A_142, %mul3A_142 : vector<16xf32>
      %mul3A_173 = arith.mulf %mul3A_144, %mul3A_144 : vector<16xf32>
      %add3A_174 = arith.addf %mul3A_172, %mul3A_173 : vector<16xf32>
      %mul3A_175 = arith.constant 2.000000e+00 : f32
      %mul3A_176 = vector.broadcast %mul3A_175 : f32 to vector<16xf32>
      %mul3A_177 = arith.mulf %mul3A_176, %add3A_174 : vector<16xf32>
      %sub3A_178 = arith.constant 1.000000e+00 : f32
      %sub3A_179 = vector.broadcast %sub3A_178 : f32 to vector<16xf32>
      %sub3A_180 = arith.subf %sub3A_179, %mul3A_177 : vector<16xf32>
      %mul3A_181 = arith.mulf %mul3A_143, %mul3A_144 : vector<16xf32>
      %mul3A_182 = arith.mulf %mul3A_141, %mul3A_142 : vector<16xf32>
      %sub3A_183 = arith.subf %mul3A_181, %mul3A_182 : vector<16xf32>
      %mul3A_184 = arith.constant 2.000000e+00 : f32
      %mul3A_185 = vector.broadcast %mul3A_184 : f32 to vector<16xf32>
      %mul3A_186 = arith.mulf %mul3A_185, %sub3A_183 : vector<16xf32>
      %mul3A_187 = arith.mulf %mul3A_142, %mul3A_144 : vector<16xf32>
      %mul3A_188 = arith.mulf %mul3A_141, %mul3A_143 : vector<16xf32>
      %sub3A_189 = arith.subf %mul3A_187, %mul3A_188 : vector<16xf32>
      %mul3A_190 = arith.constant 2.000000e+00 : f32
      %mul3A_191 = vector.broadcast %mul3A_190 : f32 to vector<16xf32>
      %mul3A_192 = arith.mulf %mul3A_191, %sub3A_189 : vector<16xf32>
      %mul3A_193 = arith.mulf %mul3A_143, %mul3A_144 : vector<16xf32>
      %mul3A_194 = arith.mulf %mul3A_141, %mul3A_142 : vector<16xf32>
      %add3A_195 = arith.addf %mul3A_193, %mul3A_194 : vector<16xf32>
      %mul3A_196 = arith.constant 2.000000e+00 : f32
      %mul3A_197 = vector.broadcast %mul3A_196 : f32 to vector<16xf32>
      %mul3A_198 = arith.mulf %mul3A_197, %add3A_195 : vector<16xf32>
      %mul3A_199 = arith.mulf %mul3A_142, %mul3A_142 : vector<16xf32>
      %mul3A_200 = arith.mulf %mul3A_143, %mul3A_143 : vector<16xf32>
      %add3A_201 = arith.addf %mul3A_199, %mul3A_200 : vector<16xf32>
      %mul3A_202 = arith.constant 2.000000e+00 : f32
      %mul3A_203 = vector.broadcast %mul3A_202 : f32 to vector<16xf32>
      %mul3A_204 = arith.mulf %mul3A_203, %add3A_201 : vector<16xf32>
      %sub3A_205 = arith.constant 1.000000e+00 : f32
      %sub3A_206 = vector.broadcast %sub3A_205 : f32 to vector<16xf32>
      %sub3A_207 = arith.subf %sub3A_206, %mul3A_204 : vector<16xf32>
      %mul3A_208 = arith.mulf %gather3A, %gather3A_83 : vector<16xf32>
      %mul3A_209 = arith.mulf %gather3A_38, %gather3A_86 : vector<16xf32>
      %add3A_210 = arith.addf %mul3A_208, %mul3A_209 : vector<16xf32>
      %mul3A_211 = arith.mulf %gather3A_41, %gather3A_89 : vector<16xf32>
      %add3A_212 = arith.addf %add3A_210, %mul3A_211 : vector<16xf32>
      %add3A_213 = arith.addf %add3A_212, %gather3A_44 : vector<16xf32>
      %broadcast_in_dim3A_214 = arith.constant 0 : i32
      %broadcast_in_dim3A_215 = vector.broadcast %broadcast_in_dim3A_214 : i32 to vector<16xi32>
      tpu.vector_store_idx %arg11[%add3A_34, %broadcast_in_dim3A_215], %add3A_213 : memref<1568x4xf32, #tpu.memory_space<vmem>>[vector<16xi32>, vector<16xi32>], vector<16xf32>,
      %mul3A_216 = arith.mulf %gather3A, %sub3A_153 : vector<16xf32>
      %mul3A_217 = arith.mulf %gather3A_38, %mul3A_171 : vector<16xf32>
      %add3A_218 = arith.addf %mul3A_216, %mul3A_217 : vector<16xf32>
      %mul3A_219 = arith.mulf %gather3A_41, %mul3A_192 : vector<16xf32>
      %add3A_220 = arith.addf %add3A_218, %mul3A_219 : vector<16xf32>
      %broadcast_in_dim3A_221 = arith.constant 0 : i32
      %broadcast_in_dim3A_222 = vector.broadcast %broadcast_in_dim3A_221 : i32 to vector<16xi32>
      tpu.vector_store_idx %arg12[%add3A_34, %broadcast_in_dim3A_222], %add3A_220 : memref<1568x9xf32, #tpu.memory_space<vmem>>[vector<16xi32>, vector<16xi32>], vector<16xf32>,
      %mul3A_223 = arith.mulf %gather3A, %mul3A_159 : vector<16xf32>
      %mul3A_224 = arith.mulf %gather3A_38, %sub3A_180 : vector<16xf32>
      %add3A_225 = arith.addf %mul3A_223, %mul3A_224 : vector<16xf32>
      %mul3A_226 = arith.mulf %gather3A_41, %mul3A_198 : vector<16xf32>
      %add3A_227 = arith.addf %add3A_225, %mul3A_226 : vector<16xf32>
      %broadcast_in_dim3A_228 = arith.constant 1 : i32
      %broadcast_in_dim3A_229 = vector.broadcast %broadcast_in_dim3A_228 : i32 to vector<16xi32>
      tpu.vector_store_idx %arg12[%add3A_34, %broadcast_in_dim3A_229], %add3A_227 : memref<1568x9xf32, #tpu.memory_space<vmem>>[vector<16xi32>, vector<16xi32>], vector<16xf32>,
      %mul3A_230 = arith.mulf %gather3A, %mul3A_165 : vector<16xf32>
      %mul3A_231 = arith.mulf %gather3A_38, %mul3A_186 : vector<16xf32>
      %add3A_232 = arith.addf %mul3A_230, %mul3A_231 : vector<16xf32>
      %mul3A_233 = arith.mulf %gather3A_41, %sub3A_207 : vector<16xf32>
      %add3A_234 = arith.addf %add3A_232, %mul3A_233 : vector<16xf32>
      %broadcast_in_dim3A_235 = arith.constant 2 : i32
      %broadcast_in_dim3A_236 = vector.broadcast %broadcast_in_dim3A_235 : i32 to vector<16xi32>
      tpu.vector_store_idx %arg12[%add3A_34, %broadcast_in_dim3A_236], %add3A_234 : memref<1568x9xf32, #tpu.memory_space<vmem>>[vector<16xi32>, vector<16xi32>], vector<16xf32>,
      %mul3A_237 = arith.mulf %gather3A_47, %gather3A_83 : vector<16xf32>
      %mul3A_238 = arith.mulf %gather3A_50, %gather3A_86 : vector<16xf32>
      %add3A_239 = arith.addf %mul3A_237, %mul3A_238 : vector<16xf32>
      %mul3A_240 = arith.mulf %gather3A_53, %gather3A_89 : vector<16xf32>
      %add3A_241 = arith.addf %add3A_239, %mul3A_240 : vector<16xf32>
      %add3A_242 = arith.addf %add3A_241, %gather3A_56 : vector<16xf32>
      %broadcast_in_dim3A_243 = arith.constant 1 : i32
      %broadcast_in_dim3A_244 = vector.broadcast %broadcast_in_dim3A_243 : i32 to vector<16xi32>
      tpu.vector_store_idx %arg11[%add3A_34, %broadcast_in_dim3A_244], %add3A_242 : memref<1568x4xf32, #tpu.memory_space<vmem>>[vector<16xi32>, vector<16xi32>], vector<16xf32>,
      %mul3A_245 = arith.mulf %gather3A_47, %sub3A_153 : vector<16xf32>
      %mul3A_246 = arith.mulf %gather3A_50, %mul3A_171 : vector<16xf32>
      %add3A_247 = arith.addf %mul3A_245, %mul3A_246 : vector<16xf32>
      %mul3A_248 = arith.mulf %gather3A_53, %mul3A_192 : vector<16xf32>
      %add3A_249 = arith.addf %add3A_247, %mul3A_248 : vector<16xf32>
      %broadcast_in_dim3A_250 = arith.constant 3 : i32
      %broadcast_in_dim3A_251 = vector.broadcast %broadcast_in_dim3A_250 : i32 to vector<16xi32>
      tpu.vector_store_idx %arg12[%add3A_34, %broadcast_in_dim3A_251], %add3A_249 : memref<1568x9xf32, #tpu.memory_space<vmem>>[vector<16xi32>, vector<16xi32>], vector<16xf32>,
      %mul3A_252 = arith.mulf %gather3A_47, %mul3A_159 : vector<16xf32>
      %mul3A_253 = arith.mulf %gather3A_50, %sub3A_180 : vector<16xf32>
      %add3A_254 = arith.addf %mul3A_252, %mul3A_253 : vector<16xf32>
      %mul3A_255 = arith.mulf %gather3A_53, %mul3A_198 : vector<16xf32>
      %add3A_256 = arith.addf %add3A_254, %mul3A_255 : vector<16xf32>
      %broadcast_in_dim3A_257 = arith.constant 4 : i32
      %broadcast_in_dim3A_258 = vector.broadcast %broadcast_in_dim3A_257 : i32 to vector<16xi32>
      tpu.vector_store_idx %arg12[%add3A_34, %broadcast_in_dim3A_258], %add3A_256 : memref<1568x9xf32, #tpu.memory_space<vmem>>[vector<16xi32>, vector<16xi32>], vector<16xf32>,
      %mul3A_259 = arith.mulf %gather3A_47, %mul3A_165 : vector<16xf32>
      %mul3A_260 = arith.mulf %gather3A_50, %mul3A_186 : vector<16xf32>
      %add3A_261 = arith.addf %mul3A_259, %mul3A_260 : vector<16xf32>
      %mul3A_262 = arith.mulf %gather3A_53, %sub3A_207 : vector<16xf32>
      %add3A_263 = arith.addf %add3A_261, %mul3A_262 : vector<16xf32>
      %broadcast_in_dim3A_264 = arith.constant 5 : i32
      %broadcast_in_dim3A_265 = vector.broadcast %broadcast_in_dim3A_264 : i32 to vector<16xi32>
      tpu.vector_store_idx %arg12[%add3A_34, %broadcast_in_dim3A_265], %add3A_263 : memref<1568x9xf32, #tpu.memory_space<vmem>>[vector<16xi32>, vector<16xi32>], vector<16xf32>,
      %mul3A_266 = arith.mulf %gather3A_59, %gather3A_83 : vector<16xf32>
      %mul3A_267 = arith.mulf %gather3A_62, %gather3A_86 : vector<16xf32>
      %add3A_268 = arith.addf %mul3A_266, %mul3A_267 : vector<16xf32>
      %mul3A_269 = arith.mulf %gather3A_65, %gather3A_89 : vector<16xf32>
      %add3A_270 = arith.addf %add3A_268, %mul3A_269 : vector<16xf32>
      %add3A_271 = arith.addf %add3A_270, %gather3A_68 : vector<16xf32>
      %broadcast_in_dim3A_272 = arith.constant 2 : i32
      %broadcast_in_dim3A_273 = vector.broadcast %broadcast_in_dim3A_272 : i32 to vector<16xi32>
      tpu.vector_store_idx %arg11[%add3A_34, %broadcast_in_dim3A_273], %add3A_271 : memref<1568x4xf32, #tpu.memory_space<vmem>>[vector<16xi32>, vector<16xi32>], vector<16xf32>,
      %mul3A_274 = arith.mulf %gather3A_59, %sub3A_153 : vector<16xf32>
      %mul3A_275 = arith.mulf %gather3A_62, %mul3A_171 : vector<16xf32>
      %add3A_276 = arith.addf %mul3A_274, %mul3A_275 : vector<16xf32>
      %mul3A_277 = arith.mulf %gather3A_65, %mul3A_192 : vector<16xf32>
      %add3A_278 = arith.addf %add3A_276, %mul3A_277 : vector<16xf32>
      %broadcast_in_dim3A_279 = arith.constant 6 : i32
      %broadcast_in_dim3A_280 = vector.broadcast %broadcast_in_dim3A_279 : i32 to vector<16xi32>
      tpu.vector_store_idx %arg12[%add3A_34, %broadcast_in_dim3A_280], %add3A_278 : memref<1568x9xf32, #tpu.memory_space<vmem>>[vector<16xi32>, vector<16xi32>], vector<16xf32>,
      %mul3A_281 = arith.mulf %gather3A_59, %mul3A_159 : vector<16xf32>
      %mul3A_282 = arith.mulf %gather3A_62, %sub3A_180 : vector<16xf32>
      %add3A_283 = arith.addf %mul3A_281, %mul3A_282 : vector<16xf32>
      %mul3A_284 = arith.mulf %gather3A_65, %mul3A_198 : vector<16xf32>
      %add3A_285 = arith.addf %add3A_283, %mul3A_284 : vector<16xf32>
      %broadcast_in_dim3A_286 = arith.constant 7 : i32
      %broadcast_in_dim3A_287 = vector.broadcast %broadcast_in_dim3A_286 : i32 to vector<16xi32>
      tpu.vector_store_idx %arg12[%add3A_34, %broadcast_in_dim3A_287], %add3A_285 : memref<1568x9xf32, #tpu.memory_space<vmem>>[vector<16xi32>, vector<16xi32>], vector<16xf32>,
      %mul3A_288 = arith.mulf %gather3A_59, %mul3A_165 : vector<16xf32>
      %mul3A_289 = arith.mulf %gather3A_62, %mul3A_186 : vector<16xf32>
      %add3A_290 = arith.addf %mul3A_288, %mul3A_289 : vector<16xf32>
      %mul3A_291 = arith.mulf %gather3A_65, %sub3A_207 : vector<16xf32>
      %add3A_292 = arith.addf %add3A_290, %mul3A_291 : vector<16xf32>
      %broadcast_in_dim3A_293 = arith.constant 8 : i32
      %broadcast_in_dim3A_294 = vector.broadcast %broadcast_in_dim3A_293 : i32 to vector<16xi32>
      tpu.vector_store_idx %arg12[%add3A_34, %broadcast_in_dim3A_294], %add3A_292 : memref<1568x9xf32, #tpu.memory_space<vmem>>[vector<16xi32>, vector<16xi32>], vector<16xf32>,
    }
    %scan3A_13 = arith.constant 98 : i32
    "tpu.region"() ({
      %run_scoped3A = tpu.sem_alloc : memref<!tpu.dma_semaphore, #tpu.memory_space<semaphore_mem>>
      %dma_start3A_30 = arith.constant 0 : i32
      %dma_start3A_31 = tpu.memref_slice %arg5[%add3A_4, %dma_start3A_30] : memref<100352x16xf32, #tpu.memory_space<hbm>> -> memref<1568x16xf32, #tpu.memory_space<hbm>>
      %dma_start3A_32 = arith.constant 0 : i32
      %dma_start3A_33 = tpu.memref_slice %arg5[%add3A_4, %dma_start3A_32] : memref<100352x16xf32, #tpu.memory_space<hbm>> -> memref<1568x16xf32, #tpu.memory_space<hbm>>
      tpu.enqueue_dma source(%arg9 : memref<1568x16xf32, #tpu.memory_space<vmem>>) target(%dma_start3A_33 : memref<1568x16xf32, #tpu.memory_space<hbm>>) target_semaphore(%run_scoped3A : memref<!tpu.dma_semaphore, #tpu.memory_space<semaphore_mem>>)
      %dma_wait3A_34 = arith.constant 0 : i32
      %dma_wait3A_35 = tpu.memref_slice %arg5[%add3A_4, %dma_wait3A_34] : memref<100352x16xf32, #tpu.memory_space<hbm>> -> memref<1568x16xf32, #tpu.memory_space<hbm>>
      %dma_wait3A_36 = arith.constant 0 : i32
      %dma_wait3A_37 = tpu.memref_slice %arg5[%add3A_4, %dma_wait3A_36] : memref<100352x16xf32, #tpu.memory_space<hbm>> -> memref<1568x16xf32, #tpu.memory_space<hbm>>
      tpu.wait_dma2 semaphore(%run_scoped3A : memref<!tpu.dma_semaphore, #tpu.memory_space<semaphore_mem>>) src(%arg9 : memref<1568x16xf32, #tpu.memory_space<vmem>>) dst(%dma_wait3A_37 : memref<1568x16xf32, #tpu.memory_space<hbm>>)
      tpu.yield
    }) : () -> ()
    "tpu.region"() ({
      %run_scoped3A = tpu.sem_alloc : memref<!tpu.dma_semaphore, #tpu.memory_space<semaphore_mem>>
      %dma_start3A_30 = arith.constant 0 : i32
      %dma_start3A_31 = tpu.memref_slice %arg6[%add3A_4, %dma_start3A_30] : memref<100352x4xf32, #tpu.memory_space<hbm>> -> memref<1568x4xf32, #tpu.memory_space<hbm>>
      %dma_start3A_32 = arith.constant 0 : i32
      %dma_start3A_33 = tpu.memref_slice %arg6[%add3A_4, %dma_start3A_32] : memref<100352x4xf32, #tpu.memory_space<hbm>> -> memref<1568x4xf32, #tpu.memory_space<hbm>>
      tpu.enqueue_dma source(%arg11 : memref<1568x4xf32, #tpu.memory_space<vmem>>) target(%dma_start3A_33 : memref<1568x4xf32, #tpu.memory_space<hbm>>) target_semaphore(%run_scoped3A : memref<!tpu.dma_semaphore, #tpu.memory_space<semaphore_mem>>)
      %dma_wait3A_34 = arith.constant 0 : i32
      %dma_wait3A_35 = tpu.memref_slice %arg6[%add3A_4, %dma_wait3A_34] : memref<100352x4xf32, #tpu.memory_space<hbm>> -> memref<1568x4xf32, #tpu.memory_space<hbm>>
      %dma_wait3A_36 = arith.constant 0 : i32
      %dma_wait3A_37 = tpu.memref_slice %arg6[%add3A_4, %dma_wait3A_36] : memref<100352x4xf32, #tpu.memory_space<hbm>> -> memref<1568x4xf32, #tpu.memory_space<hbm>>
      tpu.wait_dma2 semaphore(%run_scoped3A : memref<!tpu.dma_semaphore, #tpu.memory_space<semaphore_mem>>) src(%arg11 : memref<1568x4xf32, #tpu.memory_space<vmem>>) dst(%dma_wait3A_37 : memref<1568x4xf32, #tpu.memory_space<hbm>>)
      tpu.yield
    }) : () -> ()
    "tpu.region"() ({
      %run_scoped3A = tpu.sem_alloc : memref<!tpu.dma_semaphore, #tpu.memory_space<semaphore_mem>>
      %dma_start3A_30 = arith.constant 0 : i32
      %dma_start3A_31 = tpu.memref_slice %arg7[%add3A_4, %dma_start3A_30] : memref<100352x9xf32, #tpu.memory_space<hbm>> -> memref<1568x9xf32, #tpu.memory_space<hbm>>
      %dma_start3A_32 = arith.constant 0 : i32
      %dma_start3A_33 = tpu.memref_slice %arg7[%add3A_4, %dma_start3A_32] : memref<100352x9xf32, #tpu.memory_space<hbm>> -> memref<1568x9xf32, #tpu.memory_space<hbm>>
      tpu.enqueue_dma source(%arg12 : memref<1568x9xf32, #tpu.memory_space<vmem>>) target(%dma_start3A_33 : memref<1568x9xf32, #tpu.memory_space<hbm>>) target_semaphore(%run_scoped3A : memref<!tpu.dma_semaphore, #tpu.memory_space<semaphore_mem>>)
      %dma_wait3A_34 = arith.constant 0 : i32
      %dma_wait3A_35 = tpu.memref_slice %arg7[%add3A_4, %dma_wait3A_34] : memref<100352x9xf32, #tpu.memory_space<hbm>> -> memref<1568x9xf32, #tpu.memory_space<hbm>>
      %dma_wait3A_36 = arith.constant 0 : i32
      %dma_wait3A_37 = tpu.memref_slice %arg7[%add3A_4, %dma_wait3A_36] : memref<100352x9xf32, #tpu.memory_space<hbm>> -> memref<1568x9xf32, #tpu.memory_space<hbm>>
      tpu.wait_dma2 semaphore(%run_scoped3A : memref<!tpu.dma_semaphore, #tpu.memory_space<semaphore_mem>>) src(%arg12 : memref<1568x9xf32, #tpu.memory_space<vmem>>) dst(%dma_wait3A_37 : memref<1568x9xf32, #tpu.memory_space<hbm>>)
      tpu.yield
    }) : () -> ()
    %mul3A_14 = arith.constant 3136 : i32
    %mul3A_15 = arith.muli %add3A, %mul3A_14 : i32
    %add3A_16 = arith.constant 1568 : i32
    %add3A_17 = arith.addi %mul3A_15, %add3A_16 : i32
    "tpu.region"() ({
      %run_scoped3A = tpu.sem_alloc : memref<!tpu.dma_semaphore, #tpu.memory_space<semaphore_mem>>
      %dma_start3A_30 = tpu.memref_slice %arg3[%add3A_17] : memref<100352xi32, #tpu.memory_space<hbm>> -> memref<1568xi32, #tpu.memory_space<hbm>>
      %dma_start3A_31 = tpu.memref_slice %arg3[%add3A_17] : memref<100352xi32, #tpu.memory_space<hbm>> -> memref<1568xi32, #tpu.memory_space<hbm>>
      tpu.enqueue_dma source(%dma_start3A_31 : memref<1568xi32, #tpu.memory_space<hbm>>) target(%arg8 : memref<1568xi32, #tpu.memory_space<vmem>>) target_semaphore(%run_scoped3A : memref<!tpu.dma_semaphore, #tpu.memory_space<semaphore_mem>>)
      %dma_wait3A_32 = tpu.memref_slice %arg3[%add3A_17] : memref<100352xi32, #tpu.memory_space<hbm>> -> memref<1568xi32, #tpu.memory_space<hbm>>
      %dma_wait3A_33 = tpu.memref_slice %arg3[%add3A_17] : memref<100352xi32, #tpu.memory_space<hbm>> -> memref<1568xi32, #tpu.memory_space<hbm>>
      tpu.wait_dma2 semaphore(%run_scoped3A : memref<!tpu.dma_semaphore, #tpu.memory_space<semaphore_mem>>) src(%dma_wait3A_33 : memref<1568xi32, #tpu.memory_space<hbm>>) dst(%arg8 : memref<1568xi32, #tpu.memory_space<vmem>>)
      tpu.yield
    }) : () -> ()
    "tpu.region"() ({
      %run_scoped3A = tpu.sem_alloc : memref<!tpu.dma_semaphore, #tpu.memory_space<semaphore_mem>>
      %dma_start3A_30 = arith.constant 0 : i32
      %dma_start3A_31 = tpu.memref_slice %arg4[%add3A_17, %dma_start3A_30] : memref<100352x8xf32, #tpu.memory_space<hbm>> -> memref<1568x8xf32, #tpu.memory_space<hbm>>
      %dma_start3A_32 = arith.constant 0 : i32
      %dma_start3A_33 = tpu.memref_slice %arg4[%add3A_17, %dma_start3A_32] : memref<100352x8xf32, #tpu.memory_space<hbm>> -> memref<1568x8xf32, #tpu.memory_space<hbm>>
      tpu.enqueue_dma source(%dma_start3A_33 : memref<1568x8xf32, #tpu.memory_space<hbm>>) target(%arg10 : memref<1568x8xf32, #tpu.memory_space<vmem>>) target_semaphore(%run_scoped3A : memref<!tpu.dma_semaphore, #tpu.memory_space<semaphore_mem>>)
      %dma_wait3A_34 = arith.constant 0 : i32
      %dma_wait3A_35 = tpu.memref_slice %arg4[%add3A_17, %dma_wait3A_34] : memref<100352x8xf32, #tpu.memory_space<hbm>> -> memref<1568x8xf32, #tpu.memory_space<hbm>>
      %dma_wait3A_36 = arith.constant 0 : i32
      %dma_wait3A_37 = tpu.memref_slice %arg4[%add3A_17, %dma_wait3A_36] : memref<100352x8xf32, #tpu.memory_space<hbm>> -> memref<1568x8xf32, #tpu.memory_space<hbm>>
      tpu.wait_dma2 semaphore(%run_scoped3A : memref<!tpu.dma_semaphore, #tpu.memory_space<semaphore_mem>>) src(%dma_wait3A_37 : memref<1568x8xf32, #tpu.memory_space<hbm>>) dst(%arg10 : memref<1568x8xf32, #tpu.memory_space<vmem>>)
      tpu.yield
    }) : () -> ()
    %dma_start3A_18 = arith.constant 0 : i32
    %dma_start3A_19 = arith.constant 0 : i32
    %dma_start3A_20 = tpu.memref_slice %arg2[%dma_start3A_18, %dma_start3A_19] : memref<6912x16xf32, #tpu.memory_space<hbm>> -> memref<6912x16xf32, #tpu.memory_space<hbm>>
    tpu.enqueue_indirect_dma source(%dma_start3A_20 : memref<6912x16xf32, #tpu.memory_space<hbm>>) target(%arg9 : memref<1568x16xf32, #tpu.memory_space<vmem>>) offsets(%arg8 : memref<1568xi32, #tpu.memory_space<vmem>>) semaphore(%arg13 : memref<!tpu.dma_semaphore, #tpu.memory_space<semaphore_mem>>)
    %dma_wait3A_21 = arith.constant 0 : i32
    %dma_wait3A_22 = arith.constant 0 : i32
    %dma_wait3A_23 = tpu.memref_slice %arg2[%dma_wait3A_21, %dma_wait3A_22] : memref<6912x16xf32, #tpu.memory_space<hbm>> -> memref<6912x16xf32, #tpu.memory_space<hbm>>
    tpu.wait_indirect_dma semaphore(%arg13 : memref<!tpu.dma_semaphore, #tpu.memory_space<semaphore_mem>>) src(%dma_wait3A_23 : memref<6912x16xf32, #tpu.memory_space<hbm>>) dst(%arg9 : memref<1568x16xf32, #tpu.memory_space<vmem>>)
    %scan3A_24 = arith.constant 0 : i32
    %scan3A_25 = arith.constant 0 : i32
    %scan3A_26 = arith.constant 98 : i32
    %scan3A_27 = arith.addi %scan3A_25, %scan3A_26 : i32
    %scan3A_28 = arith.constant 1 : i32
    scf.for %scan3A_30 = %scan3A_25 to %scan3A_27 step %scan3A_28  : i32 {
      %mul3A_31 = arith.constant 16 : i32
      %mul3A_32 = arith.muli %scan3A_30, %mul3A_31 : i32
      %add3A_33 = vector.broadcast %mul3A_32 : i32 to vector<16xi32>
      %add3A_34 = arith.addi %add3A_33, %iota3A : vector<16xi32>
      %broadcast_in_dim3A = arith.constant 0 : i32
      %broadcast_in_dim3A_35 = vector.broadcast %broadcast_in_dim3A : i32 to vector<16xi32>
      %gather3A = tpu.vector_load_idx %arg9[%add3A_34, %broadcast_in_dim3A_35] : memref<1568x16xf32, #tpu.memory_space<vmem>>[vector<16xi32>, vector<16xi32>], vector<16xf32>,
      %broadcast_in_dim3A_36 = arith.constant 1 : i32
      %broadcast_in_dim3A_37 = vector.broadcast %broadcast_in_dim3A_36 : i32 to vector<16xi32>
      %gather3A_38 = tpu.vector_load_idx %arg9[%add3A_34, %broadcast_in_dim3A_37] : memref<1568x16xf32, #tpu.memory_space<vmem>>[vector<16xi32>, vector<16xi32>], vector<16xf32>,
      %broadcast_in_dim3A_39 = arith.constant 2 : i32
      %broadcast_in_dim3A_40 = vector.broadcast %broadcast_in_dim3A_39 : i32 to vector<16xi32>
      %gather3A_41 = tpu.vector_load_idx %arg9[%add3A_34, %broadcast_in_dim3A_40] : memref<1568x16xf32, #tpu.memory_space<vmem>>[vector<16xi32>, vector<16xi32>], vector<16xf32>,
      %broadcast_in_dim3A_42 = arith.constant 3 : i32
      %broadcast_in_dim3A_43 = vector.broadcast %broadcast_in_dim3A_42 : i32 to vector<16xi32>
      %gather3A_44 = tpu.vector_load_idx %arg9[%add3A_34, %broadcast_in_dim3A_43] : memref<1568x16xf32, #tpu.memory_space<vmem>>[vector<16xi32>, vector<16xi32>], vector<16xf32>,
      %broadcast_in_dim3A_45 = arith.constant 4 : i32
      %broadcast_in_dim3A_46 = vector.broadcast %broadcast_in_dim3A_45 : i32 to vector<16xi32>
      %gather3A_47 = tpu.vector_load_idx %arg9[%add3A_34, %broadcast_in_dim3A_46] : memref<1568x16xf32, #tpu.memory_space<vmem>>[vector<16xi32>, vector<16xi32>], vector<16xf32>,
      %broadcast_in_dim3A_48 = arith.constant 5 : i32
      %broadcast_in_dim3A_49 = vector.broadcast %broadcast_in_dim3A_48 : i32 to vector<16xi32>
      %gather3A_50 = tpu.vector_load_idx %arg9[%add3A_34, %broadcast_in_dim3A_49] : memref<1568x16xf32, #tpu.memory_space<vmem>>[vector<16xi32>, vector<16xi32>], vector<16xf32>,
      %broadcast_in_dim3A_51 = arith.constant 6 : i32
      %broadcast_in_dim3A_52 = vector.broadcast %broadcast_in_dim3A_51 : i32 to vector<16xi32>
      %gather3A_53 = tpu.vector_load_idx %arg9[%add3A_34, %broadcast_in_dim3A_52] : memref<1568x16xf32, #tpu.memory_space<vmem>>[vector<16xi32>, vector<16xi32>], vector<16xf32>,
      %broadcast_in_dim3A_54 = arith.constant 7 : i32
      %broadcast_in_dim3A_55 = vector.broadcast %broadcast_in_dim3A_54 : i32 to vector<16xi32>
      %gather3A_56 = tpu.vector_load_idx %arg9[%add3A_34, %broadcast_in_dim3A_55] : memref<1568x16xf32, #tpu.memory_space<vmem>>[vector<16xi32>, vector<16xi32>], vector<16xf32>,
      %broadcast_in_dim3A_57 = arith.constant 8 : i32
      %broadcast_in_dim3A_58 = vector.broadcast %broadcast_in_dim3A_57 : i32 to vector<16xi32>
      %gather3A_59 = tpu.vector_load_idx %arg9[%add3A_34, %broadcast_in_dim3A_58] : memref<1568x16xf32, #tpu.memory_space<vmem>>[vector<16xi32>, vector<16xi32>], vector<16xf32>,
      %broadcast_in_dim3A_60 = arith.constant 9 : i32
      %broadcast_in_dim3A_61 = vector.broadcast %broadcast_in_dim3A_60 : i32 to vector<16xi32>
      %gather3A_62 = tpu.vector_load_idx %arg9[%add3A_34, %broadcast_in_dim3A_61] : memref<1568x16xf32, #tpu.memory_space<vmem>>[vector<16xi32>, vector<16xi32>], vector<16xf32>,
      %broadcast_in_dim3A_63 = arith.constant 10 : i32
      %broadcast_in_dim3A_64 = vector.broadcast %broadcast_in_dim3A_63 : i32 to vector<16xi32>
      %gather3A_65 = tpu.vector_load_idx %arg9[%add3A_34, %broadcast_in_dim3A_64] : memref<1568x16xf32, #tpu.memory_space<vmem>>[vector<16xi32>, vector<16xi32>], vector<16xf32>,
      %broadcast_in_dim3A_66 = arith.constant 11 : i32
      %broadcast_in_dim3A_67 = vector.broadcast %broadcast_in_dim3A_66 : i32 to vector<16xi32>
      %gather3A_68 = tpu.vector_load_idx %arg9[%add3A_34, %broadcast_in_dim3A_67] : memref<1568x16xf32, #tpu.memory_space<vmem>>[vector<16xi32>, vector<16xi32>], vector<16xf32>,
      %broadcast_in_dim3A_69 = arith.constant 12 : i32
      %broadcast_in_dim3A_70 = vector.broadcast %broadcast_in_dim3A_69 : i32 to vector<16xi32>
      %gather3A_71 = tpu.vector_load_idx %arg9[%add3A_34, %broadcast_in_dim3A_70] : memref<1568x16xf32, #tpu.memory_space<vmem>>[vector<16xi32>, vector<16xi32>], vector<16xf32>,
      %broadcast_in_dim3A_72 = arith.constant 13 : i32
      %broadcast_in_dim3A_73 = vector.broadcast %broadcast_in_dim3A_72 : i32 to vector<16xi32>
      %gather3A_74 = tpu.vector_load_idx %arg9[%add3A_34, %broadcast_in_dim3A_73] : memref<1568x16xf32, #tpu.memory_space<vmem>>[vector<16xi32>, vector<16xi32>], vector<16xf32>,
      %broadcast_in_dim3A_75 = arith.constant 14 : i32
      %broadcast_in_dim3A_76 = vector.broadcast %broadcast_in_dim3A_75 : i32 to vector<16xi32>
      %gather3A_77 = tpu.vector_load_idx %arg9[%add3A_34, %broadcast_in_dim3A_76] : memref<1568x16xf32, #tpu.memory_space<vmem>>[vector<16xi32>, vector<16xi32>], vector<16xf32>,
      %broadcast_in_dim3A_78 = arith.constant 15 : i32
      %broadcast_in_dim3A_79 = vector.broadcast %broadcast_in_dim3A_78 : i32 to vector<16xi32>
      %gather3A_80 = tpu.vector_load_idx %arg9[%add3A_34, %broadcast_in_dim3A_79] : memref<1568x16xf32, #tpu.memory_space<vmem>>[vector<16xi32>, vector<16xi32>], vector<16xf32>,
      %broadcast_in_dim3A_81 = arith.constant 0 : i32
      %broadcast_in_dim3A_82 = vector.broadcast %broadcast_in_dim3A_81 : i32 to vector<16xi32>
      %gather3A_83 = tpu.vector_load_idx %arg10[%add3A_34, %broadcast_in_dim3A_82] : memref<1568x8xf32, #tpu.memory_space<vmem>>[vector<16xi32>, vector<16xi32>], vector<16xf32>,
      %broadcast_in_dim3A_84 = arith.constant 1 : i32
      %broadcast_in_dim3A_85 = vector.broadcast %broadcast_in_dim3A_84 : i32 to vector<16xi32>
      %gather3A_86 = tpu.vector_load_idx %arg10[%add3A_34, %broadcast_in_dim3A_85] : memref<1568x8xf32, #tpu.memory_space<vmem>>[vector<16xi32>, vector<16xi32>], vector<16xf32>,
      %broadcast_in_dim3A_87 = arith.constant 2 : i32
      %broadcast_in_dim3A_88 = vector.broadcast %broadcast_in_dim3A_87 : i32 to vector<16xi32>
      %gather3A_89 = tpu.vector_load_idx %arg10[%add3A_34, %broadcast_in_dim3A_88] : memref<1568x8xf32, #tpu.memory_space<vmem>>[vector<16xi32>, vector<16xi32>], vector<16xf32>,
      %broadcast_in_dim3A_90 = arith.constant 3 : i32
      %broadcast_in_dim3A_91 = vector.broadcast %broadcast_in_dim3A_90 : i32 to vector<16xi32>
      %gather3A_92 = tpu.vector_load_idx %arg10[%add3A_34, %broadcast_in_dim3A_91] : memref<1568x8xf32, #tpu.memory_space<vmem>>[vector<16xi32>, vector<16xi32>], vector<16xf32>,
      %broadcast_in_dim3A_93 = arith.constant 4 : i32
      %broadcast_in_dim3A_94 = vector.broadcast %broadcast_in_dim3A_93 : i32 to vector<16xi32>
      %gather3A_95 = tpu.vector_load_idx %arg10[%add3A_34, %broadcast_in_dim3A_94] : memref<1568x8xf32, #tpu.memory_space<vmem>>[vector<16xi32>, vector<16xi32>], vector<16xf32>,
      %broadcast_in_dim3A_96 = arith.constant 5 : i32
      %broadcast_in_dim3A_97 = vector.broadcast %broadcast_in_dim3A_96 : i32 to vector<16xi32>
      %gather3A_98 = tpu.vector_load_idx %arg10[%add3A_34, %broadcast_in_dim3A_97] : memref<1568x8xf32, #tpu.memory_space<vmem>>[vector<16xi32>, vector<16xi32>], vector<16xf32>,
      %broadcast_in_dim3A_99 = arith.constant 6 : i32
      %broadcast_in_dim3A_100 = vector.broadcast %broadcast_in_dim3A_99 : i32 to vector<16xi32>
      %gather3A_101 = tpu.vector_load_idx %arg10[%add3A_34, %broadcast_in_dim3A_100] : memref<1568x8xf32, #tpu.memory_space<vmem>>[vector<16xi32>, vector<16xi32>], vector<16xf32>,
      %mul3A_102 = arith.mulf %gather3A_92, %gather3A_92 : vector<16xf32>
      %mul3A_103 = arith.mulf %gather3A_95, %gather3A_95 : vector<16xf32>
      %add3A_104 = arith.addf %mul3A_102, %mul3A_103 : vector<16xf32>
      %mul3A_105 = arith.mulf %gather3A_98, %gather3A_98 : vector<16xf32>
      %add3A_106 = arith.addf %add3A_104, %mul3A_105 : vector<16xf32>
      %mul3A_107 = arith.mulf %gather3A_101, %gather3A_101 : vector<16xf32>
      %add3A_108 = arith.addf %add3A_106, %mul3A_107 : vector<16xf32>
      %bitcast3A = vector.bitcast %add3A_108 : vector<16xf32> to vector<16xi32>
      %shift_right_logical3A = arith.constant 1 : i32
      %shift_right_logical3A_109 = vector.broadcast %shift_right_logical3A : i32 to vector<16xi32>
      %shift_right_logical3A_110 = arith.shrui %bitcast3A, %shift_right_logical3A_109 : vector<16xi32>
      %sub3A = arith.constant 1597463007 : i32
      %sub3A_111 = vector.broadcast %sub3A : i32 to vector<16xi32>
      %sub3A_112 = arith.subi %sub3A_111, %shift_right_logical3A_110 : vector<16xi32>
      %bitcast3A_113 = vector.bitcast %sub3A_112 : vector<16xi32> to vector<16xf32>
      %mul3A_114 = arith.constant 5.000000e-01 : f32
      %mul3A_115 = vector.broadcast %mul3A_114 : f32 to vector<16xf32>
      %mul3A_116 = arith.mulf %mul3A_115, %add3A_108 : vector<16xf32>
      %mul3A_117 = arith.mulf %mul3A_116, %bitcast3A_113 : vector<16xf32>
      %mul3A_118 = arith.mulf %mul3A_117, %bitcast3A_113 : vector<16xf32>
      %sub3A_119 = arith.constant 1.500000e+00 : f32
      %sub3A_120 = vector.broadcast %sub3A_119 : f32 to vector<16xf32>
      %sub3A_121 = arith.subf %sub3A_120, %mul3A_118 : vector<16xf32>
      %mul3A_122 = arith.mulf %bitcast3A_113, %sub3A_121 : vector<16xf32>
      %mul3A_123 = arith.constant 5.000000e-01 : f32
      %mul3A_124 = vector.broadcast %mul3A_123 : f32 to vector<16xf32>
      %mul3A_125 = arith.mulf %mul3A_124, %add3A_108 : vector<16xf32>
      %mul3A_126 = arith.mulf %mul3A_125, %mul3A_122 : vector<16xf32>
      %mul3A_127 = arith.mulf %mul3A_126, %mul3A_122 : vector<16xf32>
      %sub3A_128 = arith.constant 1.500000e+00 : f32
      %sub3A_129 = vector.broadcast %sub3A_128 : f32 to vector<16xf32>
      %sub3A_130 = arith.subf %sub3A_129, %mul3A_127 : vector<16xf32>
      %mul3A_131 = arith.mulf %mul3A_122, %sub3A_130 : vector<16xf32>
      %mul3A_132 = arith.constant 5.000000e-01 : f32
      %mul3A_133 = vector.broadcast %mul3A_132 : f32 to vector<16xf32>
      %mul3A_134 = arith.mulf %mul3A_133, %add3A_108 : vector<16xf32>
      %mul3A_135 = arith.mulf %mul3A_134, %mul3A_131 : vector<16xf32>
      %mul3A_136 = arith.mulf %mul3A_135, %mul3A_131 : vector<16xf32>
      %sub3A_137 = arith.constant 1.500000e+00 : f32
      %sub3A_138 = vector.broadcast %sub3A_137 : f32 to vector<16xf32>
      %sub3A_139 = arith.subf %sub3A_138, %mul3A_136 : vector<16xf32>
      %mul3A_140 = arith.mulf %mul3A_131, %sub3A_139 : vector<16xf32>
      %mul3A_141 = arith.mulf %gather3A_92, %mul3A_140 : vector<16xf32>
      %mul3A_142 = arith.mulf %gather3A_95, %mul3A_140 : vector<16xf32>
      %mul3A_143 = arith.mulf %gather3A_98, %mul3A_140 : vector<16xf32>
      %mul3A_144 = arith.mulf %gather3A_101, %mul3A_140 : vector<16xf32>
      %mul3A_145 = arith.mulf %mul3A_143, %mul3A_143 : vector<16xf32>
      %mul3A_146 = arith.mulf %mul3A_144, %mul3A_144 : vector<16xf32>
      %add3A_147 = arith.addf %mul3A_145, %mul3A_146 : vector<16xf32>
      %mul3A_148 = arith.constant 2.000000e+00 : f32
      %mul3A_149 = vector.broadcast %mul3A_148 : f32 to vector<16xf32>
      %mul3A_150 = arith.mulf %mul3A_149, %add3A_147 : vector<16xf32>
      %sub3A_151 = arith.constant 1.000000e+00 : f32
      %sub3A_152 = vector.broadcast %sub3A_151 : f32 to vector<16xf32>
      %sub3A_153 = arith.subf %sub3A_152, %mul3A_150 : vector<16xf32>
      %mul3A_154 = arith.mulf %mul3A_142, %mul3A_143 : vector<16xf32>
      %mul3A_155 = arith.mulf %mul3A_141, %mul3A_144 : vector<16xf32>
      %sub3A_156 = arith.subf %mul3A_154, %mul3A_155 : vector<16xf32>
      %mul3A_157 = arith.constant 2.000000e+00 : f32
      %mul3A_158 = vector.broadcast %mul3A_157 : f32 to vector<16xf32>
      %mul3A_159 = arith.mulf %mul3A_158, %sub3A_156 : vector<16xf32>
      %mul3A_160 = arith.mulf %mul3A_142, %mul3A_144 : vector<16xf32>
      %mul3A_161 = arith.mulf %mul3A_141, %mul3A_143 : vector<16xf32>
      %add3A_162 = arith.addf %mul3A_160, %mul3A_161 : vector<16xf32>
      %mul3A_163 = arith.constant 2.000000e+00 : f32
      %mul3A_164 = vector.broadcast %mul3A_163 : f32 to vector<16xf32>
      %mul3A_165 = arith.mulf %mul3A_164, %add3A_162 : vector<16xf32>
      %mul3A_166 = arith.mulf %mul3A_142, %mul3A_143 : vector<16xf32>
      %mul3A_167 = arith.mulf %mul3A_141, %mul3A_144 : vector<16xf32>
      %add3A_168 = arith.addf %mul3A_166, %mul3A_167 : vector<16xf32>
      %mul3A_169 = arith.constant 2.000000e+00 : f32
      %mul3A_170 = vector.broadcast %mul3A_169 : f32 to vector<16xf32>
      %mul3A_171 = arith.mulf %mul3A_170, %add3A_168 : vector<16xf32>
      %mul3A_172 = arith.mulf %mul3A_142, %mul3A_142 : vector<16xf32>
      %mul3A_173 = arith.mulf %mul3A_144, %mul3A_144 : vector<16xf32>
      %add3A_174 = arith.addf %mul3A_172, %mul3A_173 : vector<16xf32>
      %mul3A_175 = arith.constant 2.000000e+00 : f32
      %mul3A_176 = vector.broadcast %mul3A_175 : f32 to vector<16xf32>
      %mul3A_177 = arith.mulf %mul3A_176, %add3A_174 : vector<16xf32>
      %sub3A_178 = arith.constant 1.000000e+00 : f32
      %sub3A_179 = vector.broadcast %sub3A_178 : f32 to vector<16xf32>
      %sub3A_180 = arith.subf %sub3A_179, %mul3A_177 : vector<16xf32>
      %mul3A_181 = arith.mulf %mul3A_143, %mul3A_144 : vector<16xf32>
      %mul3A_182 = arith.mulf %mul3A_141, %mul3A_142 : vector<16xf32>
      %sub3A_183 = arith.subf %mul3A_181, %mul3A_182 : vector<16xf32>
      %mul3A_184 = arith.constant 2.000000e+00 : f32
      %mul3A_185 = vector.broadcast %mul3A_184 : f32 to vector<16xf32>
      %mul3A_186 = arith.mulf %mul3A_185, %sub3A_183 : vector<16xf32>
      %mul3A_187 = arith.mulf %mul3A_142, %mul3A_144 : vector<16xf32>
      %mul3A_188 = arith.mulf %mul3A_141, %mul3A_143 : vector<16xf32>
      %sub3A_189 = arith.subf %mul3A_187, %mul3A_188 : vector<16xf32>
      %mul3A_190 = arith.constant 2.000000e+00 : f32
      %mul3A_191 = vector.broadcast %mul3A_190 : f32 to vector<16xf32>
      %mul3A_192 = arith.mulf %mul3A_191, %sub3A_189 : vector<16xf32>
      %mul3A_193 = arith.mulf %mul3A_143, %mul3A_144 : vector<16xf32>
      %mul3A_194 = arith.mulf %mul3A_141, %mul3A_142 : vector<16xf32>
      %add3A_195 = arith.addf %mul3A_193, %mul3A_194 : vector<16xf32>
      %mul3A_196 = arith.constant 2.000000e+00 : f32
      %mul3A_197 = vector.broadcast %mul3A_196 : f32 to vector<16xf32>
      %mul3A_198 = arith.mulf %mul3A_197, %add3A_195 : vector<16xf32>
      %mul3A_199 = arith.mulf %mul3A_142, %mul3A_142 : vector<16xf32>
      %mul3A_200 = arith.mulf %mul3A_143, %mul3A_143 : vector<16xf32>
      %add3A_201 = arith.addf %mul3A_199, %mul3A_200 : vector<16xf32>
      %mul3A_202 = arith.constant 2.000000e+00 : f32
      %mul3A_203 = vector.broadcast %mul3A_202 : f32 to vector<16xf32>
      %mul3A_204 = arith.mulf %mul3A_203, %add3A_201 : vector<16xf32>
      %sub3A_205 = arith.constant 1.000000e+00 : f32
      %sub3A_206 = vector.broadcast %sub3A_205 : f32 to vector<16xf32>
      %sub3A_207 = arith.subf %sub3A_206, %mul3A_204 : vector<16xf32>
      %mul3A_208 = arith.mulf %gather3A, %gather3A_83 : vector<16xf32>
      %mul3A_209 = arith.mulf %gather3A_38, %gather3A_86 : vector<16xf32>
      %add3A_210 = arith.addf %mul3A_208, %mul3A_209 : vector<16xf32>
      %mul3A_211 = arith.mulf %gather3A_41, %gather3A_89 : vector<16xf32>
      %add3A_212 = arith.addf %add3A_210, %mul3A_211 : vector<16xf32>
      %add3A_213 = arith.addf %add3A_212, %gather3A_44 : vector<16xf32>
      %broadcast_in_dim3A_214 = arith.constant 0 : i32
      %broadcast_in_dim3A_215 = vector.broadcast %broadcast_in_dim3A_214 : i32 to vector<16xi32>
      tpu.vector_store_idx %arg11[%add3A_34, %broadcast_in_dim3A_215], %add3A_213 : memref<1568x4xf32, #tpu.memory_space<vmem>>[vector<16xi32>, vector<16xi32>], vector<16xf32>,
      %mul3A_216 = arith.mulf %gather3A, %sub3A_153 : vector<16xf32>
      %mul3A_217 = arith.mulf %gather3A_38, %mul3A_171 : vector<16xf32>
      %add3A_218 = arith.addf %mul3A_216, %mul3A_217 : vector<16xf32>
      %mul3A_219 = arith.mulf %gather3A_41, %mul3A_192 : vector<16xf32>
      %add3A_220 = arith.addf %add3A_218, %mul3A_219 : vector<16xf32>
      %broadcast_in_dim3A_221 = arith.constant 0 : i32
      %broadcast_in_dim3A_222 = vector.broadcast %broadcast_in_dim3A_221 : i32 to vector<16xi32>
      tpu.vector_store_idx %arg12[%add3A_34, %broadcast_in_dim3A_222], %add3A_220 : memref<1568x9xf32, #tpu.memory_space<vmem>>[vector<16xi32>, vector<16xi32>], vector<16xf32>,
      %mul3A_223 = arith.mulf %gather3A, %mul3A_159 : vector<16xf32>
      %mul3A_224 = arith.mulf %gather3A_38, %sub3A_180 : vector<16xf32>
      %add3A_225 = arith.addf %mul3A_223, %mul3A_224 : vector<16xf32>
      %mul3A_226 = arith.mulf %gather3A_41, %mul3A_198 : vector<16xf32>
      %add3A_227 = arith.addf %add3A_225, %mul3A_226 : vector<16xf32>
      %broadcast_in_dim3A_228 = arith.constant 1 : i32
      %broadcast_in_dim3A_229 = vector.broadcast %broadcast_in_dim3A_228 : i32 to vector<16xi32>
      tpu.vector_store_idx %arg12[%add3A_34, %broadcast_in_dim3A_229], %add3A_227 : memref<1568x9xf32, #tpu.memory_space<vmem>>[vector<16xi32>, vector<16xi32>], vector<16xf32>,
      %mul3A_230 = arith.mulf %gather3A, %mul3A_165 : vector<16xf32>
      %mul3A_231 = arith.mulf %gather3A_38, %mul3A_186 : vector<16xf32>
      %add3A_232 = arith.addf %mul3A_230, %mul3A_231 : vector<16xf32>
      %mul3A_233 = arith.mulf %gather3A_41, %sub3A_207 : vector<16xf32>
      %add3A_234 = arith.addf %add3A_232, %mul3A_233 : vector<16xf32>
      %broadcast_in_dim3A_235 = arith.constant 2 : i32
      %broadcast_in_dim3A_236 = vector.broadcast %broadcast_in_dim3A_235 : i32 to vector<16xi32>
      tpu.vector_store_idx %arg12[%add3A_34, %broadcast_in_dim3A_236], %add3A_234 : memref<1568x9xf32, #tpu.memory_space<vmem>>[vector<16xi32>, vector<16xi32>], vector<16xf32>,
      %mul3A_237 = arith.mulf %gather3A_47, %gather3A_83 : vector<16xf32>
      %mul3A_238 = arith.mulf %gather3A_50, %gather3A_86 : vector<16xf32>
      %add3A_239 = arith.addf %mul3A_237, %mul3A_238 : vector<16xf32>
      %mul3A_240 = arith.mulf %gather3A_53, %gather3A_89 : vector<16xf32>
      %add3A_241 = arith.addf %add3A_239, %mul3A_240 : vector<16xf32>
      %add3A_242 = arith.addf %add3A_241, %gather3A_56 : vector<16xf32>
      %broadcast_in_dim3A_243 = arith.constant 1 : i32
      %broadcast_in_dim3A_244 = vector.broadcast %broadcast_in_dim3A_243 : i32 to vector<16xi32>
      tpu.vector_store_idx %arg11[%add3A_34, %broadcast_in_dim3A_244], %add3A_242 : memref<1568x4xf32, #tpu.memory_space<vmem>>[vector<16xi32>, vector<16xi32>], vector<16xf32>,
      %mul3A_245 = arith.mulf %gather3A_47, %sub3A_153 : vector<16xf32>
      %mul3A_246 = arith.mulf %gather3A_50, %mul3A_171 : vector<16xf32>
      %add3A_247 = arith.addf %mul3A_245, %mul3A_246 : vector<16xf32>
      %mul3A_248 = arith.mulf %gather3A_53, %mul3A_192 : vector<16xf32>
      %add3A_249 = arith.addf %add3A_247, %mul3A_248 : vector<16xf32>
      %broadcast_in_dim3A_250 = arith.constant 3 : i32
      %broadcast_in_dim3A_251 = vector.broadcast %broadcast_in_dim3A_250 : i32 to vector<16xi32>
      tpu.vector_store_idx %arg12[%add3A_34, %broadcast_in_dim3A_251], %add3A_249 : memref<1568x9xf32, #tpu.memory_space<vmem>>[vector<16xi32>, vector<16xi32>], vector<16xf32>,
      %mul3A_252 = arith.mulf %gather3A_47, %mul3A_159 : vector<16xf32>
      %mul3A_253 = arith.mulf %gather3A_50, %sub3A_180 : vector<16xf32>
      %add3A_254 = arith.addf %mul3A_252, %mul3A_253 : vector<16xf32>
      %mul3A_255 = arith.mulf %gather3A_53, %mul3A_198 : vector<16xf32>
      %add3A_256 = arith.addf %add3A_254, %mul3A_255 : vector<16xf32>
      %broadcast_in_dim3A_257 = arith.constant 4 : i32
      %broadcast_in_dim3A_258 = vector.broadcast %broadcast_in_dim3A_257 : i32 to vector<16xi32>
      tpu.vector_store_idx %arg12[%add3A_34, %broadcast_in_dim3A_258], %add3A_256 : memref<1568x9xf32, #tpu.memory_space<vmem>>[vector<16xi32>, vector<16xi32>], vector<16xf32>,
      %mul3A_259 = arith.mulf %gather3A_47, %mul3A_165 : vector<16xf32>
      %mul3A_260 = arith.mulf %gather3A_50, %mul3A_186 : vector<16xf32>
      %add3A_261 = arith.addf %mul3A_259, %mul3A_260 : vector<16xf32>
      %mul3A_262 = arith.mulf %gather3A_53, %sub3A_207 : vector<16xf32>
      %add3A_263 = arith.addf %add3A_261, %mul3A_262 : vector<16xf32>
      %broadcast_in_dim3A_264 = arith.constant 5 : i32
      %broadcast_in_dim3A_265 = vector.broadcast %broadcast_in_dim3A_264 : i32 to vector<16xi32>
      tpu.vector_store_idx %arg12[%add3A_34, %broadcast_in_dim3A_265], %add3A_263 : memref<1568x9xf32, #tpu.memory_space<vmem>>[vector<16xi32>, vector<16xi32>], vector<16xf32>,
      %mul3A_266 = arith.mulf %gather3A_59, %gather3A_83 : vector<16xf32>
      %mul3A_267 = arith.mulf %gather3A_62, %gather3A_86 : vector<16xf32>
      %add3A_268 = arith.addf %mul3A_266, %mul3A_267 : vector<16xf32>
      %mul3A_269 = arith.mulf %gather3A_65, %gather3A_89 : vector<16xf32>
      %add3A_270 = arith.addf %add3A_268, %mul3A_269 : vector<16xf32>
      %add3A_271 = arith.addf %add3A_270, %gather3A_68 : vector<16xf32>
      %broadcast_in_dim3A_272 = arith.constant 2 : i32
      %broadcast_in_dim3A_273 = vector.broadcast %broadcast_in_dim3A_272 : i32 to vector<16xi32>
      tpu.vector_store_idx %arg11[%add3A_34, %broadcast_in_dim3A_273], %add3A_271 : memref<1568x4xf32, #tpu.memory_space<vmem>>[vector<16xi32>, vector<16xi32>], vector<16xf32>,
      %mul3A_274 = arith.mulf %gather3A_59, %sub3A_153 : vector<16xf32>
      %mul3A_275 = arith.mulf %gather3A_62, %mul3A_171 : vector<16xf32>
      %add3A_276 = arith.addf %mul3A_274, %mul3A_275 : vector<16xf32>
      %mul3A_277 = arith.mulf %gather3A_65, %mul3A_192 : vector<16xf32>
      %add3A_278 = arith.addf %add3A_276, %mul3A_277 : vector<16xf32>
      %broadcast_in_dim3A_279 = arith.constant 6 : i32
      %broadcast_in_dim3A_280 = vector.broadcast %broadcast_in_dim3A_279 : i32 to vector<16xi32>
      tpu.vector_store_idx %arg12[%add3A_34, %broadcast_in_dim3A_280], %add3A_278 : memref<1568x9xf32, #tpu.memory_space<vmem>>[vector<16xi32>, vector<16xi32>], vector<16xf32>,
      %mul3A_281 = arith.mulf %gather3A_59, %mul3A_159 : vector<16xf32>
      %mul3A_282 = arith.mulf %gather3A_62, %sub3A_180 : vector<16xf32>
      %add3A_283 = arith.addf %mul3A_281, %mul3A_282 : vector<16xf32>
      %mul3A_284 = arith.mulf %gather3A_65, %mul3A_198 : vector<16xf32>
      %add3A_285 = arith.addf %add3A_283, %mul3A_284 : vector<16xf32>
      %broadcast_in_dim3A_286 = arith.constant 7 : i32
      %broadcast_in_dim3A_287 = vector.broadcast %broadcast_in_dim3A_286 : i32 to vector<16xi32>
      tpu.vector_store_idx %arg12[%add3A_34, %broadcast_in_dim3A_287], %add3A_285 : memref<1568x9xf32, #tpu.memory_space<vmem>>[vector<16xi32>, vector<16xi32>], vector<16xf32>,
      %mul3A_288 = arith.mulf %gather3A_59, %mul3A_165 : vector<16xf32>
      %mul3A_289 = arith.mulf %gather3A_62, %mul3A_186 : vector<16xf32>
      %add3A_290 = arith.addf %mul3A_288, %mul3A_289 : vector<16xf32>
      %mul3A_291 = arith.mulf %gather3A_65, %sub3A_207 : vector<16xf32>
      %add3A_292 = arith.addf %add3A_290, %mul3A_291 : vector<16xf32>
      %broadcast_in_dim3A_293 = arith.constant 8 : i32
      %broadcast_in_dim3A_294 = vector.broadcast %broadcast_in_dim3A_293 : i32 to vector<16xi32>
      tpu.vector_store_idx %arg12[%add3A_34, %broadcast_in_dim3A_294], %add3A_292 : memref<1568x9xf32, #tpu.memory_space<vmem>>[vector<16xi32>, vector<16xi32>], vector<16xf32>,
    }
    %scan3A_29 = arith.constant 98 : i32
    "tpu.region"() ({
      %run_scoped3A = tpu.sem_alloc : memref<!tpu.dma_semaphore, #tpu.memory_space<semaphore_mem>>
      %dma_start3A_30 = arith.constant 0 : i32
      %dma_start3A_31 = tpu.memref_slice %arg5[%add3A_17, %dma_start3A_30] : memref<100352x16xf32, #tpu.memory_space<hbm>> -> memref<1568x16xf32, #tpu.memory_space<hbm>>
      %dma_start3A_32 = arith.constant 0 : i32
      %dma_start3A_33 = tpu.memref_slice %arg5[%add3A_17, %dma_start3A_32] : memref<100352x16xf32, #tpu.memory_space<hbm>> -> memref<1568x16xf32, #tpu.memory_space<hbm>>
      tpu.enqueue_dma source(%arg9 : memref<1568x16xf32, #tpu.memory_space<vmem>>) target(%dma_start3A_33 : memref<1568x16xf32, #tpu.memory_space<hbm>>) target_semaphore(%run_scoped3A : memref<!tpu.dma_semaphore, #tpu.memory_space<semaphore_mem>>)
      %dma_wait3A_34 = arith.constant 0 : i32
      %dma_wait3A_35 = tpu.memref_slice %arg5[%add3A_17, %dma_wait3A_34] : memref<100352x16xf32, #tpu.memory_space<hbm>> -> memref<1568x16xf32, #tpu.memory_space<hbm>>
      %dma_wait3A_36 = arith.constant 0 : i32
      %dma_wait3A_37 = tpu.memref_slice %arg5[%add3A_17, %dma_wait3A_36] : memref<100352x16xf32, #tpu.memory_space<hbm>> -> memref<1568x16xf32, #tpu.memory_space<hbm>>
      tpu.wait_dma2 semaphore(%run_scoped3A : memref<!tpu.dma_semaphore, #tpu.memory_space<semaphore_mem>>) src(%arg9 : memref<1568x16xf32, #tpu.memory_space<vmem>>) dst(%dma_wait3A_37 : memref<1568x16xf32, #tpu.memory_space<hbm>>)
      tpu.yield
    }) : () -> ()
    "tpu.region"() ({
      %run_scoped3A = tpu.sem_alloc : memref<!tpu.dma_semaphore, #tpu.memory_space<semaphore_mem>>
      %dma_start3A_30 = arith.constant 0 : i32
      %dma_start3A_31 = tpu.memref_slice %arg6[%add3A_17, %dma_start3A_30] : memref<100352x4xf32, #tpu.memory_space<hbm>> -> memref<1568x4xf32, #tpu.memory_space<hbm>>
      %dma_start3A_32 = arith.constant 0 : i32
      %dma_start3A_33 = tpu.memref_slice %arg6[%add3A_17, %dma_start3A_32] : memref<100352x4xf32, #tpu.memory_space<hbm>> -> memref<1568x4xf32, #tpu.memory_space<hbm>>
      tpu.enqueue_dma source(%arg11 : memref<1568x4xf32, #tpu.memory_space<vmem>>) target(%dma_start3A_33 : memref<1568x4xf32, #tpu.memory_space<hbm>>) target_semaphore(%run_scoped3A : memref<!tpu.dma_semaphore, #tpu.memory_space<semaphore_mem>>)
      %dma_wait3A_34 = arith.constant 0 : i32
      %dma_wait3A_35 = tpu.memref_slice %arg6[%add3A_17, %dma_wait3A_34] : memref<100352x4xf32, #tpu.memory_space<hbm>> -> memref<1568x4xf32, #tpu.memory_space<hbm>>
      %dma_wait3A_36 = arith.constant 0 : i32
      %dma_wait3A_37 = tpu.memref_slice %arg6[%add3A_17, %dma_wait3A_36] : memref<100352x4xf32, #tpu.memory_space<hbm>> -> memref<1568x4xf32, #tpu.memory_space<hbm>>
      tpu.wait_dma2 semaphore(%run_scoped3A : memref<!tpu.dma_semaphore, #tpu.memory_space<semaphore_mem>>) src(%arg11 : memref<1568x4xf32, #tpu.memory_space<vmem>>) dst(%dma_wait3A_37 : memref<1568x4xf32, #tpu.memory_space<hbm>>)
      tpu.yield
    }) : () -> ()
    "tpu.region"() ({
      %run_scoped3A = tpu.sem_alloc : memref<!tpu.dma_semaphore, #tpu.memory_space<semaphore_mem>>
      %dma_start3A_30 = arith.constant 0 : i32
      %dma_start3A_31 = tpu.memref_slice %arg7[%add3A_17, %dma_start3A_30] : memref<100352x9xf32, #tpu.memory_space<hbm>> -> memref<1568x9xf32, #tpu.memory_space<hbm>>
      %dma_start3A_32 = arith.constant 0 : i32
      %dma_start3A_33 = tpu.memref_slice %arg7[%add3A_17, %dma_start3A_32] : memref<100352x9xf32, #tpu.memory_space<hbm>> -> memref<1568x9xf32, #tpu.memory_space<hbm>>
      tpu.enqueue_dma source(%arg12 : memref<1568x9xf32, #tpu.memory_space<vmem>>) target(%dma_start3A_33 : memref<1568x9xf32, #tpu.memory_space<hbm>>) target_semaphore(%run_scoped3A : memref<!tpu.dma_semaphore, #tpu.memory_space<semaphore_mem>>)
      %dma_wait3A_34 = arith.constant 0 : i32
      %dma_wait3A_35 = tpu.memref_slice %arg7[%add3A_17, %dma_wait3A_34] : memref<100352x9xf32, #tpu.memory_space<hbm>> -> memref<1568x9xf32, #tpu.memory_space<hbm>>
      %dma_wait3A_36 = arith.constant 0 : i32
      %dma_wait3A_37 = tpu.memref_slice %arg7[%add3A_17, %dma_wait3A_36] : memref<100352x9xf32, #tpu.memory_space<hbm>> -> memref<1568x9xf32, #tpu.memory_space<hbm>>
      tpu.wait_dma2 semaphore(%run_scoped3A : memref<!tpu.dma_semaphore, #tpu.memory_space<semaphore_mem>>) src(%arg12 : memref<1568x9xf32, #tpu.memory_space<vmem>>) dst(%dma_wait3A_37 : memref<1568x9xf32, #tpu.memory_space<hbm>>)
      tpu.yield
    }) : () -> ()
    return
  }
}

module attributes {stable_mosaic.version = 14 : i64} {
  func.func @_vprep_body(%arg0: memref<6890x3xf32, #tpu.memory_space<vmem>>, %arg1: memref<6890x24xf32, #tpu.memory_space<vmem>>, %arg2: memref<24x16xf32, #tpu.memory_space<vmem>>, %arg3: memref<6912x8xf32, #tpu.memory_space<vmem>>, %arg4: memref<6912x1xf32, #tpu.memory_space<vmem>>, %arg5: memref<6912x16xf32, #tpu.memory_space<vmem>>) attributes {dimension_semantics = [], scalar_prefetch = 0 : i64, scratch_operands = 0 : i64, tpu.core_type = #tpu.core_type<tc>} {
    %get3A = arith.constant 0 : index
    %get3A_0 = arith.constant 0 : index
    %get3A_1 = vector.load %arg0[%get3A, %get3A_0] : memref<6890x3xf32, #tpu.memory_space<vmem>>, vector<6890x3xf32>
    %broadcast_in_dim3A = arith.constant 1.000000e+08 : f32
    %broadcast_in_dim3A_2 = vector.broadcast %broadcast_in_dim3A : f32 to vector<22x3xf32>
    %concatenate3A = tpu.concatenate %get3A_1, %broadcast_in_dim3A_2 in 0 : vector<6890x3xf32>, vector<22x3xf32> -> vector<6912x3xf32>
    %mul3A = arith.constant -2.000000e+00 : f32
    %mul3A_3 = vector.broadcast %mul3A : f32 to vector<6912x3xf32>
    %mul3A_4 = arith.mulf %mul3A_3, %concatenate3A : vector<6912x3xf32>
    %broadcast_in_dim3A_5 = arith.constant 0.000000e+00 : f32
    %broadcast_in_dim3A_6 = vector.broadcast %broadcast_in_dim3A_5 : f32 to vector<6912x5xf32>
    %concatenate3A_7 = tpu.concatenate %mul3A_4, %broadcast_in_dim3A_6 in 1 : vector<6912x3xf32>, vector<6912x5xf32> -> vector<6912x8xf32>
    %swap3A = arith.constant 0 : index
    %swap3A_8 = arith.constant 0 : index
    %swap3A_9 = vector.load %arg3[%swap3A, %swap3A_8] : memref<6912x8xf32, #tpu.memory_space<vmem>>, vector<6912x8xf32>
    tpu.vector_store %arg3[%swap3A, %swap3A_8], %concatenate3A_7 {strides = array<i32>} : memref<6912x8xf32, #tpu.memory_space<vmem>>, vector<6912x8xf32>,
    %slice3A = vector.extract_strided_slice %concatenate3A {offsets = [0, 0], sizes = [6912, 1], strides = [1, 1]} : vector<6912x3xf32> to vector<6912x1xf32>
    %slice3A_10 = vector.extract_strided_slice %concatenate3A {offsets = [0, 1], sizes = [6912, 1], strides = [1, 1]} : vector<6912x3xf32> to vector<6912x1xf32>
    %slice3A_11 = vector.extract_strided_slice %concatenate3A {offsets = [0, 2], sizes = [6912, 1], strides = [1, 1]} : vector<6912x3xf32> to vector<6912x1xf32>
    %mul3A_12 = arith.mulf %slice3A, %slice3A : vector<6912x1xf32>
    %mul3A_13 = arith.mulf %slice3A_10, %slice3A_10 : vector<6912x1xf32>
    %add3A = arith.addf %mul3A_12, %mul3A_13 : vector<6912x1xf32>
    %mul3A_14 = arith.mulf %slice3A_11, %slice3A_11 : vector<6912x1xf32>
    %add3A_15 = arith.addf %add3A, %mul3A_14 : vector<6912x1xf32>
    %swap3A_16 = arith.constant 0 : index
    %swap3A_17 = arith.constant 0 : index
    %swap3A_18 = vector.load %arg4[%swap3A_16, %swap3A_17] : memref<6912x1xf32, #tpu.memory_space<vmem>>, vector<6912x1xf32>
    tpu.vector_store %arg4[%swap3A_16, %swap3A_17], %add3A_15 {strides = array<i32>} : memref<6912x1xf32, #tpu.memory_space<vmem>>, vector<6912x1xf32>,
    %get3A_19 = arith.constant 0 : index
    %get3A_20 = arith.constant 0 : index
    %get3A_21 = vector.load %arg1[%get3A_19, %get3A_20] : memref<6890x24xf32, #tpu.memory_space<vmem>>, vector<6890x24xf32>
    %broadcast_in_dim3A_22 = arith.constant 0.000000e+00 : f32
    %broadcast_in_dim3A_23 = vector.broadcast %broadcast_in_dim3A_22 : f32 to vector<22x24xf32>
    %concatenate3A_24 = tpu.concatenate %get3A_21, %broadcast_in_dim3A_23 in 0 : vector<6890x24xf32>, vector<22x24xf32> -> vector<6912x24xf32>
    %get3A_25 = arith.constant 0 : index
    %get3A_26 = arith.constant 0 : index
    %get3A_27 = vector.load %arg2[%get3A_25, %get3A_26] : memref<24x16xf32, #tpu.memory_space<vmem>>, vector<24x16xf32>
    %dot_general3A = arith.constant dense<0.000000e+00> : vector<6912x16xf32>
    %dot_general3A_28 = tpu.matmul %concatenate3A_24, %get3A_27, %dot_general3A {dimension_numbers = #tpu.dot_dimension_numbers<[1], [0], [0], [1], [0, 0, 1, 1], [], []>, transpose_lhs_hint = false} : vector<6912x24xf32>, vector<24x16xf32>, vector<6912x16xf32> -> vector<6912x16xf32>
    %swap3A_29 = arith.constant 0 : index
    %swap3A_30 = arith.constant 0 : index
    %swap3A_31 = vector.load %arg5[%swap3A_29, %swap3A_30] : memref<6912x16xf32, #tpu.memory_space<vmem>>, vector<6912x16xf32>
    tpu.vector_store %arg5[%swap3A_29, %swap3A_30], %dot_general3A_28 {strides = array<i32>} : memref<6912x16xf32, #tpu.memory_space<vmem>>, vector<6912x16xf32>,
    return
  }
}

module attributes {stable_mosaic.version = 14 : i64} {
  func.func @_nn_body(%arg0: i32, %arg1: memref<512x8xf32, #tpu.memory_space<vmem>>, %arg2: memref<6912x8xf32, #tpu.memory_space<vmem>>, %arg3: memref<6912x1xf32, #tpu.memory_space<vmem>>, %arg4: memref<512xi32, #tpu.memory_space<vmem>>) attributes {dimension_semantics = [#tpu.dimension_semantics<arbitrary>], iteration_bounds = array<i64: 196>, scalar_prefetch = 0 : i64, scratch_operands = 0 : i64, tpu.core_type = #tpu.core_type<tc>, window_params = [{transform_indices = @transform_0, window_bounds = array<i64: 512, 8>}, {pipeline_mode = #tpu.pipeline_mode<synchronous>, transform_indices = @transform_1, window_bounds = array<i64: 6912, 8>}, {pipeline_mode = #tpu.pipeline_mode<synchronous>, transform_indices = @transform_2, window_bounds = array<i64: 6912, 1>}, {transform_indices = @transform_3, window_bounds = array<i64: 512>}]} {
    %get3A = arith.constant 0 : index
    %get3A_0 = arith.constant 0 : index
    %get3A_1 = vector.load %arg1[%get3A, %get3A_0] : memref<512x8xf32, #tpu.memory_space<vmem>>, vector<512x8xf32>
    %transpose3A = tpu.transpose %get3A_1, [1, 0] : vector<512x8xf32> -> vector<8x512xf32>
    %broadcast_in_dim3A = arith.constant 0x7F800000 : f32
    %broadcast_in_dim3A_2 = vector.broadcast %broadcast_in_dim3A : f32 to vector<32x512xf32>
    %broadcast_in_dim3A_3 = arith.constant 0 : i32
    %broadcast_in_dim3A_4 = vector.broadcast %broadcast_in_dim3A_3 : i32 to vector<32x512xi32>
    %get3A_5 = arith.constant 0 : index
    %get3A_6 = arith.constant 0 : index
    %get3A_7 = vector.load %arg2[%get3A_5, %get3A_6] : memref<6912x8xf32, #tpu.memory_space<vmem>>, vector<576x8xf32>
    %dot_general3A = arith.constant dense<0.000000e+00> : vector<576x512xf32>
    %dot_general3A_8 = tpu.matmul %get3A_7, %transpose3A, %dot_general3A {dimension_numbers = #tpu.dot_dimension_numbers<[1], [0], [0], [1], [0, 0, 1, 1], [], []>, transpose_lhs_hint = false} : vector<576x8xf32>, vector<8x512xf32>, vector<576x512xf32> -> vector<576x512xf32>
    %get3A_9 = arith.constant 0 : index
    %get3A_10 = arith.constant 0 : index
    %get3A_11 = vector.load %arg3[%get3A_9, %get3A_10] : memref<6912x1xf32, #tpu.memory_space<vmem>>, vector<576x1xf32>
    %add3A = vector.broadcast %get3A_11 : vector<576x1xf32> to vector<576x512xf32>
    %add3A_12 = arith.addf %dot_general3A_8, %add3A : vector<576x512xf32>
    %slice3A = vector.extract_strided_slice %add3A_12 {offsets = [0, 0], sizes = [32, 512], strides = [1, 1]} : vector<576x512xf32> to vector<32x512xf32>
    %lt3A = arith.cmpf olt, %slice3A, %broadcast_in_dim3A_2 : vector<32x512xf32>
    %min3A = arith.minimumf %broadcast_in_dim3A_2, %slice3A : vector<32x512xf32>
    %jit3A = arith.constant 0 : i32
    %broadcast_in_dim3A_13 = vector.broadcast %jit3A : i32 to vector<32x512xi32>
    %select_n3A = arith.select %lt3A, %broadcast_in_dim3A_13, %broadcast_in_dim3A_4 : vector<32x512xi1>, vector<32x512xi32>
    %slice3A_14 = vector.extract_strided_slice %add3A_12 {offsets = [32, 0], sizes = [32, 512], strides = [1, 1]} : vector<576x512xf32> to vector<32x512xf32>
    %lt3A_15 = arith.cmpf olt, %slice3A_14, %min3A : vector<32x512xf32>
    %min3A_16 = arith.minimumf %min3A, %slice3A_14 : vector<32x512xf32>
    %jit3A_17 = arith.constant 1 : i32
    %broadcast_in_dim3A_18 = vector.broadcast %jit3A_17 : i32 to vector<32x512xi32>
    %select_n3A_19 = arith.select %lt3A_15, %broadcast_in_dim3A_18, %select_n3A : vector<32x512xi1>, vector<32x512xi32>
    %slice3A_20 = vector.extract_strided_slice %add3A_12 {offsets = [64, 0], sizes = [32, 512], strides = [1, 1]} : vector<576x512xf32> to vector<32x512xf32>
    %lt3A_21 = arith.cmpf olt, %slice3A_20, %min3A_16 : vector<32x512xf32>
    %min3A_22 = arith.minimumf %min3A_16, %slice3A_20 : vector<32x512xf32>
    %jit3A_23 = arith.constant 2 : i32
    %broadcast_in_dim3A_24 = vector.broadcast %jit3A_23 : i32 to vector<32x512xi32>
    %select_n3A_25 = arith.select %lt3A_21, %broadcast_in_dim3A_24, %select_n3A_19 : vector<32x512xi1>, vector<32x512xi32>
    %slice3A_26 = vector.extract_strided_slice %add3A_12 {offsets = [96, 0], sizes = [32, 512], strides = [1, 1]} : vector<576x512xf32> to vector<32x512xf32>
    %lt3A_27 = arith.cmpf olt, %slice3A_26, %min3A_22 : vector<32x512xf32>
    %min3A_28 = arith.minimumf %min3A_22, %slice3A_26 : vector<32x512xf32>
    %jit3A_29 = arith.constant 3 : i32
    %broadcast_in_dim3A_30 = vector.broadcast %jit3A_29 : i32 to vector<32x512xi32>
    %select_n3A_31 = arith.select %lt3A_27, %broadcast_in_dim3A_30, %select_n3A_25 : vector<32x512xi1>, vector<32x512xi32>
    %slice3A_32 = vector.extract_strided_slice %add3A_12 {offsets = [128, 0], sizes = [32, 512], strides = [1, 1]} : vector<576x512xf32> to vector<32x512xf32>
    %lt3A_33 = arith.cmpf olt, %slice3A_32, %min3A_28 : vector<32x512xf32>
    %min3A_34 = arith.minimumf %min3A_28, %slice3A_32 : vector<32x512xf32>
    %jit3A_35 = arith.constant 4 : i32
    %broadcast_in_dim3A_36 = vector.broadcast %jit3A_35 : i32 to vector<32x512xi32>
    %select_n3A_37 = arith.select %lt3A_33, %broadcast_in_dim3A_36, %select_n3A_31 : vector<32x512xi1>, vector<32x512xi32>
    %slice3A_38 = vector.extract_strided_slice %add3A_12 {offsets = [160, 0], sizes = [32, 512], strides = [1, 1]} : vector<576x512xf32> to vector<32x512xf32>
    %lt3A_39 = arith.cmpf olt, %slice3A_38, %min3A_34 : vector<32x512xf32>
    %min3A_40 = arith.minimumf %min3A_34, %slice3A_38 : vector<32x512xf32>
    %jit3A_41 = arith.constant 5 : i32
    %broadcast_in_dim3A_42 = vector.broadcast %jit3A_41 : i32 to vector<32x512xi32>
    %select_n3A_43 = arith.select %lt3A_39, %broadcast_in_dim3A_42, %select_n3A_37 : vector<32x512xi1>, vector<32x512xi32>
    %slice3A_44 = vector.extract_strided_slice %add3A_12 {offsets = [192, 0], sizes = [32, 512], strides = [1, 1]} : vector<576x512xf32> to vector<32x512xf32>
    %lt3A_45 = arith.cmpf olt, %slice3A_44, %min3A_40 : vector<32x512xf32>
    %min3A_46 = arith.minimumf %min3A_40, %slice3A_44 : vector<32x512xf32>
    %jit3A_47 = arith.constant 6 : i32
    %broadcast_in_dim3A_48 = vector.broadcast %jit3A_47 : i32 to vector<32x512xi32>
    %select_n3A_49 = arith.select %lt3A_45, %broadcast_in_dim3A_48, %select_n3A_43 : vector<32x512xi1>, vector<32x512xi32>
    %slice3A_50 = vector.extract_strided_slice %add3A_12 {offsets = [224, 0], sizes = [32, 512], strides = [1, 1]} : vector<576x512xf32> to vector<32x512xf32>
    %lt3A_51 = arith.cmpf olt, %slice3A_50, %min3A_46 : vector<32x512xf32>
    %min3A_52 = arith.minimumf %min3A_46, %slice3A_50 : vector<32x512xf32>
    %jit3A_53 = arith.constant 7 : i32
    %broadcast_in_dim3A_54 = vector.broadcast %jit3A_53 : i32 to vector<32x512xi32>
    %select_n3A_55 = arith.select %lt3A_51, %broadcast_in_dim3A_54, %select_n3A_49 : vector<32x512xi1>, vector<32x512xi32>
    %slice3A_56 = vector.extract_strided_slice %add3A_12 {offsets = [256, 0], sizes = [32, 512], strides = [1, 1]} : vector<576x512xf32> to vector<32x512xf32>
    %lt3A_57 = arith.cmpf olt, %slice3A_56, %min3A_52 : vector<32x512xf32>
    %min3A_58 = arith.minimumf %min3A_52, %slice3A_56 : vector<32x512xf32>
    %jit3A_59 = arith.constant 8 : i32
    %broadcast_in_dim3A_60 = vector.broadcast %jit3A_59 : i32 to vector<32x512xi32>
    %select_n3A_61 = arith.select %lt3A_57, %broadcast_in_dim3A_60, %select_n3A_55 : vector<32x512xi1>, vector<32x512xi32>
    %slice3A_62 = vector.extract_strided_slice %add3A_12 {offsets = [288, 0], sizes = [32, 512], strides = [1, 1]} : vector<576x512xf32> to vector<32x512xf32>
    %lt3A_63 = arith.cmpf olt, %slice3A_62, %min3A_58 : vector<32x512xf32>
    %min3A_64 = arith.minimumf %min3A_58, %slice3A_62 : vector<32x512xf32>
    %jit3A_65 = arith.constant 9 : i32
    %broadcast_in_dim3A_66 = vector.broadcast %jit3A_65 : i32 to vector<32x512xi32>
    %select_n3A_67 = arith.select %lt3A_63, %broadcast_in_dim3A_66, %select_n3A_61 : vector<32x512xi1>, vector<32x512xi32>
    %slice3A_68 = vector.extract_strided_slice %add3A_12 {offsets = [320, 0], sizes = [32, 512], strides = [1, 1]} : vector<576x512xf32> to vector<32x512xf32>
    %lt3A_69 = arith.cmpf olt, %slice3A_68, %min3A_64 : vector<32x512xf32>
    %min3A_70 = arith.minimumf %min3A_64, %slice3A_68 : vector<32x512xf32>
    %jit3A_71 = arith.constant 10 : i32
    %broadcast_in_dim3A_72 = vector.broadcast %jit3A_71 : i32 to vector<32x512xi32>
    %select_n3A_73 = arith.select %lt3A_69, %broadcast_in_dim3A_72, %select_n3A_67 : vector<32x512xi1>, vector<32x512xi32>
    %slice3A_74 = vector.extract_strided_slice %add3A_12 {offsets = [352, 0], sizes = [32, 512], strides = [1, 1]} : vector<576x512xf32> to vector<32x512xf32>
    %lt3A_75 = arith.cmpf olt, %slice3A_74, %min3A_70 : vector<32x512xf32>
    %min3A_76 = arith.minimumf %min3A_70, %slice3A_74 : vector<32x512xf32>
    %jit3A_77 = arith.constant 11 : i32
    %broadcast_in_dim3A_78 = vector.broadcast %jit3A_77 : i32 to vector<32x512xi32>
    %select_n3A_79 = arith.select %lt3A_75, %broadcast_in_dim3A_78, %select_n3A_73 : vector<32x512xi1>, vector<32x512xi32>
    %slice3A_80 = vector.extract_strided_slice %add3A_12 {offsets = [384, 0], sizes = [32, 512], strides = [1, 1]} : vector<576x512xf32> to vector<32x512xf32>
    %lt3A_81 = arith.cmpf olt, %slice3A_80, %min3A_76 : vector<32x512xf32>
    %min3A_82 = arith.minimumf %min3A_76, %slice3A_80 : vector<32x512xf32>
    %jit3A_83 = arith.constant 12 : i32
    %broadcast_in_dim3A_84 = vector.broadcast %jit3A_83 : i32 to vector<32x512xi32>
    %select_n3A_85 = arith.select %lt3A_81, %broadcast_in_dim3A_84, %select_n3A_79 : vector<32x512xi1>, vector<32x512xi32>
    %slice3A_86 = vector.extract_strided_slice %add3A_12 {offsets = [416, 0], sizes = [32, 512], strides = [1, 1]} : vector<576x512xf32> to vector<32x512xf32>
    %lt3A_87 = arith.cmpf olt, %slice3A_86, %min3A_82 : vector<32x512xf32>
    %min3A_88 = arith.minimumf %min3A_82, %slice3A_86 : vector<32x512xf32>
    %jit3A_89 = arith.constant 13 : i32
    %broadcast_in_dim3A_90 = vector.broadcast %jit3A_89 : i32 to vector<32x512xi32>
    %select_n3A_91 = arith.select %lt3A_87, %broadcast_in_dim3A_90, %select_n3A_85 : vector<32x512xi1>, vector<32x512xi32>
    %slice3A_92 = vector.extract_strided_slice %add3A_12 {offsets = [448, 0], sizes = [32, 512], strides = [1, 1]} : vector<576x512xf32> to vector<32x512xf32>
    %lt3A_93 = arith.cmpf olt, %slice3A_92, %min3A_88 : vector<32x512xf32>
    %min3A_94 = arith.minimumf %min3A_88, %slice3A_92 : vector<32x512xf32>
    %jit3A_95 = arith.constant 14 : i32
    %broadcast_in_dim3A_96 = vector.broadcast %jit3A_95 : i32 to vector<32x512xi32>
    %select_n3A_97 = arith.select %lt3A_93, %broadcast_in_dim3A_96, %select_n3A_91 : vector<32x512xi1>, vector<32x512xi32>
    %slice3A_98 = vector.extract_strided_slice %add3A_12 {offsets = [480, 0], sizes = [32, 512], strides = [1, 1]} : vector<576x512xf32> to vector<32x512xf32>
    %lt3A_99 = arith.cmpf olt, %slice3A_98, %min3A_94 : vector<32x512xf32>
    %min3A_100 = arith.minimumf %min3A_94, %slice3A_98 : vector<32x512xf32>
    %jit3A_101 = arith.constant 15 : i32
    %broadcast_in_dim3A_102 = vector.broadcast %jit3A_101 : i32 to vector<32x512xi32>
    %select_n3A_103 = arith.select %lt3A_99, %broadcast_in_dim3A_102, %select_n3A_97 : vector<32x512xi1>, vector<32x512xi32>
    %slice3A_104 = vector.extract_strided_slice %add3A_12 {offsets = [512, 0], sizes = [32, 512], strides = [1, 1]} : vector<576x512xf32> to vector<32x512xf32>
    %lt3A_105 = arith.cmpf olt, %slice3A_104, %min3A_100 : vector<32x512xf32>
    %min3A_106 = arith.minimumf %min3A_100, %slice3A_104 : vector<32x512xf32>
    %jit3A_107 = arith.constant 16 : i32
    %broadcast_in_dim3A_108 = vector.broadcast %jit3A_107 : i32 to vector<32x512xi32>
    %select_n3A_109 = arith.select %lt3A_105, %broadcast_in_dim3A_108, %select_n3A_103 : vector<32x512xi1>, vector<32x512xi32>
    %slice3A_110 = vector.extract_strided_slice %add3A_12 {offsets = [544, 0], sizes = [32, 512], strides = [1, 1]} : vector<576x512xf32> to vector<32x512xf32>
    %lt3A_111 = arith.cmpf olt, %slice3A_110, %min3A_106 : vector<32x512xf32>
    %min3A_112 = arith.minimumf %min3A_106, %slice3A_110 : vector<32x512xf32>
    %jit3A_113 = arith.constant 17 : i32
    %broadcast_in_dim3A_114 = vector.broadcast %jit3A_113 : i32 to vector<32x512xi32>
    %select_n3A_115 = arith.select %lt3A_111, %broadcast_in_dim3A_114, %select_n3A_109 : vector<32x512xi1>, vector<32x512xi32>
    %get3A_116 = arith.constant 576 : index
    %get3A_117 = arith.constant 0 : index
    %get3A_118 = vector.load %arg2[%get3A_116, %get3A_117] : memref<6912x8xf32, #tpu.memory_space<vmem>>, vector<576x8xf32>
    %dot_general3A_119 = arith.constant dense<0.000000e+00> : vector<576x512xf32>
    %dot_general3A_120 = tpu.matmul %get3A_118, %transpose3A, %dot_general3A_119 {dimension_numbers = #tpu.dot_dimension_numbers<[1], [0], [0], [1], [0, 0, 1, 1], [], []>, transpose_lhs_hint = false} : vector<576x8xf32>, vector<8x512xf32>, vector<576x512xf32> -> vector<576x512xf32>
    %get3A_121 = arith.constant 576 : index
    %get3A_122 = arith.constant 0 : index
    %get3A_123 = vector.load %arg3[%get3A_121, %get3A_122] : memref<6912x1xf32, #tpu.memory_space<vmem>>, vector<576x1xf32>
    %add3A_124 = vector.broadcast %get3A_123 : vector<576x1xf32> to vector<576x512xf32>
    %add3A_125 = arith.addf %dot_general3A_120, %add3A_124 : vector<576x512xf32>
    %slice3A_126 = vector.extract_strided_slice %add3A_125 {offsets = [0, 0], sizes = [32, 512], strides = [1, 1]} : vector<576x512xf32> to vector<32x512xf32>
    %lt3A_127 = arith.cmpf olt, %slice3A_126, %min3A_112 : vector<32x512xf32>
    %min3A_128 = arith.minimumf %min3A_112, %slice3A_126 : vector<32x512xf32>
    %jit3A_129 = arith.constant 18 : i32
    %broadcast_in_dim3A_130 = vector.broadcast %jit3A_129 : i32 to vector<32x512xi32>
    %select_n3A_131 = arith.select %lt3A_127, %broadcast_in_dim3A_130, %select_n3A_115 : vector<32x512xi1>, vector<32x512xi32>
    %slice3A_132 = vector.extract_strided_slice %add3A_125 {offsets = [32, 0], sizes = [32, 512], strides = [1, 1]} : vector<576x512xf32> to vector<32x512xf32>
    %lt3A_133 = arith.cmpf olt, %slice3A_132, %min3A_128 : vector<32x512xf32>
    %min3A_134 = arith.minimumf %min3A_128, %slice3A_132 : vector<32x512xf32>
    %jit3A_135 = arith.constant 19 : i32
    %broadcast_in_dim3A_136 = vector.broadcast %jit3A_135 : i32 to vector<32x512xi32>
    %select_n3A_137 = arith.select %lt3A_133, %broadcast_in_dim3A_136, %select_n3A_131 : vector<32x512xi1>, vector<32x512xi32>
    %slice3A_138 = vector.extract_strided_slice %add3A_125 {offsets = [64, 0], sizes = [32, 512], strides = [1, 1]} : vector<576x512xf32> to vector<32x512xf32>
    %lt3A_139 = arith.cmpf olt, %slice3A_138, %min3A_134 : vector<32x512xf32>
    %min3A_140 = arith.minimumf %min3A_134, %slice3A_138 : vector<32x512xf32>
    %jit3A_141 = arith.constant 20 : i32
    %broadcast_in_dim3A_142 = vector.broadcast %jit3A_141 : i32 to vector<32x512xi32>
    %select_n3A_143 = arith.select %lt3A_139, %broadcast_in_dim3A_142, %select_n3A_137 : vector<32x512xi1>, vector<32x512xi32>
    %slice3A_144 = vector.extract_strided_slice %add3A_125 {offsets = [96, 0], sizes = [32, 512], strides = [1, 1]} : vector<576x512xf32> to vector<32x512xf32>
    %lt3A_145 = arith.cmpf olt, %slice3A_144, %min3A_140 : vector<32x512xf32>
    %min3A_146 = arith.minimumf %min3A_140, %slice3A_144 : vector<32x512xf32>
    %jit3A_147 = arith.constant 21 : i32
    %broadcast_in_dim3A_148 = vector.broadcast %jit3A_147 : i32 to vector<32x512xi32>
    %select_n3A_149 = arith.select %lt3A_145, %broadcast_in_dim3A_148, %select_n3A_143 : vector<32x512xi1>, vector<32x512xi32>
    %slice3A_150 = vector.extract_strided_slice %add3A_125 {offsets = [128, 0], sizes = [32, 512], strides = [1, 1]} : vector<576x512xf32> to vector<32x512xf32>
    %lt3A_151 = arith.cmpf olt, %slice3A_150, %min3A_146 : vector<32x512xf32>
    %min3A_152 = arith.minimumf %min3A_146, %slice3A_150 : vector<32x512xf32>
    %jit3A_153 = arith.constant 22 : i32
    %broadcast_in_dim3A_154 = vector.broadcast %jit3A_153 : i32 to vector<32x512xi32>
    %select_n3A_155 = arith.select %lt3A_151, %broadcast_in_dim3A_154, %select_n3A_149 : vector<32x512xi1>, vector<32x512xi32>
    %slice3A_156 = vector.extract_strided_slice %add3A_125 {offsets = [160, 0], sizes = [32, 512], strides = [1, 1]} : vector<576x512xf32> to vector<32x512xf32>
    %lt3A_157 = arith.cmpf olt, %slice3A_156, %min3A_152 : vector<32x512xf32>
    %min3A_158 = arith.minimumf %min3A_152, %slice3A_156 : vector<32x512xf32>
    %jit3A_159 = arith.constant 23 : i32
    %broadcast_in_dim3A_160 = vector.broadcast %jit3A_159 : i32 to vector<32x512xi32>
    %select_n3A_161 = arith.select %lt3A_157, %broadcast_in_dim3A_160, %select_n3A_155 : vector<32x512xi1>, vector<32x512xi32>
    %slice3A_162 = vector.extract_strided_slice %add3A_125 {offsets = [192, 0], sizes = [32, 512], strides = [1, 1]} : vector<576x512xf32> to vector<32x512xf32>
    %lt3A_163 = arith.cmpf olt, %slice3A_162, %min3A_158 : vector<32x512xf32>
    %min3A_164 = arith.minimumf %min3A_158, %slice3A_162 : vector<32x512xf32>
    %jit3A_165 = arith.constant 24 : i32
    %broadcast_in_dim3A_166 = vector.broadcast %jit3A_165 : i32 to vector<32x512xi32>
    %select_n3A_167 = arith.select %lt3A_163, %broadcast_in_dim3A_166, %select_n3A_161 : vector<32x512xi1>, vector<32x512xi32>
    %slice3A_168 = vector.extract_strided_slice %add3A_125 {offsets = [224, 0], sizes = [32, 512], strides = [1, 1]} : vector<576x512xf32> to vector<32x512xf32>
    %lt3A_169 = arith.cmpf olt, %slice3A_168, %min3A_164 : vector<32x512xf32>
    %min3A_170 = arith.minimumf %min3A_164, %slice3A_168 : vector<32x512xf32>
    %jit3A_171 = arith.constant 25 : i32
    %broadcast_in_dim3A_172 = vector.broadcast %jit3A_171 : i32 to vector<32x512xi32>
    %select_n3A_173 = arith.select %lt3A_169, %broadcast_in_dim3A_172, %select_n3A_167 : vector<32x512xi1>, vector<32x512xi32>
    %slice3A_174 = vector.extract_strided_slice %add3A_125 {offsets = [256, 0], sizes = [32, 512], strides = [1, 1]} : vector<576x512xf32> to vector<32x512xf32>
    %lt3A_175 = arith.cmpf olt, %slice3A_174, %min3A_170 : vector<32x512xf32>
    %min3A_176 = arith.minimumf %min3A_170, %slice3A_174 : vector<32x512xf32>
    %jit3A_177 = arith.constant 26 : i32
    %broadcast_in_dim3A_178 = vector.broadcast %jit3A_177 : i32 to vector<32x512xi32>
    %select_n3A_179 = arith.select %lt3A_175, %broadcast_in_dim3A_178, %select_n3A_173 : vector<32x512xi1>, vector<32x512xi32>
    %slice3A_180 = vector.extract_strided_slice %add3A_125 {offsets = [288, 0], sizes = [32, 512], strides = [1, 1]} : vector<576x512xf32> to vector<32x512xf32>
    %lt3A_181 = arith.cmpf olt, %slice3A_180, %min3A_176 : vector<32x512xf32>
    %min3A_182 = arith.minimumf %min3A_176, %slice3A_180 : vector<32x512xf32>
    %jit3A_183 = arith.constant 27 : i32
    %broadcast_in_dim3A_184 = vector.broadcast %jit3A_183 : i32 to vector<32x512xi32>
    %select_n3A_185 = arith.select %lt3A_181, %broadcast_in_dim3A_184, %select_n3A_179 : vector<32x512xi1>, vector<32x512xi32>
    %slice3A_186 = vector.extract_strided_slice %add3A_125 {offsets = [320, 0], sizes = [32, 512], strides = [1, 1]} : vector<576x512xf32> to vector<32x512xf32>
    %lt3A_187 = arith.cmpf olt, %slice3A_186, %min3A_182 : vector<32x512xf32>
    %min3A_188 = arith.minimumf %min3A_182, %slice3A_186 : vector<32x512xf32>
    %jit3A_189 = arith.constant 28 : i32
    %broadcast_in_dim3A_190 = vector.broadcast %jit3A_189 : i32 to vector<32x512xi32>
    %select_n3A_191 = arith.select %lt3A_187, %broadcast_in_dim3A_190, %select_n3A_185 : vector<32x512xi1>, vector<32x512xi32>
    %slice3A_192 = vector.extract_strided_slice %add3A_125 {offsets = [352, 0], sizes = [32, 512], strides = [1, 1]} : vector<576x512xf32> to vector<32x512xf32>
    %lt3A_193 = arith.cmpf olt, %slice3A_192, %min3A_188 : vector<32x512xf32>
    %min3A_194 = arith.minimumf %min3A_188, %slice3A_192 : vector<32x512xf32>
    %jit3A_195 = arith.constant 29 : i32
    %broadcast_in_dim3A_196 = vector.broadcast %jit3A_195 : i32 to vector<32x512xi32>
    %select_n3A_197 = arith.select %lt3A_193, %broadcast_in_dim3A_196, %select_n3A_191 : vector<32x512xi1>, vector<32x512xi32>
    %slice3A_198 = vector.extract_strided_slice %add3A_125 {offsets = [384, 0], sizes = [32, 512], strides = [1, 1]} : vector<576x512xf32> to vector<32x512xf32>
    %lt3A_199 = arith.cmpf olt, %slice3A_198, %min3A_194 : vector<32x512xf32>
    %min3A_200 = arith.minimumf %min3A_194, %slice3A_198 : vector<32x512xf32>
    %jit3A_201 = arith.constant 30 : i32
    %broadcast_in_dim3A_202 = vector.broadcast %jit3A_201 : i32 to vector<32x512xi32>
    %select_n3A_203 = arith.select %lt3A_199, %broadcast_in_dim3A_202, %select_n3A_197 : vector<32x512xi1>, vector<32x512xi32>
    %slice3A_204 = vector.extract_strided_slice %add3A_125 {offsets = [416, 0], sizes = [32, 512], strides = [1, 1]} : vector<576x512xf32> to vector<32x512xf32>
    %lt3A_205 = arith.cmpf olt, %slice3A_204, %min3A_200 : vector<32x512xf32>
    %min3A_206 = arith.minimumf %min3A_200, %slice3A_204 : vector<32x512xf32>
    %jit3A_207 = arith.constant 31 : i32
    %broadcast_in_dim3A_208 = vector.broadcast %jit3A_207 : i32 to vector<32x512xi32>
    %select_n3A_209 = arith.select %lt3A_205, %broadcast_in_dim3A_208, %select_n3A_203 : vector<32x512xi1>, vector<32x512xi32>
    %slice3A_210 = vector.extract_strided_slice %add3A_125 {offsets = [448, 0], sizes = [32, 512], strides = [1, 1]} : vector<576x512xf32> to vector<32x512xf32>
    %lt3A_211 = arith.cmpf olt, %slice3A_210, %min3A_206 : vector<32x512xf32>
    %min3A_212 = arith.minimumf %min3A_206, %slice3A_210 : vector<32x512xf32>
    %jit3A_213 = arith.constant 32 : i32
    %broadcast_in_dim3A_214 = vector.broadcast %jit3A_213 : i32 to vector<32x512xi32>
    %select_n3A_215 = arith.select %lt3A_211, %broadcast_in_dim3A_214, %select_n3A_209 : vector<32x512xi1>, vector<32x512xi32>
    %slice3A_216 = vector.extract_strided_slice %add3A_125 {offsets = [480, 0], sizes = [32, 512], strides = [1, 1]} : vector<576x512xf32> to vector<32x512xf32>
    %lt3A_217 = arith.cmpf olt, %slice3A_216, %min3A_212 : vector<32x512xf32>
    %min3A_218 = arith.minimumf %min3A_212, %slice3A_216 : vector<32x512xf32>
    %jit3A_219 = arith.constant 33 : i32
    %broadcast_in_dim3A_220 = vector.broadcast %jit3A_219 : i32 to vector<32x512xi32>
    %select_n3A_221 = arith.select %lt3A_217, %broadcast_in_dim3A_220, %select_n3A_215 : vector<32x512xi1>, vector<32x512xi32>
    %slice3A_222 = vector.extract_strided_slice %add3A_125 {offsets = [512, 0], sizes = [32, 512], strides = [1, 1]} : vector<576x512xf32> to vector<32x512xf32>
    %lt3A_223 = arith.cmpf olt, %slice3A_222, %min3A_218 : vector<32x512xf32>
    %min3A_224 = arith.minimumf %min3A_218, %slice3A_222 : vector<32x512xf32>
    %jit3A_225 = arith.constant 34 : i32
    %broadcast_in_dim3A_226 = vector.broadcast %jit3A_225 : i32 to vector<32x512xi32>
    %select_n3A_227 = arith.select %lt3A_223, %broadcast_in_dim3A_226, %select_n3A_221 : vector<32x512xi1>, vector<32x512xi32>
    %slice3A_228 = vector.extract_strided_slice %add3A_125 {offsets = [544, 0], sizes = [32, 512], strides = [1, 1]} : vector<576x512xf32> to vector<32x512xf32>
    %lt3A_229 = arith.cmpf olt, %slice3A_228, %min3A_224 : vector<32x512xf32>
    %min3A_230 = arith.minimumf %min3A_224, %slice3A_228 : vector<32x512xf32>
    %jit3A_231 = arith.constant 35 : i32
    %broadcast_in_dim3A_232 = vector.broadcast %jit3A_231 : i32 to vector<32x512xi32>
    %select_n3A_233 = arith.select %lt3A_229, %broadcast_in_dim3A_232, %select_n3A_227 : vector<32x512xi1>, vector<32x512xi32>
    %get3A_234 = arith.constant 1152 : index
    %get3A_235 = arith.constant 0 : index
    %get3A_236 = vector.load %arg2[%get3A_234, %get3A_235] : memref<6912x8xf32, #tpu.memory_space<vmem>>, vector<576x8xf32>
    %dot_general3A_237 = arith.constant dense<0.000000e+00> : vector<576x512xf32>
    %dot_general3A_238 = tpu.matmul %get3A_236, %transpose3A, %dot_general3A_237 {dimension_numbers = #tpu.dot_dimension_numbers<[1], [0], [0], [1], [0, 0, 1, 1], [], []>, transpose_lhs_hint = false} : vector<576x8xf32>, vector<8x512xf32>, vector<576x512xf32> -> vector<576x512xf32>
    %get3A_239 = arith.constant 1152 : index
    %get3A_240 = arith.constant 0 : index
    %get3A_241 = vector.load %arg3[%get3A_239, %get3A_240] : memref<6912x1xf32, #tpu.memory_space<vmem>>, vector<576x1xf32>
    %add3A_242 = vector.broadcast %get3A_241 : vector<576x1xf32> to vector<576x512xf32>
    %add3A_243 = arith.addf %dot_general3A_238, %add3A_242 : vector<576x512xf32>
    %slice3A_244 = vector.extract_strided_slice %add3A_243 {offsets = [0, 0], sizes = [32, 512], strides = [1, 1]} : vector<576x512xf32> to vector<32x512xf32>
    %lt3A_245 = arith.cmpf olt, %slice3A_244, %min3A_230 : vector<32x512xf32>
    %min3A_246 = arith.minimumf %min3A_230, %slice3A_244 : vector<32x512xf32>
    %jit3A_247 = arith.constant 36 : i32
    %broadcast_in_dim3A_248 = vector.broadcast %jit3A_247 : i32 to vector<32x512xi32>
    %select_n3A_249 = arith.select %lt3A_245, %broadcast_in_dim3A_248, %select_n3A_233 : vector<32x512xi1>, vector<32x512xi32>
    %slice3A_250 = vector.extract_strided_slice %add3A_243 {offsets = [32, 0], sizes = [32, 512], strides = [1, 1]} : vector<576x512xf32> to vector<32x512xf32>
    %lt3A_251 = arith.cmpf olt, %slice3A_250, %min3A_246 : vector<32x512xf32>
    %min3A_252 = arith.minimumf %min3A_246, %slice3A_250 : vector<32x512xf32>
    %jit3A_253 = arith.constant 37 : i32
    %broadcast_in_dim3A_254 = vector.broadcast %jit3A_253 : i32 to vector<32x512xi32>
    %select_n3A_255 = arith.select %lt3A_251, %broadcast_in_dim3A_254, %select_n3A_249 : vector<32x512xi1>, vector<32x512xi32>
    %slice3A_256 = vector.extract_strided_slice %add3A_243 {offsets = [64, 0], sizes = [32, 512], strides = [1, 1]} : vector<576x512xf32> to vector<32x512xf32>
    %lt3A_257 = arith.cmpf olt, %slice3A_256, %min3A_252 : vector<32x512xf32>
    %min3A_258 = arith.minimumf %min3A_252, %slice3A_256 : vector<32x512xf32>
    %jit3A_259 = arith.constant 38 : i32
    %broadcast_in_dim3A_260 = vector.broadcast %jit3A_259 : i32 to vector<32x512xi32>
    %select_n3A_261 = arith.select %lt3A_257, %broadcast_in_dim3A_260, %select_n3A_255 : vector<32x512xi1>, vector<32x512xi32>
    %slice3A_262 = vector.extract_strided_slice %add3A_243 {offsets = [96, 0], sizes = [32, 512], strides = [1, 1]} : vector<576x512xf32> to vector<32x512xf32>
    %lt3A_263 = arith.cmpf olt, %slice3A_262, %min3A_258 : vector<32x512xf32>
    %min3A_264 = arith.minimumf %min3A_258, %slice3A_262 : vector<32x512xf32>
    %jit3A_265 = arith.constant 39 : i32
    %broadcast_in_dim3A_266 = vector.broadcast %jit3A_265 : i32 to vector<32x512xi32>
    %select_n3A_267 = arith.select %lt3A_263, %broadcast_in_dim3A_266, %select_n3A_261 : vector<32x512xi1>, vector<32x512xi32>
    %slice3A_268 = vector.extract_strided_slice %add3A_243 {offsets = [128, 0], sizes = [32, 512], strides = [1, 1]} : vector<576x512xf32> to vector<32x512xf32>
    %lt3A_269 = arith.cmpf olt, %slice3A_268, %min3A_264 : vector<32x512xf32>
    %min3A_270 = arith.minimumf %min3A_264, %slice3A_268 : vector<32x512xf32>
    %jit3A_271 = arith.constant 40 : i32
    %broadcast_in_dim3A_272 = vector.broadcast %jit3A_271 : i32 to vector<32x512xi32>
    %select_n3A_273 = arith.select %lt3A_269, %broadcast_in_dim3A_272, %select_n3A_267 : vector<32x512xi1>, vector<32x512xi32>
    %slice3A_274 = vector.extract_strided_slice %add3A_243 {offsets = [160, 0], sizes = [32, 512], strides = [1, 1]} : vector<576x512xf32> to vector<32x512xf32>
    %lt3A_275 = arith.cmpf olt, %slice3A_274, %min3A_270 : vector<32x512xf32>
    %min3A_276 = arith.minimumf %min3A_270, %slice3A_274 : vector<32x512xf32>
    %jit3A_277 = arith.constant 41 : i32
    %broadcast_in_dim3A_278 = vector.broadcast %jit3A_277 : i32 to vector<32x512xi32>
    %select_n3A_279 = arith.select %lt3A_275, %broadcast_in_dim3A_278, %select_n3A_273 : vector<32x512xi1>, vector<32x512xi32>
    %slice3A_280 = vector.extract_strided_slice %add3A_243 {offsets = [192, 0], sizes = [32, 512], strides = [1, 1]} : vector<576x512xf32> to vector<32x512xf32>
    %lt3A_281 = arith.cmpf olt, %slice3A_280, %min3A_276 : vector<32x512xf32>
    %min3A_282 = arith.minimumf %min3A_276, %slice3A_280 : vector<32x512xf32>
    %jit3A_283 = arith.constant 42 : i32
    %broadcast_in_dim3A_284 = vector.broadcast %jit3A_283 : i32 to vector<32x512xi32>
    %select_n3A_285 = arith.select %lt3A_281, %broadcast_in_dim3A_284, %select_n3A_279 : vector<32x512xi1>, vector<32x512xi32>
    %slice3A_286 = vector.extract_strided_slice %add3A_243 {offsets = [224, 0], sizes = [32, 512], strides = [1, 1]} : vector<576x512xf32> to vector<32x512xf32>
    %lt3A_287 = arith.cmpf olt, %slice3A_286, %min3A_282 : vector<32x512xf32>
    %min3A_288 = arith.minimumf %min3A_282, %slice3A_286 : vector<32x512xf32>
    %jit3A_289 = arith.constant 43 : i32
    %broadcast_in_dim3A_290 = vector.broadcast %jit3A_289 : i32 to vector<32x512xi32>
    %select_n3A_291 = arith.select %lt3A_287, %broadcast_in_dim3A_290, %select_n3A_285 : vector<32x512xi1>, vector<32x512xi32>
    %slice3A_292 = vector.extract_strided_slice %add3A_243 {offsets = [256, 0], sizes = [32, 512], strides = [1, 1]} : vector<576x512xf32> to vector<32x512xf32>
    %lt3A_293 = arith.cmpf olt, %slice3A_292, %min3A_288 : vector<32x512xf32>
    %min3A_294 = arith.minimumf %min3A_288, %slice3A_292 : vector<32x512xf32>
    %jit3A_295 = arith.constant 44 : i32
    %broadcast_in_dim3A_296 = vector.broadcast %jit3A_295 : i32 to vector<32x512xi32>
    %select_n3A_297 = arith.select %lt3A_293, %broadcast_in_dim3A_296, %select_n3A_291 : vector<32x512xi1>, vector<32x512xi32>
    %slice3A_298 = vector.extract_strided_slice %add3A_243 {offsets = [288, 0], sizes = [32, 512], strides = [1, 1]} : vector<576x512xf32> to vector<32x512xf32>
    %lt3A_299 = arith.cmpf olt, %slice3A_298, %min3A_294 : vector<32x512xf32>
    %min3A_300 = arith.minimumf %min3A_294, %slice3A_298 : vector<32x512xf32>
    %jit3A_301 = arith.constant 45 : i32
    %broadcast_in_dim3A_302 = vector.broadcast %jit3A_301 : i32 to vector<32x512xi32>
    %select_n3A_303 = arith.select %lt3A_299, %broadcast_in_dim3A_302, %select_n3A_297 : vector<32x512xi1>, vector<32x512xi32>
    %slice3A_304 = vector.extract_strided_slice %add3A_243 {offsets = [320, 0], sizes = [32, 512], strides = [1, 1]} : vector<576x512xf32> to vector<32x512xf32>
    %lt3A_305 = arith.cmpf olt, %slice3A_304, %min3A_300 : vector<32x512xf32>
    %min3A_306 = arith.minimumf %min3A_300, %slice3A_304 : vector<32x512xf32>
    %jit3A_307 = arith.constant 46 : i32
    %broadcast_in_dim3A_308 = vector.broadcast %jit3A_307 : i32 to vector<32x512xi32>
    %select_n3A_309 = arith.select %lt3A_305, %broadcast_in_dim3A_308, %select_n3A_303 : vector<32x512xi1>, vector<32x512xi32>
    %slice3A_310 = vector.extract_strided_slice %add3A_243 {offsets = [352, 0], sizes = [32, 512], strides = [1, 1]} : vector<576x512xf32> to vector<32x512xf32>
    %lt3A_311 = arith.cmpf olt, %slice3A_310, %min3A_306 : vector<32x512xf32>
    %min3A_312 = arith.minimumf %min3A_306, %slice3A_310 : vector<32x512xf32>
    %jit3A_313 = arith.constant 47 : i32
    %broadcast_in_dim3A_314 = vector.broadcast %jit3A_313 : i32 to vector<32x512xi32>
    %select_n3A_315 = arith.select %lt3A_311, %broadcast_in_dim3A_314, %select_n3A_309 : vector<32x512xi1>, vector<32x512xi32>
    %slice3A_316 = vector.extract_strided_slice %add3A_243 {offsets = [384, 0], sizes = [32, 512], strides = [1, 1]} : vector<576x512xf32> to vector<32x512xf32>
    %lt3A_317 = arith.cmpf olt, %slice3A_316, %min3A_312 : vector<32x512xf32>
    %min3A_318 = arith.minimumf %min3A_312, %slice3A_316 : vector<32x512xf32>
    %jit3A_319 = arith.constant 48 : i32
    %broadcast_in_dim3A_320 = vector.broadcast %jit3A_319 : i32 to vector<32x512xi32>
    %select_n3A_321 = arith.select %lt3A_317, %broadcast_in_dim3A_320, %select_n3A_315 : vector<32x512xi1>, vector<32x512xi32>
    %slice3A_322 = vector.extract_strided_slice %add3A_243 {offsets = [416, 0], sizes = [32, 512], strides = [1, 1]} : vector<576x512xf32> to vector<32x512xf32>
    %lt3A_323 = arith.cmpf olt, %slice3A_322, %min3A_318 : vector<32x512xf32>
    %min3A_324 = arith.minimumf %min3A_318, %slice3A_322 : vector<32x512xf32>
    %jit3A_325 = arith.constant 49 : i32
    %broadcast_in_dim3A_326 = vector.broadcast %jit3A_325 : i32 to vector<32x512xi32>
    %select_n3A_327 = arith.select %lt3A_323, %broadcast_in_dim3A_326, %select_n3A_321 : vector<32x512xi1>, vector<32x512xi32>
    %slice3A_328 = vector.extract_strided_slice %add3A_243 {offsets = [448, 0], sizes = [32, 512], strides = [1, 1]} : vector<576x512xf32> to vector<32x512xf32>
    %lt3A_329 = arith.cmpf olt, %slice3A_328, %min3A_324 : vector<32x512xf32>
    %min3A_330 = arith.minimumf %min3A_324, %slice3A_328 : vector<32x512xf32>
    %jit3A_331 = arith.constant 50 : i32
    %broadcast_in_dim3A_332 = vector.broadcast %jit3A_331 : i32 to vector<32x512xi32>
    %select_n3A_333 = arith.select %lt3A_329, %broadcast_in_dim3A_332, %select_n3A_327 : vector<32x512xi1>, vector<32x512xi32>
    %slice3A_334 = vector.extract_strided_slice %add3A_243 {offsets = [480, 0], sizes = [32, 512], strides = [1, 1]} : vector<576x512xf32> to vector<32x512xf32>
    %lt3A_335 = arith.cmpf olt, %slice3A_334, %min3A_330 : vector<32x512xf32>
    %min3A_336 = arith.minimumf %min3A_330, %slice3A_334 : vector<32x512xf32>
    %jit3A_337 = arith.constant 51 : i32
    %broadcast_in_dim3A_338 = vector.broadcast %jit3A_337 : i32 to vector<32x512xi32>
    %select_n3A_339 = arith.select %lt3A_335, %broadcast_in_dim3A_338, %select_n3A_333 : vector<32x512xi1>, vector<32x512xi32>
    %slice3A_340 = vector.extract_strided_slice %add3A_243 {offsets = [512, 0], sizes = [32, 512], strides = [1, 1]} : vector<576x512xf32> to vector<32x512xf32>
    %lt3A_341 = arith.cmpf olt, %slice3A_340, %min3A_336 : vector<32x512xf32>
    %min3A_342 = arith.minimumf %min3A_336, %slice3A_340 : vector<32x512xf32>
    %jit3A_343 = arith.constant 52 : i32
    %broadcast_in_dim3A_344 = vector.broadcast %jit3A_343 : i32 to vector<32x512xi32>
    %select_n3A_345 = arith.select %lt3A_341, %broadcast_in_dim3A_344, %select_n3A_339 : vector<32x512xi1>, vector<32x512xi32>
    %slice3A_346 = vector.extract_strided_slice %add3A_243 {offsets = [544, 0], sizes = [32, 512], strides = [1, 1]} : vector<576x512xf32> to vector<32x512xf32>
    %lt3A_347 = arith.cmpf olt, %slice3A_346, %min3A_342 : vector<32x512xf32>
    %min3A_348 = arith.minimumf %min3A_342, %slice3A_346 : vector<32x512xf32>
    %jit3A_349 = arith.constant 53 : i32
    %broadcast_in_dim3A_350 = vector.broadcast %jit3A_349 : i32 to vector<32x512xi32>
    %select_n3A_351 = arith.select %lt3A_347, %broadcast_in_dim3A_350, %select_n3A_345 : vector<32x512xi1>, vector<32x512xi32>
    %get3A_352 = arith.constant 1728 : index
    %get3A_353 = arith.constant 0 : index
    %get3A_354 = vector.load %arg2[%get3A_352, %get3A_353] : memref<6912x8xf32, #tpu.memory_space<vmem>>, vector<576x8xf32>
    %dot_general3A_355 = arith.constant dense<0.000000e+00> : vector<576x512xf32>
    %dot_general3A_356 = tpu.matmul %get3A_354, %transpose3A, %dot_general3A_355 {dimension_numbers = #tpu.dot_dimension_numbers<[1], [0], [0], [1], [0, 0, 1, 1], [], []>, transpose_lhs_hint = false} : vector<576x8xf32>, vector<8x512xf32>, vector<576x512xf32> -> vector<576x512xf32>
    %get3A_357 = arith.constant 1728 : index
    %get3A_358 = arith.constant 0 : index
    %get3A_359 = vector.load %arg3[%get3A_357, %get3A_358] : memref<6912x1xf32, #tpu.memory_space<vmem>>, vector<576x1xf32>
    %add3A_360 = vector.broadcast %get3A_359 : vector<576x1xf32> to vector<576x512xf32>
    %add3A_361 = arith.addf %dot_general3A_356, %add3A_360 : vector<576x512xf32>
    %slice3A_362 = vector.extract_strided_slice %add3A_361 {offsets = [0, 0], sizes = [32, 512], strides = [1, 1]} : vector<576x512xf32> to vector<32x512xf32>
    %lt3A_363 = arith.cmpf olt, %slice3A_362, %min3A_348 : vector<32x512xf32>
    %min3A_364 = arith.minimumf %min3A_348, %slice3A_362 : vector<32x512xf32>
    %jit3A_365 = arith.constant 54 : i32
    %broadcast_in_dim3A_366 = vector.broadcast %jit3A_365 : i32 to vector<32x512xi32>
    %select_n3A_367 = arith.select %lt3A_363, %broadcast_in_dim3A_366, %select_n3A_351 : vector<32x512xi1>, vector<32x512xi32>
    %slice3A_368 = vector.extract_strided_slice %add3A_361 {offsets = [32, 0], sizes = [32, 512], strides = [1, 1]} : vector<576x512xf32> to vector<32x512xf32>
    %lt3A_369 = arith.cmpf olt, %slice3A_368, %min3A_364 : vector<32x512xf32>
    %min3A_370 = arith.minimumf %min3A_364, %slice3A_368 : vector<32x512xf32>
    %jit3A_371 = arith.constant 55 : i32
    %broadcast_in_dim3A_372 = vector.broadcast %jit3A_371 : i32 to vector<32x512xi32>
    %select_n3A_373 = arith.select %lt3A_369, %broadcast_in_dim3A_372, %select_n3A_367 : vector<32x512xi1>, vector<32x512xi32>
    %slice3A_374 = vector.extract_strided_slice %add3A_361 {offsets = [64, 0], sizes = [32, 512], strides = [1, 1]} : vector<576x512xf32> to vector<32x512xf32>
    %lt3A_375 = arith.cmpf olt, %slice3A_374, %min3A_370 : vector<32x512xf32>
    %min3A_376 = arith.minimumf %min3A_370, %slice3A_374 : vector<32x512xf32>
    %jit3A_377 = arith.constant 56 : i32
    %broadcast_in_dim3A_378 = vector.broadcast %jit3A_377 : i32 to vector<32x512xi32>
    %select_n3A_379 = arith.select %lt3A_375, %broadcast_in_dim3A_378, %select_n3A_373 : vector<32x512xi1>, vector<32x512xi32>
    %slice3A_380 = vector.extract_strided_slice %add3A_361 {offsets = [96, 0], sizes = [32, 512], strides = [1, 1]} : vector<576x512xf32> to vector<32x512xf32>
    %lt3A_381 = arith.cmpf olt, %slice3A_380, %min3A_376 : vector<32x512xf32>
    %min3A_382 = arith.minimumf %min3A_376, %slice3A_380 : vector<32x512xf32>
    %jit3A_383 = arith.constant 57 : i32
    %broadcast_in_dim3A_384 = vector.broadcast %jit3A_383 : i32 to vector<32x512xi32>
    %select_n3A_385 = arith.select %lt3A_381, %broadcast_in_dim3A_384, %select_n3A_379 : vector<32x512xi1>, vector<32x512xi32>
    %slice3A_386 = vector.extract_strided_slice %add3A_361 {offsets = [128, 0], sizes = [32, 512], strides = [1, 1]} : vector<576x512xf32> to vector<32x512xf32>
    %lt3A_387 = arith.cmpf olt, %slice3A_386, %min3A_382 : vector<32x512xf32>
    %min3A_388 = arith.minimumf %min3A_382, %slice3A_386 : vector<32x512xf32>
    %jit3A_389 = arith.constant 58 : i32
    %broadcast_in_dim3A_390 = vector.broadcast %jit3A_389 : i32 to vector<32x512xi32>
    %select_n3A_391 = arith.select %lt3A_387, %broadcast_in_dim3A_390, %select_n3A_385 : vector<32x512xi1>, vector<32x512xi32>
    %slice3A_392 = vector.extract_strided_slice %add3A_361 {offsets = [160, 0], sizes = [32, 512], strides = [1, 1]} : vector<576x512xf32> to vector<32x512xf32>
    %lt3A_393 = arith.cmpf olt, %slice3A_392, %min3A_388 : vector<32x512xf32>
    %min3A_394 = arith.minimumf %min3A_388, %slice3A_392 : vector<32x512xf32>
    %jit3A_395 = arith.constant 59 : i32
    %broadcast_in_dim3A_396 = vector.broadcast %jit3A_395 : i32 to vector<32x512xi32>
    %select_n3A_397 = arith.select %lt3A_393, %broadcast_in_dim3A_396, %select_n3A_391 : vector<32x512xi1>, vector<32x512xi32>
    %slice3A_398 = vector.extract_strided_slice %add3A_361 {offsets = [192, 0], sizes = [32, 512], strides = [1, 1]} : vector<576x512xf32> to vector<32x512xf32>
    %lt3A_399 = arith.cmpf olt, %slice3A_398, %min3A_394 : vector<32x512xf32>
    %min3A_400 = arith.minimumf %min3A_394, %slice3A_398 : vector<32x512xf32>
    %jit3A_401 = arith.constant 60 : i32
    %broadcast_in_dim3A_402 = vector.broadcast %jit3A_401 : i32 to vector<32x512xi32>
    %select_n3A_403 = arith.select %lt3A_399, %broadcast_in_dim3A_402, %select_n3A_397 : vector<32x512xi1>, vector<32x512xi32>
    %slice3A_404 = vector.extract_strided_slice %add3A_361 {offsets = [224, 0], sizes = [32, 512], strides = [1, 1]} : vector<576x512xf32> to vector<32x512xf32>
    %lt3A_405 = arith.cmpf olt, %slice3A_404, %min3A_400 : vector<32x512xf32>
    %min3A_406 = arith.minimumf %min3A_400, %slice3A_404 : vector<32x512xf32>
    %jit3A_407 = arith.constant 61 : i32
    %broadcast_in_dim3A_408 = vector.broadcast %jit3A_407 : i32 to vector<32x512xi32>
    %select_n3A_409 = arith.select %lt3A_405, %broadcast_in_dim3A_408, %select_n3A_403 : vector<32x512xi1>, vector<32x512xi32>
    %slice3A_410 = vector.extract_strided_slice %add3A_361 {offsets = [256, 0], sizes = [32, 512], strides = [1, 1]} : vector<576x512xf32> to vector<32x512xf32>
    %lt3A_411 = arith.cmpf olt, %slice3A_410, %min3A_406 : vector<32x512xf32>
    %min3A_412 = arith.minimumf %min3A_406, %slice3A_410 : vector<32x512xf32>
    %jit3A_413 = arith.constant 62 : i32
    %broadcast_in_dim3A_414 = vector.broadcast %jit3A_413 : i32 to vector<32x512xi32>
    %select_n3A_415 = arith.select %lt3A_411, %broadcast_in_dim3A_414, %select_n3A_409 : vector<32x512xi1>, vector<32x512xi32>
    %slice3A_416 = vector.extract_strided_slice %add3A_361 {offsets = [288, 0], sizes = [32, 512], strides = [1, 1]} : vector<576x512xf32> to vector<32x512xf32>
    %lt3A_417 = arith.cmpf olt, %slice3A_416, %min3A_412 : vector<32x512xf32>
    %min3A_418 = arith.minimumf %min3A_412, %slice3A_416 : vector<32x512xf32>
    %jit3A_419 = arith.constant 63 : i32
    %broadcast_in_dim3A_420 = vector.broadcast %jit3A_419 : i32 to vector<32x512xi32>
    %select_n3A_421 = arith.select %lt3A_417, %broadcast_in_dim3A_420, %select_n3A_415 : vector<32x512xi1>, vector<32x512xi32>
    %slice3A_422 = vector.extract_strided_slice %add3A_361 {offsets = [320, 0], sizes = [32, 512], strides = [1, 1]} : vector<576x512xf32> to vector<32x512xf32>
    %lt3A_423 = arith.cmpf olt, %slice3A_422, %min3A_418 : vector<32x512xf32>
    %min3A_424 = arith.minimumf %min3A_418, %slice3A_422 : vector<32x512xf32>
    %jit3A_425 = arith.constant 64 : i32
    %broadcast_in_dim3A_426 = vector.broadcast %jit3A_425 : i32 to vector<32x512xi32>
    %select_n3A_427 = arith.select %lt3A_423, %broadcast_in_dim3A_426, %select_n3A_421 : vector<32x512xi1>, vector<32x512xi32>
    %slice3A_428 = vector.extract_strided_slice %add3A_361 {offsets = [352, 0], sizes = [32, 512], strides = [1, 1]} : vector<576x512xf32> to vector<32x512xf32>
    %lt3A_429 = arith.cmpf olt, %slice3A_428, %min3A_424 : vector<32x512xf32>
    %min3A_430 = arith.minimumf %min3A_424, %slice3A_428 : vector<32x512xf32>
    %jit3A_431 = arith.constant 65 : i32
    %broadcast_in_dim3A_432 = vector.broadcast %jit3A_431 : i32 to vector<32x512xi32>
    %select_n3A_433 = arith.select %lt3A_429, %broadcast_in_dim3A_432, %select_n3A_427 : vector<32x512xi1>, vector<32x512xi32>
    %slice3A_434 = vector.extract_strided_slice %add3A_361 {offsets = [384, 0], sizes = [32, 512], strides = [1, 1]} : vector<576x512xf32> to vector<32x512xf32>
    %lt3A_435 = arith.cmpf olt, %slice3A_434, %min3A_430 : vector<32x512xf32>
    %min3A_436 = arith.minimumf %min3A_430, %slice3A_434 : vector<32x512xf32>
    %jit3A_437 = arith.constant 66 : i32
    %broadcast_in_dim3A_438 = vector.broadcast %jit3A_437 : i32 to vector<32x512xi32>
    %select_n3A_439 = arith.select %lt3A_435, %broadcast_in_dim3A_438, %select_n3A_433 : vector<32x512xi1>, vector<32x512xi32>
    %slice3A_440 = vector.extract_strided_slice %add3A_361 {offsets = [416, 0], sizes = [32, 512], strides = [1, 1]} : vector<576x512xf32> to vector<32x512xf32>
    %lt3A_441 = arith.cmpf olt, %slice3A_440, %min3A_436 : vector<32x512xf32>
    %min3A_442 = arith.minimumf %min3A_436, %slice3A_440 : vector<32x512xf32>
    %jit3A_443 = arith.constant 67 : i32
    %broadcast_in_dim3A_444 = vector.broadcast %jit3A_443 : i32 to vector<32x512xi32>
    %select_n3A_445 = arith.select %lt3A_441, %broadcast_in_dim3A_444, %select_n3A_439 : vector<32x512xi1>, vector<32x512xi32>
    %slice3A_446 = vector.extract_strided_slice %add3A_361 {offsets = [448, 0], sizes = [32, 512], strides = [1, 1]} : vector<576x512xf32> to vector<32x512xf32>
    %lt3A_447 = arith.cmpf olt, %slice3A_446, %min3A_442 : vector<32x512xf32>
    %min3A_448 = arith.minimumf %min3A_442, %slice3A_446 : vector<32x512xf32>
    %jit3A_449 = arith.constant 68 : i32
    %broadcast_in_dim3A_450 = vector.broadcast %jit3A_449 : i32 to vector<32x512xi32>
    %select_n3A_451 = arith.select %lt3A_447, %broadcast_in_dim3A_450, %select_n3A_445 : vector<32x512xi1>, vector<32x512xi32>
    %slice3A_452 = vector.extract_strided_slice %add3A_361 {offsets = [480, 0], sizes = [32, 512], strides = [1, 1]} : vector<576x512xf32> to vector<32x512xf32>
    %lt3A_453 = arith.cmpf olt, %slice3A_452, %min3A_448 : vector<32x512xf32>
    %min3A_454 = arith.minimumf %min3A_448, %slice3A_452 : vector<32x512xf32>
    %jit3A_455 = arith.constant 69 : i32
    %broadcast_in_dim3A_456 = vector.broadcast %jit3A_455 : i32 to vector<32x512xi32>
    %select_n3A_457 = arith.select %lt3A_453, %broadcast_in_dim3A_456, %select_n3A_451 : vector<32x512xi1>, vector<32x512xi32>
    %slice3A_458 = vector.extract_strided_slice %add3A_361 {offsets = [512, 0], sizes = [32, 512], strides = [1, 1]} : vector<576x512xf32> to vector<32x512xf32>
    %lt3A_459 = arith.cmpf olt, %slice3A_458, %min3A_454 : vector<32x512xf32>
    %min3A_460 = arith.minimumf %min3A_454, %slice3A_458 : vector<32x512xf32>
    %jit3A_461 = arith.constant 70 : i32
    %broadcast_in_dim3A_462 = vector.broadcast %jit3A_461 : i32 to vector<32x512xi32>
    %select_n3A_463 = arith.select %lt3A_459, %broadcast_in_dim3A_462, %select_n3A_457 : vector<32x512xi1>, vector<32x512xi32>
    %slice3A_464 = vector.extract_strided_slice %add3A_361 {offsets = [544, 0], sizes = [32, 512], strides = [1, 1]} : vector<576x512xf32> to vector<32x512xf32>
    %lt3A_465 = arith.cmpf olt, %slice3A_464, %min3A_460 : vector<32x512xf32>
    %min3A_466 = arith.minimumf %min3A_460, %slice3A_464 : vector<32x512xf32>
    %jit3A_467 = arith.constant 71 : i32
    %broadcast_in_dim3A_468 = vector.broadcast %jit3A_467 : i32 to vector<32x512xi32>
    %select_n3A_469 = arith.select %lt3A_465, %broadcast_in_dim3A_468, %select_n3A_463 : vector<32x512xi1>, vector<32x512xi32>
    %get3A_470 = arith.constant 2304 : index
    %get3A_471 = arith.constant 0 : index
    %get3A_472 = vector.load %arg2[%get3A_470, %get3A_471] : memref<6912x8xf32, #tpu.memory_space<vmem>>, vector<576x8xf32>
    %dot_general3A_473 = arith.constant dense<0.000000e+00> : vector<576x512xf32>
    %dot_general3A_474 = tpu.matmul %get3A_472, %transpose3A, %dot_general3A_473 {dimension_numbers = #tpu.dot_dimension_numbers<[1], [0], [0], [1], [0, 0, 1, 1], [], []>, transpose_lhs_hint = false} : vector<576x8xf32>, vector<8x512xf32>, vector<576x512xf32> -> vector<576x512xf32>
    %get3A_475 = arith.constant 2304 : index
    %get3A_476 = arith.constant 0 : index
    %get3A_477 = vector.load %arg3[%get3A_475, %get3A_476] : memref<6912x1xf32, #tpu.memory_space<vmem>>, vector<576x1xf32>
    %add3A_478 = vector.broadcast %get3A_477 : vector<576x1xf32> to vector<576x512xf32>
    %add3A_479 = arith.addf %dot_general3A_474, %add3A_478 : vector<576x512xf32>
    %slice3A_480 = vector.extract_strided_slice %add3A_479 {offsets = [0, 0], sizes = [32, 512], strides = [1, 1]} : vector<576x512xf32> to vector<32x512xf32>
    %lt3A_481 = arith.cmpf olt, %slice3A_480, %min3A_466 : vector<32x512xf32>
    %min3A_482 = arith.minimumf %min3A_466, %slice3A_480 : vector<32x512xf32>
    %jit3A_483 = arith.constant 72 : i32
    %broadcast_in_dim3A_484 = vector.broadcast %jit3A_483 : i32 to vector<32x512xi32>
    %select_n3A_485 = arith.select %lt3A_481, %broadcast_in_dim3A_484, %select_n3A_469 : vector<32x512xi1>, vector<32x512xi32>
    %slice3A_486 = vector.extract_strided_slice %add3A_479 {offsets = [32, 0], sizes = [32, 512], strides = [1, 1]} : vector<576x512xf32> to vector<32x512xf32>
    %lt3A_487 = arith.cmpf olt, %slice3A_486, %min3A_482 : vector<32x512xf32>
    %min3A_488 = arith.minimumf %min3A_482, %slice3A_486 : vector<32x512xf32>
    %jit3A_489 = arith.constant 73 : i32
    %broadcast_in_dim3A_490 = vector.broadcast %jit3A_489 : i32 to vector<32x512xi32>
    %select_n3A_491 = arith.select %lt3A_487, %broadcast_in_dim3A_490, %select_n3A_485 : vector<32x512xi1>, vector<32x512xi32>
    %slice3A_492 = vector.extract_strided_slice %add3A_479 {offsets = [64, 0], sizes = [32, 512], strides = [1, 1]} : vector<576x512xf32> to vector<32x512xf32>
    %lt3A_493 = arith.cmpf olt, %slice3A_492, %min3A_488 : vector<32x512xf32>
    %min3A_494 = arith.minimumf %min3A_488, %slice3A_492 : vector<32x512xf32>
    %jit3A_495 = arith.constant 74 : i32
    %broadcast_in_dim3A_496 = vector.broadcast %jit3A_495 : i32 to vector<32x512xi32>
    %select_n3A_497 = arith.select %lt3A_493, %broadcast_in_dim3A_496, %select_n3A_491 : vector<32x512xi1>, vector<32x512xi32>
    %slice3A_498 = vector.extract_strided_slice %add3A_479 {offsets = [96, 0], sizes = [32, 512], strides = [1, 1]} : vector<576x512xf32> to vector<32x512xf32>
    %lt3A_499 = arith.cmpf olt, %slice3A_498, %min3A_494 : vector<32x512xf32>
    %min3A_500 = arith.minimumf %min3A_494, %slice3A_498 : vector<32x512xf32>
    %jit3A_501 = arith.constant 75 : i32
    %broadcast_in_dim3A_502 = vector.broadcast %jit3A_501 : i32 to vector<32x512xi32>
    %select_n3A_503 = arith.select %lt3A_499, %broadcast_in_dim3A_502, %select_n3A_497 : vector<32x512xi1>, vector<32x512xi32>
    %slice3A_504 = vector.extract_strided_slice %add3A_479 {offsets = [128, 0], sizes = [32, 512], strides = [1, 1]} : vector<576x512xf32> to vector<32x512xf32>
    %lt3A_505 = arith.cmpf olt, %slice3A_504, %min3A_500 : vector<32x512xf32>
    %min3A_506 = arith.minimumf %min3A_500, %slice3A_504 : vector<32x512xf32>
    %jit3A_507 = arith.constant 76 : i32
    %broadcast_in_dim3A_508 = vector.broadcast %jit3A_507 : i32 to vector<32x512xi32>
    %select_n3A_509 = arith.select %lt3A_505, %broadcast_in_dim3A_508, %select_n3A_503 : vector<32x512xi1>, vector<32x512xi32>
    %slice3A_510 = vector.extract_strided_slice %add3A_479 {offsets = [160, 0], sizes = [32, 512], strides = [1, 1]} : vector<576x512xf32> to vector<32x512xf32>
    %lt3A_511 = arith.cmpf olt, %slice3A_510, %min3A_506 : vector<32x512xf32>
    %min3A_512 = arith.minimumf %min3A_506, %slice3A_510 : vector<32x512xf32>
    %jit3A_513 = arith.constant 77 : i32
    %broadcast_in_dim3A_514 = vector.broadcast %jit3A_513 : i32 to vector<32x512xi32>
    %select_n3A_515 = arith.select %lt3A_511, %broadcast_in_dim3A_514, %select_n3A_509 : vector<32x512xi1>, vector<32x512xi32>
    %slice3A_516 = vector.extract_strided_slice %add3A_479 {offsets = [192, 0], sizes = [32, 512], strides = [1, 1]} : vector<576x512xf32> to vector<32x512xf32>
    %lt3A_517 = arith.cmpf olt, %slice3A_516, %min3A_512 : vector<32x512xf32>
    %min3A_518 = arith.minimumf %min3A_512, %slice3A_516 : vector<32x512xf32>
    %jit3A_519 = arith.constant 78 : i32
    %broadcast_in_dim3A_520 = vector.broadcast %jit3A_519 : i32 to vector<32x512xi32>
    %select_n3A_521 = arith.select %lt3A_517, %broadcast_in_dim3A_520, %select_n3A_515 : vector<32x512xi1>, vector<32x512xi32>
    %slice3A_522 = vector.extract_strided_slice %add3A_479 {offsets = [224, 0], sizes = [32, 512], strides = [1, 1]} : vector<576x512xf32> to vector<32x512xf32>
    %lt3A_523 = arith.cmpf olt, %slice3A_522, %min3A_518 : vector<32x512xf32>
    %min3A_524 = arith.minimumf %min3A_518, %slice3A_522 : vector<32x512xf32>
    %jit3A_525 = arith.constant 79 : i32
    %broadcast_in_dim3A_526 = vector.broadcast %jit3A_525 : i32 to vector<32x512xi32>
    %select_n3A_527 = arith.select %lt3A_523, %broadcast_in_dim3A_526, %select_n3A_521 : vector<32x512xi1>, vector<32x512xi32>
    %slice3A_528 = vector.extract_strided_slice %add3A_479 {offsets = [256, 0], sizes = [32, 512], strides = [1, 1]} : vector<576x512xf32> to vector<32x512xf32>
    %lt3A_529 = arith.cmpf olt, %slice3A_528, %min3A_524 : vector<32x512xf32>
    %min3A_530 = arith.minimumf %min3A_524, %slice3A_528 : vector<32x512xf32>
    %jit3A_531 = arith.constant 80 : i32
    %broadcast_in_dim3A_532 = vector.broadcast %jit3A_531 : i32 to vector<32x512xi32>
    %select_n3A_533 = arith.select %lt3A_529, %broadcast_in_dim3A_532, %select_n3A_527 : vector<32x512xi1>, vector<32x512xi32>
    %slice3A_534 = vector.extract_strided_slice %add3A_479 {offsets = [288, 0], sizes = [32, 512], strides = [1, 1]} : vector<576x512xf32> to vector<32x512xf32>
    %lt3A_535 = arith.cmpf olt, %slice3A_534, %min3A_530 : vector<32x512xf32>
    %min3A_536 = arith.minimumf %min3A_530, %slice3A_534 : vector<32x512xf32>
    %jit3A_537 = arith.constant 81 : i32
    %broadcast_in_dim3A_538 = vector.broadcast %jit3A_537 : i32 to vector<32x512xi32>
    %select_n3A_539 = arith.select %lt3A_535, %broadcast_in_dim3A_538, %select_n3A_533 : vector<32x512xi1>, vector<32x512xi32>
    %slice3A_540 = vector.extract_strided_slice %add3A_479 {offsets = [320, 0], sizes = [32, 512], strides = [1, 1]} : vector<576x512xf32> to vector<32x512xf32>
    %lt3A_541 = arith.cmpf olt, %slice3A_540, %min3A_536 : vector<32x512xf32>
    %min3A_542 = arith.minimumf %min3A_536, %slice3A_540 : vector<32x512xf32>
    %jit3A_543 = arith.constant 82 : i32
    %broadcast_in_dim3A_544 = vector.broadcast %jit3A_543 : i32 to vector<32x512xi32>
    %select_n3A_545 = arith.select %lt3A_541, %broadcast_in_dim3A_544, %select_n3A_539 : vector<32x512xi1>, vector<32x512xi32>
    %slice3A_546 = vector.extract_strided_slice %add3A_479 {offsets = [352, 0], sizes = [32, 512], strides = [1, 1]} : vector<576x512xf32> to vector<32x512xf32>
    %lt3A_547 = arith.cmpf olt, %slice3A_546, %min3A_542 : vector<32x512xf32>
    %min3A_548 = arith.minimumf %min3A_542, %slice3A_546 : vector<32x512xf32>
    %jit3A_549 = arith.constant 83 : i32
    %broadcast_in_dim3A_550 = vector.broadcast %jit3A_549 : i32 to vector<32x512xi32>
    %select_n3A_551 = arith.select %lt3A_547, %broadcast_in_dim3A_550, %select_n3A_545 : vector<32x512xi1>, vector<32x512xi32>
    %slice3A_552 = vector.extract_strided_slice %add3A_479 {offsets = [384, 0], sizes = [32, 512], strides = [1, 1]} : vector<576x512xf32> to vector<32x512xf32>
    %lt3A_553 = arith.cmpf olt, %slice3A_552, %min3A_548 : vector<32x512xf32>
    %min3A_554 = arith.minimumf %min3A_548, %slice3A_552 : vector<32x512xf32>
    %jit3A_555 = arith.constant 84 : i32
    %broadcast_in_dim3A_556 = vector.broadcast %jit3A_555 : i32 to vector<32x512xi32>
    %select_n3A_557 = arith.select %lt3A_553, %broadcast_in_dim3A_556, %select_n3A_551 : vector<32x512xi1>, vector<32x512xi32>
    %slice3A_558 = vector.extract_strided_slice %add3A_479 {offsets = [416, 0], sizes = [32, 512], strides = [1, 1]} : vector<576x512xf32> to vector<32x512xf32>
    %lt3A_559 = arith.cmpf olt, %slice3A_558, %min3A_554 : vector<32x512xf32>
    %min3A_560 = arith.minimumf %min3A_554, %slice3A_558 : vector<32x512xf32>
    %jit3A_561 = arith.constant 85 : i32
    %broadcast_in_dim3A_562 = vector.broadcast %jit3A_561 : i32 to vector<32x512xi32>
    %select_n3A_563 = arith.select %lt3A_559, %broadcast_in_dim3A_562, %select_n3A_557 : vector<32x512xi1>, vector<32x512xi32>
    %slice3A_564 = vector.extract_strided_slice %add3A_479 {offsets = [448, 0], sizes = [32, 512], strides = [1, 1]} : vector<576x512xf32> to vector<32x512xf32>
    %lt3A_565 = arith.cmpf olt, %slice3A_564, %min3A_560 : vector<32x512xf32>
    %min3A_566 = arith.minimumf %min3A_560, %slice3A_564 : vector<32x512xf32>
    %jit3A_567 = arith.constant 86 : i32
    %broadcast_in_dim3A_568 = vector.broadcast %jit3A_567 : i32 to vector<32x512xi32>
    %select_n3A_569 = arith.select %lt3A_565, %broadcast_in_dim3A_568, %select_n3A_563 : vector<32x512xi1>, vector<32x512xi32>
    %slice3A_570 = vector.extract_strided_slice %add3A_479 {offsets = [480, 0], sizes = [32, 512], strides = [1, 1]} : vector<576x512xf32> to vector<32x512xf32>
    %lt3A_571 = arith.cmpf olt, %slice3A_570, %min3A_566 : vector<32x512xf32>
    %min3A_572 = arith.minimumf %min3A_566, %slice3A_570 : vector<32x512xf32>
    %jit3A_573 = arith.constant 87 : i32
    %broadcast_in_dim3A_574 = vector.broadcast %jit3A_573 : i32 to vector<32x512xi32>
    %select_n3A_575 = arith.select %lt3A_571, %broadcast_in_dim3A_574, %select_n3A_569 : vector<32x512xi1>, vector<32x512xi32>
    %slice3A_576 = vector.extract_strided_slice %add3A_479 {offsets = [512, 0], sizes = [32, 512], strides = [1, 1]} : vector<576x512xf32> to vector<32x512xf32>
    %lt3A_577 = arith.cmpf olt, %slice3A_576, %min3A_572 : vector<32x512xf32>
    %min3A_578 = arith.minimumf %min3A_572, %slice3A_576 : vector<32x512xf32>
    %jit3A_579 = arith.constant 88 : i32
    %broadcast_in_dim3A_580 = vector.broadcast %jit3A_579 : i32 to vector<32x512xi32>
    %select_n3A_581 = arith.select %lt3A_577, %broadcast_in_dim3A_580, %select_n3A_575 : vector<32x512xi1>, vector<32x512xi32>
    %slice3A_582 = vector.extract_strided_slice %add3A_479 {offsets = [544, 0], sizes = [32, 512], strides = [1, 1]} : vector<576x512xf32> to vector<32x512xf32>
    %lt3A_583 = arith.cmpf olt, %slice3A_582, %min3A_578 : vector<32x512xf32>
    %min3A_584 = arith.minimumf %min3A_578, %slice3A_582 : vector<32x512xf32>
    %jit3A_585 = arith.constant 89 : i32
    %broadcast_in_dim3A_586 = vector.broadcast %jit3A_585 : i32 to vector<32x512xi32>
    %select_n3A_587 = arith.select %lt3A_583, %broadcast_in_dim3A_586, %select_n3A_581 : vector<32x512xi1>, vector<32x512xi32>
    %get3A_588 = arith.constant 2880 : index
    %get3A_589 = arith.constant 0 : index
    %get3A_590 = vector.load %arg2[%get3A_588, %get3A_589] : memref<6912x8xf32, #tpu.memory_space<vmem>>, vector<576x8xf32>
    %dot_general3A_591 = arith.constant dense<0.000000e+00> : vector<576x512xf32>
    %dot_general3A_592 = tpu.matmul %get3A_590, %transpose3A, %dot_general3A_591 {dimension_numbers = #tpu.dot_dimension_numbers<[1], [0], [0], [1], [0, 0, 1, 1], [], []>, transpose_lhs_hint = false} : vector<576x8xf32>, vector<8x512xf32>, vector<576x512xf32> -> vector<576x512xf32>
    %get3A_593 = arith.constant 2880 : index
    %get3A_594 = arith.constant 0 : index
    %get3A_595 = vector.load %arg3[%get3A_593, %get3A_594] : memref<6912x1xf32, #tpu.memory_space<vmem>>, vector<576x1xf32>
    %add3A_596 = vector.broadcast %get3A_595 : vector<576x1xf32> to vector<576x512xf32>
    %add3A_597 = arith.addf %dot_general3A_592, %add3A_596 : vector<576x512xf32>
    %slice3A_598 = vector.extract_strided_slice %add3A_597 {offsets = [0, 0], sizes = [32, 512], strides = [1, 1]} : vector<576x512xf32> to vector<32x512xf32>
    %lt3A_599 = arith.cmpf olt, %slice3A_598, %min3A_584 : vector<32x512xf32>
    %min3A_600 = arith.minimumf %min3A_584, %slice3A_598 : vector<32x512xf32>
    %jit3A_601 = arith.constant 90 : i32
    %broadcast_in_dim3A_602 = vector.broadcast %jit3A_601 : i32 to vector<32x512xi32>
    %select_n3A_603 = arith.select %lt3A_599, %broadcast_in_dim3A_602, %select_n3A_587 : vector<32x512xi1>, vector<32x512xi32>
    %slice3A_604 = vector.extract_strided_slice %add3A_597 {offsets = [32, 0], sizes = [32, 512], strides = [1, 1]} : vector<576x512xf32> to vector<32x512xf32>
    %lt3A_605 = arith.cmpf olt, %slice3A_604, %min3A_600 : vector<32x512xf32>
    %min3A_606 = arith.minimumf %min3A_600, %slice3A_604 : vector<32x512xf32>
    %jit3A_607 = arith.constant 91 : i32
    %broadcast_in_dim3A_608 = vector.broadcast %jit3A_607 : i32 to vector<32x512xi32>
    %select_n3A_609 = arith.select %lt3A_605, %broadcast_in_dim3A_608, %select_n3A_603 : vector<32x512xi1>, vector<32x512xi32>
    %slice3A_610 = vector.extract_strided_slice %add3A_597 {offsets = [64, 0], sizes = [32, 512], strides = [1, 1]} : vector<576x512xf32> to vector<32x512xf32>
    %lt3A_611 = arith.cmpf olt, %slice3A_610, %min3A_606 : vector<32x512xf32>
    %min3A_612 = arith.minimumf %min3A_606, %slice3A_610 : vector<32x512xf32>
    %jit3A_613 = arith.constant 92 : i32
    %broadcast_in_dim3A_614 = vector.broadcast %jit3A_613 : i32 to vector<32x512xi32>
    %select_n3A_615 = arith.select %lt3A_611, %broadcast_in_dim3A_614, %select_n3A_609 : vector<32x512xi1>, vector<32x512xi32>
    %slice3A_616 = vector.extract_strided_slice %add3A_597 {offsets = [96, 0], sizes = [32, 512], strides = [1, 1]} : vector<576x512xf32> to vector<32x512xf32>
    %lt3A_617 = arith.cmpf olt, %slice3A_616, %min3A_612 : vector<32x512xf32>
    %min3A_618 = arith.minimumf %min3A_612, %slice3A_616 : vector<32x512xf32>
    %jit3A_619 = arith.constant 93 : i32
    %broadcast_in_dim3A_620 = vector.broadcast %jit3A_619 : i32 to vector<32x512xi32>
    %select_n3A_621 = arith.select %lt3A_617, %broadcast_in_dim3A_620, %select_n3A_615 : vector<32x512xi1>, vector<32x512xi32>
    %slice3A_622 = vector.extract_strided_slice %add3A_597 {offsets = [128, 0], sizes = [32, 512], strides = [1, 1]} : vector<576x512xf32> to vector<32x512xf32>
    %lt3A_623 = arith.cmpf olt, %slice3A_622, %min3A_618 : vector<32x512xf32>
    %min3A_624 = arith.minimumf %min3A_618, %slice3A_622 : vector<32x512xf32>
    %jit3A_625 = arith.constant 94 : i32
    %broadcast_in_dim3A_626 = vector.broadcast %jit3A_625 : i32 to vector<32x512xi32>
    %select_n3A_627 = arith.select %lt3A_623, %broadcast_in_dim3A_626, %select_n3A_621 : vector<32x512xi1>, vector<32x512xi32>
    %slice3A_628 = vector.extract_strided_slice %add3A_597 {offsets = [160, 0], sizes = [32, 512], strides = [1, 1]} : vector<576x512xf32> to vector<32x512xf32>
    %lt3A_629 = arith.cmpf olt, %slice3A_628, %min3A_624 : vector<32x512xf32>
    %min3A_630 = arith.minimumf %min3A_624, %slice3A_628 : vector<32x512xf32>
    %jit3A_631 = arith.constant 95 : i32
    %broadcast_in_dim3A_632 = vector.broadcast %jit3A_631 : i32 to vector<32x512xi32>
    %select_n3A_633 = arith.select %lt3A_629, %broadcast_in_dim3A_632, %select_n3A_627 : vector<32x512xi1>, vector<32x512xi32>
    %slice3A_634 = vector.extract_strided_slice %add3A_597 {offsets = [192, 0], sizes = [32, 512], strides = [1, 1]} : vector<576x512xf32> to vector<32x512xf32>
    %lt3A_635 = arith.cmpf olt, %slice3A_634, %min3A_630 : vector<32x512xf32>
    %min3A_636 = arith.minimumf %min3A_630, %slice3A_634 : vector<32x512xf32>
    %jit3A_637 = arith.constant 96 : i32
    %broadcast_in_dim3A_638 = vector.broadcast %jit3A_637 : i32 to vector<32x512xi32>
    %select_n3A_639 = arith.select %lt3A_635, %broadcast_in_dim3A_638, %select_n3A_633 : vector<32x512xi1>, vector<32x512xi32>
    %slice3A_640 = vector.extract_strided_slice %add3A_597 {offsets = [224, 0], sizes = [32, 512], strides = [1, 1]} : vector<576x512xf32> to vector<32x512xf32>
    %lt3A_641 = arith.cmpf olt, %slice3A_640, %min3A_636 : vector<32x512xf32>
    %min3A_642 = arith.minimumf %min3A_636, %slice3A_640 : vector<32x512xf32>
    %jit3A_643 = arith.constant 97 : i32
    %broadcast_in_dim3A_644 = vector.broadcast %jit3A_643 : i32 to vector<32x512xi32>
    %select_n3A_645 = arith.select %lt3A_641, %broadcast_in_dim3A_644, %select_n3A_639 : vector<32x512xi1>, vector<32x512xi32>
    %slice3A_646 = vector.extract_strided_slice %add3A_597 {offsets = [256, 0], sizes = [32, 512], strides = [1, 1]} : vector<576x512xf32> to vector<32x512xf32>
    %lt3A_647 = arith.cmpf olt, %slice3A_646, %min3A_642 : vector<32x512xf32>
    %min3A_648 = arith.minimumf %min3A_642, %slice3A_646 : vector<32x512xf32>
    %jit3A_649 = arith.constant 98 : i32
    %broadcast_in_dim3A_650 = vector.broadcast %jit3A_649 : i32 to vector<32x512xi32>
    %select_n3A_651 = arith.select %lt3A_647, %broadcast_in_dim3A_650, %select_n3A_645 : vector<32x512xi1>, vector<32x512xi32>
    %slice3A_652 = vector.extract_strided_slice %add3A_597 {offsets = [288, 0], sizes = [32, 512], strides = [1, 1]} : vector<576x512xf32> to vector<32x512xf32>
    %lt3A_653 = arith.cmpf olt, %slice3A_652, %min3A_648 : vector<32x512xf32>
    %min3A_654 = arith.minimumf %min3A_648, %slice3A_652 : vector<32x512xf32>
    %jit3A_655 = arith.constant 99 : i32
    %broadcast_in_dim3A_656 = vector.broadcast %jit3A_655 : i32 to vector<32x512xi32>
    %select_n3A_657 = arith.select %lt3A_653, %broadcast_in_dim3A_656, %select_n3A_651 : vector<32x512xi1>, vector<32x512xi32>
    %slice3A_658 = vector.extract_strided_slice %add3A_597 {offsets = [320, 0], sizes = [32, 512], strides = [1, 1]} : vector<576x512xf32> to vector<32x512xf32>
    %lt3A_659 = arith.cmpf olt, %slice3A_658, %min3A_654 : vector<32x512xf32>
    %min3A_660 = arith.minimumf %min3A_654, %slice3A_658 : vector<32x512xf32>
    %jit3A_661 = arith.constant 100 : i32
    %broadcast_in_dim3A_662 = vector.broadcast %jit3A_661 : i32 to vector<32x512xi32>
    %select_n3A_663 = arith.select %lt3A_659, %broadcast_in_dim3A_662, %select_n3A_657 : vector<32x512xi1>, vector<32x512xi32>
    %slice3A_664 = vector.extract_strided_slice %add3A_597 {offsets = [352, 0], sizes = [32, 512], strides = [1, 1]} : vector<576x512xf32> to vector<32x512xf32>
    %lt3A_665 = arith.cmpf olt, %slice3A_664, %min3A_660 : vector<32x512xf32>
    %min3A_666 = arith.minimumf %min3A_660, %slice3A_664 : vector<32x512xf32>
    %jit3A_667 = arith.constant 101 : i32
    %broadcast_in_dim3A_668 = vector.broadcast %jit3A_667 : i32 to vector<32x512xi32>
    %select_n3A_669 = arith.select %lt3A_665, %broadcast_in_dim3A_668, %select_n3A_663 : vector<32x512xi1>, vector<32x512xi32>
    %slice3A_670 = vector.extract_strided_slice %add3A_597 {offsets = [384, 0], sizes = [32, 512], strides = [1, 1]} : vector<576x512xf32> to vector<32x512xf32>
    %lt3A_671 = arith.cmpf olt, %slice3A_670, %min3A_666 : vector<32x512xf32>
    %min3A_672 = arith.minimumf %min3A_666, %slice3A_670 : vector<32x512xf32>
    %jit3A_673 = arith.constant 102 : i32
    %broadcast_in_dim3A_674 = vector.broadcast %jit3A_673 : i32 to vector<32x512xi32>
    %select_n3A_675 = arith.select %lt3A_671, %broadcast_in_dim3A_674, %select_n3A_669 : vector<32x512xi1>, vector<32x512xi32>
    %slice3A_676 = vector.extract_strided_slice %add3A_597 {offsets = [416, 0], sizes = [32, 512], strides = [1, 1]} : vector<576x512xf32> to vector<32x512xf32>
    %lt3A_677 = arith.cmpf olt, %slice3A_676, %min3A_672 : vector<32x512xf32>
    %min3A_678 = arith.minimumf %min3A_672, %slice3A_676 : vector<32x512xf32>
    %jit3A_679 = arith.constant 103 : i32
    %broadcast_in_dim3A_680 = vector.broadcast %jit3A_679 : i32 to vector<32x512xi32>
    %select_n3A_681 = arith.select %lt3A_677, %broadcast_in_dim3A_680, %select_n3A_675 : vector<32x512xi1>, vector<32x512xi32>
    %slice3A_682 = vector.extract_strided_slice %add3A_597 {offsets = [448, 0], sizes = [32, 512], strides = [1, 1]} : vector<576x512xf32> to vector<32x512xf32>
    %lt3A_683 = arith.cmpf olt, %slice3A_682, %min3A_678 : vector<32x512xf32>
    %min3A_684 = arith.minimumf %min3A_678, %slice3A_682 : vector<32x512xf32>
    %jit3A_685 = arith.constant 104 : i32
    %broadcast_in_dim3A_686 = vector.broadcast %jit3A_685 : i32 to vector<32x512xi32>
    %select_n3A_687 = arith.select %lt3A_683, %broadcast_in_dim3A_686, %select_n3A_681 : vector<32x512xi1>, vector<32x512xi32>
    %slice3A_688 = vector.extract_strided_slice %add3A_597 {offsets = [480, 0], sizes = [32, 512], strides = [1, 1]} : vector<576x512xf32> to vector<32x512xf32>
    %lt3A_689 = arith.cmpf olt, %slice3A_688, %min3A_684 : vector<32x512xf32>
    %min3A_690 = arith.minimumf %min3A_684, %slice3A_688 : vector<32x512xf32>
    %jit3A_691 = arith.constant 105 : i32
    %broadcast_in_dim3A_692 = vector.broadcast %jit3A_691 : i32 to vector<32x512xi32>
    %select_n3A_693 = arith.select %lt3A_689, %broadcast_in_dim3A_692, %select_n3A_687 : vector<32x512xi1>, vector<32x512xi32>
    %slice3A_694 = vector.extract_strided_slice %add3A_597 {offsets = [512, 0], sizes = [32, 512], strides = [1, 1]} : vector<576x512xf32> to vector<32x512xf32>
    %lt3A_695 = arith.cmpf olt, %slice3A_694, %min3A_690 : vector<32x512xf32>
    %min3A_696 = arith.minimumf %min3A_690, %slice3A_694 : vector<32x512xf32>
    %jit3A_697 = arith.constant 106 : i32
    %broadcast_in_dim3A_698 = vector.broadcast %jit3A_697 : i32 to vector<32x512xi32>
    %select_n3A_699 = arith.select %lt3A_695, %broadcast_in_dim3A_698, %select_n3A_693 : vector<32x512xi1>, vector<32x512xi32>
    %slice3A_700 = vector.extract_strided_slice %add3A_597 {offsets = [544, 0], sizes = [32, 512], strides = [1, 1]} : vector<576x512xf32> to vector<32x512xf32>
    %lt3A_701 = arith.cmpf olt, %slice3A_700, %min3A_696 : vector<32x512xf32>
    %min3A_702 = arith.minimumf %min3A_696, %slice3A_700 : vector<32x512xf32>
    %jit3A_703 = arith.constant 107 : i32
    %broadcast_in_dim3A_704 = vector.broadcast %jit3A_703 : i32 to vector<32x512xi32>
    %select_n3A_705 = arith.select %lt3A_701, %broadcast_in_dim3A_704, %select_n3A_699 : vector<32x512xi1>, vector<32x512xi32>
    %get3A_706 = arith.constant 3456 : index
    %get3A_707 = arith.constant 0 : index
    %get3A_708 = vector.load %arg2[%get3A_706, %get3A_707] : memref<6912x8xf32, #tpu.memory_space<vmem>>, vector<576x8xf32>
    %dot_general3A_709 = arith.constant dense<0.000000e+00> : vector<576x512xf32>
    %dot_general3A_710 = tpu.matmul %get3A_708, %transpose3A, %dot_general3A_709 {dimension_numbers = #tpu.dot_dimension_numbers<[1], [0], [0], [1], [0, 0, 1, 1], [], []>, transpose_lhs_hint = false} : vector<576x8xf32>, vector<8x512xf32>, vector<576x512xf32> -> vector<576x512xf32>
    %get3A_711 = arith.constant 3456 : index
    %get3A_712 = arith.constant 0 : index
    %get3A_713 = vector.load %arg3[%get3A_711, %get3A_712] : memref<6912x1xf32, #tpu.memory_space<vmem>>, vector<576x1xf32>
    %add3A_714 = vector.broadcast %get3A_713 : vector<576x1xf32> to vector<576x512xf32>
    %add3A_715 = arith.addf %dot_general3A_710, %add3A_714 : vector<576x512xf32>
    %slice3A_716 = vector.extract_strided_slice %add3A_715 {offsets = [0, 0], sizes = [32, 512], strides = [1, 1]} : vector<576x512xf32> to vector<32x512xf32>
    %lt3A_717 = arith.cmpf olt, %slice3A_716, %min3A_702 : vector<32x512xf32>
    %min3A_718 = arith.minimumf %min3A_702, %slice3A_716 : vector<32x512xf32>
    %jit3A_719 = arith.constant 108 : i32
    %broadcast_in_dim3A_720 = vector.broadcast %jit3A_719 : i32 to vector<32x512xi32>
    %select_n3A_721 = arith.select %lt3A_717, %broadcast_in_dim3A_720, %select_n3A_705 : vector<32x512xi1>, vector<32x512xi32>
    %slice3A_722 = vector.extract_strided_slice %add3A_715 {offsets = [32, 0], sizes = [32, 512], strides = [1, 1]} : vector<576x512xf32> to vector<32x512xf32>
    %lt3A_723 = arith.cmpf olt, %slice3A_722, %min3A_718 : vector<32x512xf32>
    %min3A_724 = arith.minimumf %min3A_718, %slice3A_722 : vector<32x512xf32>
    %jit3A_725 = arith.constant 109 : i32
    %broadcast_in_dim3A_726 = vector.broadcast %jit3A_725 : i32 to vector<32x512xi32>
    %select_n3A_727 = arith.select %lt3A_723, %broadcast_in_dim3A_726, %select_n3A_721 : vector<32x512xi1>, vector<32x512xi32>
    %slice3A_728 = vector.extract_strided_slice %add3A_715 {offsets = [64, 0], sizes = [32, 512], strides = [1, 1]} : vector<576x512xf32> to vector<32x512xf32>
    %lt3A_729 = arith.cmpf olt, %slice3A_728, %min3A_724 : vector<32x512xf32>
    %min3A_730 = arith.minimumf %min3A_724, %slice3A_728 : vector<32x512xf32>
    %jit3A_731 = arith.constant 110 : i32
    %broadcast_in_dim3A_732 = vector.broadcast %jit3A_731 : i32 to vector<32x512xi32>
    %select_n3A_733 = arith.select %lt3A_729, %broadcast_in_dim3A_732, %select_n3A_727 : vector<32x512xi1>, vector<32x512xi32>
    %slice3A_734 = vector.extract_strided_slice %add3A_715 {offsets = [96, 0], sizes = [32, 512], strides = [1, 1]} : vector<576x512xf32> to vector<32x512xf32>
    %lt3A_735 = arith.cmpf olt, %slice3A_734, %min3A_730 : vector<32x512xf32>
    %min3A_736 = arith.minimumf %min3A_730, %slice3A_734 : vector<32x512xf32>
    %jit3A_737 = arith.constant 111 : i32
    %broadcast_in_dim3A_738 = vector.broadcast %jit3A_737 : i32 to vector<32x512xi32>
    %select_n3A_739 = arith.select %lt3A_735, %broadcast_in_dim3A_738, %select_n3A_733 : vector<32x512xi1>, vector<32x512xi32>
    %slice3A_740 = vector.extract_strided_slice %add3A_715 {offsets = [128, 0], sizes = [32, 512], strides = [1, 1]} : vector<576x512xf32> to vector<32x512xf32>
    %lt3A_741 = arith.cmpf olt, %slice3A_740, %min3A_736 : vector<32x512xf32>
    %min3A_742 = arith.minimumf %min3A_736, %slice3A_740 : vector<32x512xf32>
    %jit3A_743 = arith.constant 112 : i32
    %broadcast_in_dim3A_744 = vector.broadcast %jit3A_743 : i32 to vector<32x512xi32>
    %select_n3A_745 = arith.select %lt3A_741, %broadcast_in_dim3A_744, %select_n3A_739 : vector<32x512xi1>, vector<32x512xi32>
    %slice3A_746 = vector.extract_strided_slice %add3A_715 {offsets = [160, 0], sizes = [32, 512], strides = [1, 1]} : vector<576x512xf32> to vector<32x512xf32>
    %lt3A_747 = arith.cmpf olt, %slice3A_746, %min3A_742 : vector<32x512xf32>
    %min3A_748 = arith.minimumf %min3A_742, %slice3A_746 : vector<32x512xf32>
    %jit3A_749 = arith.constant 113 : i32
    %broadcast_in_dim3A_750 = vector.broadcast %jit3A_749 : i32 to vector<32x512xi32>
    %select_n3A_751 = arith.select %lt3A_747, %broadcast_in_dim3A_750, %select_n3A_745 : vector<32x512xi1>, vector<32x512xi32>
    %slice3A_752 = vector.extract_strided_slice %add3A_715 {offsets = [192, 0], sizes = [32, 512], strides = [1, 1]} : vector<576x512xf32> to vector<32x512xf32>
    %lt3A_753 = arith.cmpf olt, %slice3A_752, %min3A_748 : vector<32x512xf32>
    %min3A_754 = arith.minimumf %min3A_748, %slice3A_752 : vector<32x512xf32>
    %jit3A_755 = arith.constant 114 : i32
    %broadcast_in_dim3A_756 = vector.broadcast %jit3A_755 : i32 to vector<32x512xi32>
    %select_n3A_757 = arith.select %lt3A_753, %broadcast_in_dim3A_756, %select_n3A_751 : vector<32x512xi1>, vector<32x512xi32>
    %slice3A_758 = vector.extract_strided_slice %add3A_715 {offsets = [224, 0], sizes = [32, 512], strides = [1, 1]} : vector<576x512xf32> to vector<32x512xf32>
    %lt3A_759 = arith.cmpf olt, %slice3A_758, %min3A_754 : vector<32x512xf32>
    %min3A_760 = arith.minimumf %min3A_754, %slice3A_758 : vector<32x512xf32>
    %jit3A_761 = arith.constant 115 : i32
    %broadcast_in_dim3A_762 = vector.broadcast %jit3A_761 : i32 to vector<32x512xi32>
    %select_n3A_763 = arith.select %lt3A_759, %broadcast_in_dim3A_762, %select_n3A_757 : vector<32x512xi1>, vector<32x512xi32>
    %slice3A_764 = vector.extract_strided_slice %add3A_715 {offsets = [256, 0], sizes = [32, 512], strides = [1, 1]} : vector<576x512xf32> to vector<32x512xf32>
    %lt3A_765 = arith.cmpf olt, %slice3A_764, %min3A_760 : vector<32x512xf32>
    %min3A_766 = arith.minimumf %min3A_760, %slice3A_764 : vector<32x512xf32>
    %jit3A_767 = arith.constant 116 : i32
    %broadcast_in_dim3A_768 = vector.broadcast %jit3A_767 : i32 to vector<32x512xi32>
    %select_n3A_769 = arith.select %lt3A_765, %broadcast_in_dim3A_768, %select_n3A_763 : vector<32x512xi1>, vector<32x512xi32>
    %slice3A_770 = vector.extract_strided_slice %add3A_715 {offsets = [288, 0], sizes = [32, 512], strides = [1, 1]} : vector<576x512xf32> to vector<32x512xf32>
    %lt3A_771 = arith.cmpf olt, %slice3A_770, %min3A_766 : vector<32x512xf32>
    %min3A_772 = arith.minimumf %min3A_766, %slice3A_770 : vector<32x512xf32>
    %jit3A_773 = arith.constant 117 : i32
    %broadcast_in_dim3A_774 = vector.broadcast %jit3A_773 : i32 to vector<32x512xi32>
    %select_n3A_775 = arith.select %lt3A_771, %broadcast_in_dim3A_774, %select_n3A_769 : vector<32x512xi1>, vector<32x512xi32>
    %slice3A_776 = vector.extract_strided_slice %add3A_715 {offsets = [320, 0], sizes = [32, 512], strides = [1, 1]} : vector<576x512xf32> to vector<32x512xf32>
    %lt3A_777 = arith.cmpf olt, %slice3A_776, %min3A_772 : vector<32x512xf32>
    %min3A_778 = arith.minimumf %min3A_772, %slice3A_776 : vector<32x512xf32>
    %jit3A_779 = arith.constant 118 : i32
    %broadcast_in_dim3A_780 = vector.broadcast %jit3A_779 : i32 to vector<32x512xi32>
    %select_n3A_781 = arith.select %lt3A_777, %broadcast_in_dim3A_780, %select_n3A_775 : vector<32x512xi1>, vector<32x512xi32>
    %slice3A_782 = vector.extract_strided_slice %add3A_715 {offsets = [352, 0], sizes = [32, 512], strides = [1, 1]} : vector<576x512xf32> to vector<32x512xf32>
    %lt3A_783 = arith.cmpf olt, %slice3A_782, %min3A_778 : vector<32x512xf32>
    %min3A_784 = arith.minimumf %min3A_778, %slice3A_782 : vector<32x512xf32>
    %jit3A_785 = arith.constant 119 : i32
    %broadcast_in_dim3A_786 = vector.broadcast %jit3A_785 : i32 to vector<32x512xi32>
    %select_n3A_787 = arith.select %lt3A_783, %broadcast_in_dim3A_786, %select_n3A_781 : vector<32x512xi1>, vector<32x512xi32>
    %slice3A_788 = vector.extract_strided_slice %add3A_715 {offsets = [384, 0], sizes = [32, 512], strides = [1, 1]} : vector<576x512xf32> to vector<32x512xf32>
    %lt3A_789 = arith.cmpf olt, %slice3A_788, %min3A_784 : vector<32x512xf32>
    %min3A_790 = arith.minimumf %min3A_784, %slice3A_788 : vector<32x512xf32>
    %jit3A_791 = arith.constant 120 : i32
    %broadcast_in_dim3A_792 = vector.broadcast %jit3A_791 : i32 to vector<32x512xi32>
    %select_n3A_793 = arith.select %lt3A_789, %broadcast_in_dim3A_792, %select_n3A_787 : vector<32x512xi1>, vector<32x512xi32>
    %slice3A_794 = vector.extract_strided_slice %add3A_715 {offsets = [416, 0], sizes = [32, 512], strides = [1, 1]} : vector<576x512xf32> to vector<32x512xf32>
    %lt3A_795 = arith.cmpf olt, %slice3A_794, %min3A_790 : vector<32x512xf32>
    %min3A_796 = arith.minimumf %min3A_790, %slice3A_794 : vector<32x512xf32>
    %jit3A_797 = arith.constant 121 : i32
    %broadcast_in_dim3A_798 = vector.broadcast %jit3A_797 : i32 to vector<32x512xi32>
    %select_n3A_799 = arith.select %lt3A_795, %broadcast_in_dim3A_798, %select_n3A_793 : vector<32x512xi1>, vector<32x512xi32>
    %slice3A_800 = vector.extract_strided_slice %add3A_715 {offsets = [448, 0], sizes = [32, 512], strides = [1, 1]} : vector<576x512xf32> to vector<32x512xf32>
    %lt3A_801 = arith.cmpf olt, %slice3A_800, %min3A_796 : vector<32x512xf32>
    %min3A_802 = arith.minimumf %min3A_796, %slice3A_800 : vector<32x512xf32>
    %jit3A_803 = arith.constant 122 : i32
    %broadcast_in_dim3A_804 = vector.broadcast %jit3A_803 : i32 to vector<32x512xi32>
    %select_n3A_805 = arith.select %lt3A_801, %broadcast_in_dim3A_804, %select_n3A_799 : vector<32x512xi1>, vector<32x512xi32>
    %slice3A_806 = vector.extract_strided_slice %add3A_715 {offsets = [480, 0], sizes = [32, 512], strides = [1, 1]} : vector<576x512xf32> to vector<32x512xf32>
    %lt3A_807 = arith.cmpf olt, %slice3A_806, %min3A_802 : vector<32x512xf32>
    %min3A_808 = arith.minimumf %min3A_802, %slice3A_806 : vector<32x512xf32>
    %jit3A_809 = arith.constant 123 : i32
    %broadcast_in_dim3A_810 = vector.broadcast %jit3A_809 : i32 to vector<32x512xi32>
    %select_n3A_811 = arith.select %lt3A_807, %broadcast_in_dim3A_810, %select_n3A_805 : vector<32x512xi1>, vector<32x512xi32>
    %slice3A_812 = vector.extract_strided_slice %add3A_715 {offsets = [512, 0], sizes = [32, 512], strides = [1, 1]} : vector<576x512xf32> to vector<32x512xf32>
    %lt3A_813 = arith.cmpf olt, %slice3A_812, %min3A_808 : vector<32x512xf32>
    %min3A_814 = arith.minimumf %min3A_808, %slice3A_812 : vector<32x512xf32>
    %jit3A_815 = arith.constant 124 : i32
    %broadcast_in_dim3A_816 = vector.broadcast %jit3A_815 : i32 to vector<32x512xi32>
    %select_n3A_817 = arith.select %lt3A_813, %broadcast_in_dim3A_816, %select_n3A_811 : vector<32x512xi1>, vector<32x512xi32>
    %slice3A_818 = vector.extract_strided_slice %add3A_715 {offsets = [544, 0], sizes = [32, 512], strides = [1, 1]} : vector<576x512xf32> to vector<32x512xf32>
    %lt3A_819 = arith.cmpf olt, %slice3A_818, %min3A_814 : vector<32x512xf32>
    %min3A_820 = arith.minimumf %min3A_814, %slice3A_818 : vector<32x512xf32>
    %jit3A_821 = arith.constant 125 : i32
    %broadcast_in_dim3A_822 = vector.broadcast %jit3A_821 : i32 to vector<32x512xi32>
    %select_n3A_823 = arith.select %lt3A_819, %broadcast_in_dim3A_822, %select_n3A_817 : vector<32x512xi1>, vector<32x512xi32>
    %get3A_824 = arith.constant 4032 : index
    %get3A_825 = arith.constant 0 : index
    %get3A_826 = vector.load %arg2[%get3A_824, %get3A_825] : memref<6912x8xf32, #tpu.memory_space<vmem>>, vector<576x8xf32>
    %dot_general3A_827 = arith.constant dense<0.000000e+00> : vector<576x512xf32>
    %dot_general3A_828 = tpu.matmul %get3A_826, %transpose3A, %dot_general3A_827 {dimension_numbers = #tpu.dot_dimension_numbers<[1], [0], [0], [1], [0, 0, 1, 1], [], []>, transpose_lhs_hint = false} : vector<576x8xf32>, vector<8x512xf32>, vector<576x512xf32> -> vector<576x512xf32>
    %get3A_829 = arith.constant 4032 : index
    %get3A_830 = arith.constant 0 : index
    %get3A_831 = vector.load %arg3[%get3A_829, %get3A_830] : memref<6912x1xf32, #tpu.memory_space<vmem>>, vector<576x1xf32>
    %add3A_832 = vector.broadcast %get3A_831 : vector<576x1xf32> to vector<576x512xf32>
    %add3A_833 = arith.addf %dot_general3A_828, %add3A_832 : vector<576x512xf32>
    %slice3A_834 = vector.extract_strided_slice %add3A_833 {offsets = [0, 0], sizes = [32, 512], strides = [1, 1]} : vector<576x512xf32> to vector<32x512xf32>
    %lt3A_835 = arith.cmpf olt, %slice3A_834, %min3A_820 : vector<32x512xf32>
    %min3A_836 = arith.minimumf %min3A_820, %slice3A_834 : vector<32x512xf32>
    %jit3A_837 = arith.constant 126 : i32
    %broadcast_in_dim3A_838 = vector.broadcast %jit3A_837 : i32 to vector<32x512xi32>
    %select_n3A_839 = arith.select %lt3A_835, %broadcast_in_dim3A_838, %select_n3A_823 : vector<32x512xi1>, vector<32x512xi32>
    %slice3A_840 = vector.extract_strided_slice %add3A_833 {offsets = [32, 0], sizes = [32, 512], strides = [1, 1]} : vector<576x512xf32> to vector<32x512xf32>
    %lt3A_841 = arith.cmpf olt, %slice3A_840, %min3A_836 : vector<32x512xf32>
    %min3A_842 = arith.minimumf %min3A_836, %slice3A_840 : vector<32x512xf32>
    %jit3A_843 = arith.constant 127 : i32
    %broadcast_in_dim3A_844 = vector.broadcast %jit3A_843 : i32 to vector<32x512xi32>
    %select_n3A_845 = arith.select %lt3A_841, %broadcast_in_dim3A_844, %select_n3A_839 : vector<32x512xi1>, vector<32x512xi32>
    %slice3A_846 = vector.extract_strided_slice %add3A_833 {offsets = [64, 0], sizes = [32, 512], strides = [1, 1]} : vector<576x512xf32> to vector<32x512xf32>
    %lt3A_847 = arith.cmpf olt, %slice3A_846, %min3A_842 : vector<32x512xf32>
    %min3A_848 = arith.minimumf %min3A_842, %slice3A_846 : vector<32x512xf32>
    %jit3A_849 = arith.constant 128 : i32
    %broadcast_in_dim3A_850 = vector.broadcast %jit3A_849 : i32 to vector<32x512xi32>
    %select_n3A_851 = arith.select %lt3A_847, %broadcast_in_dim3A_850, %select_n3A_845 : vector<32x512xi1>, vector<32x512xi32>
    %slice3A_852 = vector.extract_strided_slice %add3A_833 {offsets = [96, 0], sizes = [32, 512], strides = [1, 1]} : vector<576x512xf32> to vector<32x512xf32>
    %lt3A_853 = arith.cmpf olt, %slice3A_852, %min3A_848 : vector<32x512xf32>
    %min3A_854 = arith.minimumf %min3A_848, %slice3A_852 : vector<32x512xf32>
    %jit3A_855 = arith.constant 129 : i32
    %broadcast_in_dim3A_856 = vector.broadcast %jit3A_855 : i32 to vector<32x512xi32>
    %select_n3A_857 = arith.select %lt3A_853, %broadcast_in_dim3A_856, %select_n3A_851 : vector<32x512xi1>, vector<32x512xi32>
    %slice3A_858 = vector.extract_strided_slice %add3A_833 {offsets = [128, 0], sizes = [32, 512], strides = [1, 1]} : vector<576x512xf32> to vector<32x512xf32>
    %lt3A_859 = arith.cmpf olt, %slice3A_858, %min3A_854 : vector<32x512xf32>
    %min3A_860 = arith.minimumf %min3A_854, %slice3A_858 : vector<32x512xf32>
    %jit3A_861 = arith.constant 130 : i32
    %broadcast_in_dim3A_862 = vector.broadcast %jit3A_861 : i32 to vector<32x512xi32>
    %select_n3A_863 = arith.select %lt3A_859, %broadcast_in_dim3A_862, %select_n3A_857 : vector<32x512xi1>, vector<32x512xi32>
    %slice3A_864 = vector.extract_strided_slice %add3A_833 {offsets = [160, 0], sizes = [32, 512], strides = [1, 1]} : vector<576x512xf32> to vector<32x512xf32>
    %lt3A_865 = arith.cmpf olt, %slice3A_864, %min3A_860 : vector<32x512xf32>
    %min3A_866 = arith.minimumf %min3A_860, %slice3A_864 : vector<32x512xf32>
    %jit3A_867 = arith.constant 131 : i32
    %broadcast_in_dim3A_868 = vector.broadcast %jit3A_867 : i32 to vector<32x512xi32>
    %select_n3A_869 = arith.select %lt3A_865, %broadcast_in_dim3A_868, %select_n3A_863 : vector<32x512xi1>, vector<32x512xi32>
    %slice3A_870 = vector.extract_strided_slice %add3A_833 {offsets = [192, 0], sizes = [32, 512], strides = [1, 1]} : vector<576x512xf32> to vector<32x512xf32>
    %lt3A_871 = arith.cmpf olt, %slice3A_870, %min3A_866 : vector<32x512xf32>
    %min3A_872 = arith.minimumf %min3A_866, %slice3A_870 : vector<32x512xf32>
    %jit3A_873 = arith.constant 132 : i32
    %broadcast_in_dim3A_874 = vector.broadcast %jit3A_873 : i32 to vector<32x512xi32>
    %select_n3A_875 = arith.select %lt3A_871, %broadcast_in_dim3A_874, %select_n3A_869 : vector<32x512xi1>, vector<32x512xi32>
    %slice3A_876 = vector.extract_strided_slice %add3A_833 {offsets = [224, 0], sizes = [32, 512], strides = [1, 1]} : vector<576x512xf32> to vector<32x512xf32>
    %lt3A_877 = arith.cmpf olt, %slice3A_876, %min3A_872 : vector<32x512xf32>
    %min3A_878 = arith.minimumf %min3A_872, %slice3A_876 : vector<32x512xf32>
    %jit3A_879 = arith.constant 133 : i32
    %broadcast_in_dim3A_880 = vector.broadcast %jit3A_879 : i32 to vector<32x512xi32>
    %select_n3A_881 = arith.select %lt3A_877, %broadcast_in_dim3A_880, %select_n3A_875 : vector<32x512xi1>, vector<32x512xi32>
    %slice3A_882 = vector.extract_strided_slice %add3A_833 {offsets = [256, 0], sizes = [32, 512], strides = [1, 1]} : vector<576x512xf32> to vector<32x512xf32>
    %lt3A_883 = arith.cmpf olt, %slice3A_882, %min3A_878 : vector<32x512xf32>
    %min3A_884 = arith.minimumf %min3A_878, %slice3A_882 : vector<32x512xf32>
    %jit3A_885 = arith.constant 134 : i32
    %broadcast_in_dim3A_886 = vector.broadcast %jit3A_885 : i32 to vector<32x512xi32>
    %select_n3A_887 = arith.select %lt3A_883, %broadcast_in_dim3A_886, %select_n3A_881 : vector<32x512xi1>, vector<32x512xi32>
    %slice3A_888 = vector.extract_strided_slice %add3A_833 {offsets = [288, 0], sizes = [32, 512], strides = [1, 1]} : vector<576x512xf32> to vector<32x512xf32>
    %lt3A_889 = arith.cmpf olt, %slice3A_888, %min3A_884 : vector<32x512xf32>
    %min3A_890 = arith.minimumf %min3A_884, %slice3A_888 : vector<32x512xf32>
    %jit3A_891 = arith.constant 135 : i32
    %broadcast_in_dim3A_892 = vector.broadcast %jit3A_891 : i32 to vector<32x512xi32>
    %select_n3A_893 = arith.select %lt3A_889, %broadcast_in_dim3A_892, %select_n3A_887 : vector<32x512xi1>, vector<32x512xi32>
    %slice3A_894 = vector.extract_strided_slice %add3A_833 {offsets = [320, 0], sizes = [32, 512], strides = [1, 1]} : vector<576x512xf32> to vector<32x512xf32>
    %lt3A_895 = arith.cmpf olt, %slice3A_894, %min3A_890 : vector<32x512xf32>
    %min3A_896 = arith.minimumf %min3A_890, %slice3A_894 : vector<32x512xf32>
    %jit3A_897 = arith.constant 136 : i32
    %broadcast_in_dim3A_898 = vector.broadcast %jit3A_897 : i32 to vector<32x512xi32>
    %select_n3A_899 = arith.select %lt3A_895, %broadcast_in_dim3A_898, %select_n3A_893 : vector<32x512xi1>, vector<32x512xi32>
    %slice3A_900 = vector.extract_strided_slice %add3A_833 {offsets = [352, 0], sizes = [32, 512], strides = [1, 1]} : vector<576x512xf32> to vector<32x512xf32>
    %lt3A_901 = arith.cmpf olt, %slice3A_900, %min3A_896 : vector<32x512xf32>
    %min3A_902 = arith.minimumf %min3A_896, %slice3A_900 : vector<32x512xf32>
    %jit3A_903 = arith.constant 137 : i32
    %broadcast_in_dim3A_904 = vector.broadcast %jit3A_903 : i32 to vector<32x512xi32>
    %select_n3A_905 = arith.select %lt3A_901, %broadcast_in_dim3A_904, %select_n3A_899 : vector<32x512xi1>, vector<32x512xi32>
    %slice3A_906 = vector.extract_strided_slice %add3A_833 {offsets = [384, 0], sizes = [32, 512], strides = [1, 1]} : vector<576x512xf32> to vector<32x512xf32>
    %lt3A_907 = arith.cmpf olt, %slice3A_906, %min3A_902 : vector<32x512xf32>
    %min3A_908 = arith.minimumf %min3A_902, %slice3A_906 : vector<32x512xf32>
    %jit3A_909 = arith.constant 138 : i32
    %broadcast_in_dim3A_910 = vector.broadcast %jit3A_909 : i32 to vector<32x512xi32>
    %select_n3A_911 = arith.select %lt3A_907, %broadcast_in_dim3A_910, %select_n3A_905 : vector<32x512xi1>, vector<32x512xi32>
    %slice3A_912 = vector.extract_strided_slice %add3A_833 {offsets = [416, 0], sizes = [32, 512], strides = [1, 1]} : vector<576x512xf32> to vector<32x512xf32>
    %lt3A_913 = arith.cmpf olt, %slice3A_912, %min3A_908 : vector<32x512xf32>
    %min3A_914 = arith.minimumf %min3A_908, %slice3A_912 : vector<32x512xf32>
    %jit3A_915 = arith.constant 139 : i32
    %broadcast_in_dim3A_916 = vector.broadcast %jit3A_915 : i32 to vector<32x512xi32>
    %select_n3A_917 = arith.select %lt3A_913, %broadcast_in_dim3A_916, %select_n3A_911 : vector<32x512xi1>, vector<32x512xi32>
    %slice3A_918 = vector.extract_strided_slice %add3A_833 {offsets = [448, 0], sizes = [32, 512], strides = [1, 1]} : vector<576x512xf32> to vector<32x512xf32>
    %lt3A_919 = arith.cmpf olt, %slice3A_918, %min3A_914 : vector<32x512xf32>
    %min3A_920 = arith.minimumf %min3A_914, %slice3A_918 : vector<32x512xf32>
    %jit3A_921 = arith.constant 140 : i32
    %broadcast_in_dim3A_922 = vector.broadcast %jit3A_921 : i32 to vector<32x512xi32>
    %select_n3A_923 = arith.select %lt3A_919, %broadcast_in_dim3A_922, %select_n3A_917 : vector<32x512xi1>, vector<32x512xi32>
    %slice3A_924 = vector.extract_strided_slice %add3A_833 {offsets = [480, 0], sizes = [32, 512], strides = [1, 1]} : vector<576x512xf32> to vector<32x512xf32>
    %lt3A_925 = arith.cmpf olt, %slice3A_924, %min3A_920 : vector<32x512xf32>
    %min3A_926 = arith.minimumf %min3A_920, %slice3A_924 : vector<32x512xf32>
    %jit3A_927 = arith.constant 141 : i32
    %broadcast_in_dim3A_928 = vector.broadcast %jit3A_927 : i32 to vector<32x512xi32>
    %select_n3A_929 = arith.select %lt3A_925, %broadcast_in_dim3A_928, %select_n3A_923 : vector<32x512xi1>, vector<32x512xi32>
    %slice3A_930 = vector.extract_strided_slice %add3A_833 {offsets = [512, 0], sizes = [32, 512], strides = [1, 1]} : vector<576x512xf32> to vector<32x512xf32>
    %lt3A_931 = arith.cmpf olt, %slice3A_930, %min3A_926 : vector<32x512xf32>
    %min3A_932 = arith.minimumf %min3A_926, %slice3A_930 : vector<32x512xf32>
    %jit3A_933 = arith.constant 142 : i32
    %broadcast_in_dim3A_934 = vector.broadcast %jit3A_933 : i32 to vector<32x512xi32>
    %select_n3A_935 = arith.select %lt3A_931, %broadcast_in_dim3A_934, %select_n3A_929 : vector<32x512xi1>, vector<32x512xi32>
    %slice3A_936 = vector.extract_strided_slice %add3A_833 {offsets = [544, 0], sizes = [32, 512], strides = [1, 1]} : vector<576x512xf32> to vector<32x512xf32>
    %lt3A_937 = arith.cmpf olt, %slice3A_936, %min3A_932 : vector<32x512xf32>
    %min3A_938 = arith.minimumf %min3A_932, %slice3A_936 : vector<32x512xf32>
    %jit3A_939 = arith.constant 143 : i32
    %broadcast_in_dim3A_940 = vector.broadcast %jit3A_939 : i32 to vector<32x512xi32>
    %select_n3A_941 = arith.select %lt3A_937, %broadcast_in_dim3A_940, %select_n3A_935 : vector<32x512xi1>, vector<32x512xi32>
    %get3A_942 = arith.constant 4608 : index
    %get3A_943 = arith.constant 0 : index
    %get3A_944 = vector.load %arg2[%get3A_942, %get3A_943] : memref<6912x8xf32, #tpu.memory_space<vmem>>, vector<576x8xf32>
    %dot_general3A_945 = arith.constant dense<0.000000e+00> : vector<576x512xf32>
    %dot_general3A_946 = tpu.matmul %get3A_944, %transpose3A, %dot_general3A_945 {dimension_numbers = #tpu.dot_dimension_numbers<[1], [0], [0], [1], [0, 0, 1, 1], [], []>, transpose_lhs_hint = false} : vector<576x8xf32>, vector<8x512xf32>, vector<576x512xf32> -> vector<576x512xf32>
    %get3A_947 = arith.constant 4608 : index
    %get3A_948 = arith.constant 0 : index
    %get3A_949 = vector.load %arg3[%get3A_947, %get3A_948] : memref<6912x1xf32, #tpu.memory_space<vmem>>, vector<576x1xf32>
    %add3A_950 = vector.broadcast %get3A_949 : vector<576x1xf32> to vector<576x512xf32>
    %add3A_951 = arith.addf %dot_general3A_946, %add3A_950 : vector<576x512xf32>
    %slice3A_952 = vector.extract_strided_slice %add3A_951 {offsets = [0, 0], sizes = [32, 512], strides = [1, 1]} : vector<576x512xf32> to vector<32x512xf32>
    %lt3A_953 = arith.cmpf olt, %slice3A_952, %min3A_938 : vector<32x512xf32>
    %min3A_954 = arith.minimumf %min3A_938, %slice3A_952 : vector<32x512xf32>
    %jit3A_955 = arith.constant 144 : i32
    %broadcast_in_dim3A_956 = vector.broadcast %jit3A_955 : i32 to vector<32x512xi32>
    %select_n3A_957 = arith.select %lt3A_953, %broadcast_in_dim3A_956, %select_n3A_941 : vector<32x512xi1>, vector<32x512xi32>
    %slice3A_958 = vector.extract_strided_slice %add3A_951 {offsets = [32, 0], sizes = [32, 512], strides = [1, 1]} : vector<576x512xf32> to vector<32x512xf32>
    %lt3A_959 = arith.cmpf olt, %slice3A_958, %min3A_954 : vector<32x512xf32>
    %min3A_960 = arith.minimumf %min3A_954, %slice3A_958 : vector<32x512xf32>
    %jit3A_961 = arith.constant 145 : i32
    %broadcast_in_dim3A_962 = vector.broadcast %jit3A_961 : i32 to vector<32x512xi32>
    %select_n3A_963 = arith.select %lt3A_959, %broadcast_in_dim3A_962, %select_n3A_957 : vector<32x512xi1>, vector<32x512xi32>
    %slice3A_964 = vector.extract_strided_slice %add3A_951 {offsets = [64, 0], sizes = [32, 512], strides = [1, 1]} : vector<576x512xf32> to vector<32x512xf32>
    %lt3A_965 = arith.cmpf olt, %slice3A_964, %min3A_960 : vector<32x512xf32>
    %min3A_966 = arith.minimumf %min3A_960, %slice3A_964 : vector<32x512xf32>
    %jit3A_967 = arith.constant 146 : i32
    %broadcast_in_dim3A_968 = vector.broadcast %jit3A_967 : i32 to vector<32x512xi32>
    %select_n3A_969 = arith.select %lt3A_965, %broadcast_in_dim3A_968, %select_n3A_963 : vector<32x512xi1>, vector<32x512xi32>
    %slice3A_970 = vector.extract_strided_slice %add3A_951 {offsets = [96, 0], sizes = [32, 512], strides = [1, 1]} : vector<576x512xf32> to vector<32x512xf32>
    %lt3A_971 = arith.cmpf olt, %slice3A_970, %min3A_966 : vector<32x512xf32>
    %min3A_972 = arith.minimumf %min3A_966, %slice3A_970 : vector<32x512xf32>
    %jit3A_973 = arith.constant 147 : i32
    %broadcast_in_dim3A_974 = vector.broadcast %jit3A_973 : i32 to vector<32x512xi32>
    %select_n3A_975 = arith.select %lt3A_971, %broadcast_in_dim3A_974, %select_n3A_969 : vector<32x512xi1>, vector<32x512xi32>
    %slice3A_976 = vector.extract_strided_slice %add3A_951 {offsets = [128, 0], sizes = [32, 512], strides = [1, 1]} : vector<576x512xf32> to vector<32x512xf32>
    %lt3A_977 = arith.cmpf olt, %slice3A_976, %min3A_972 : vector<32x512xf32>
    %min3A_978 = arith.minimumf %min3A_972, %slice3A_976 : vector<32x512xf32>
    %jit3A_979 = arith.constant 148 : i32
    %broadcast_in_dim3A_980 = vector.broadcast %jit3A_979 : i32 to vector<32x512xi32>
    %select_n3A_981 = arith.select %lt3A_977, %broadcast_in_dim3A_980, %select_n3A_975 : vector<32x512xi1>, vector<32x512xi32>
    %slice3A_982 = vector.extract_strided_slice %add3A_951 {offsets = [160, 0], sizes = [32, 512], strides = [1, 1]} : vector<576x512xf32> to vector<32x512xf32>
    %lt3A_983 = arith.cmpf olt, %slice3A_982, %min3A_978 : vector<32x512xf32>
    %min3A_984 = arith.minimumf %min3A_978, %slice3A_982 : vector<32x512xf32>
    %jit3A_985 = arith.constant 149 : i32
    %broadcast_in_dim3A_986 = vector.broadcast %jit3A_985 : i32 to vector<32x512xi32>
    %select_n3A_987 = arith.select %lt3A_983, %broadcast_in_dim3A_986, %select_n3A_981 : vector<32x512xi1>, vector<32x512xi32>
    %slice3A_988 = vector.extract_strided_slice %add3A_951 {offsets = [192, 0], sizes = [32, 512], strides = [1, 1]} : vector<576x512xf32> to vector<32x512xf32>
    %lt3A_989 = arith.cmpf olt, %slice3A_988, %min3A_984 : vector<32x512xf32>
    %min3A_990 = arith.minimumf %min3A_984, %slice3A_988 : vector<32x512xf32>
    %jit3A_991 = arith.constant 150 : i32
    %broadcast_in_dim3A_992 = vector.broadcast %jit3A_991 : i32 to vector<32x512xi32>
    %select_n3A_993 = arith.select %lt3A_989, %broadcast_in_dim3A_992, %select_n3A_987 : vector<32x512xi1>, vector<32x512xi32>
    %slice3A_994 = vector.extract_strided_slice %add3A_951 {offsets = [224, 0], sizes = [32, 512], strides = [1, 1]} : vector<576x512xf32> to vector<32x512xf32>
    %lt3A_995 = arith.cmpf olt, %slice3A_994, %min3A_990 : vector<32x512xf32>
    %min3A_996 = arith.minimumf %min3A_990, %slice3A_994 : vector<32x512xf32>
    %jit3A_997 = arith.constant 151 : i32
    %broadcast_in_dim3A_998 = vector.broadcast %jit3A_997 : i32 to vector<32x512xi32>
    %select_n3A_999 = arith.select %lt3A_995, %broadcast_in_dim3A_998, %select_n3A_993 : vector<32x512xi1>, vector<32x512xi32>
    %slice3A_1000 = vector.extract_strided_slice %add3A_951 {offsets = [256, 0], sizes = [32, 512], strides = [1, 1]} : vector<576x512xf32> to vector<32x512xf32>
    %lt3A_1001 = arith.cmpf olt, %slice3A_1000, %min3A_996 : vector<32x512xf32>
    %min3A_1002 = arith.minimumf %min3A_996, %slice3A_1000 : vector<32x512xf32>
    %jit3A_1003 = arith.constant 152 : i32
    %broadcast_in_dim3A_1004 = vector.broadcast %jit3A_1003 : i32 to vector<32x512xi32>
    %select_n3A_1005 = arith.select %lt3A_1001, %broadcast_in_dim3A_1004, %select_n3A_999 : vector<32x512xi1>, vector<32x512xi32>
    %slice3A_1006 = vector.extract_strided_slice %add3A_951 {offsets = [288, 0], sizes = [32, 512], strides = [1, 1]} : vector<576x512xf32> to vector<32x512xf32>
    %lt3A_1007 = arith.cmpf olt, %slice3A_1006, %min3A_1002 : vector<32x512xf32>
    %min3A_1008 = arith.minimumf %min3A_1002, %slice3A_1006 : vector<32x512xf32>
    %jit3A_1009 = arith.constant 153 : i32
    %broadcast_in_dim3A_1010 = vector.broadcast %jit3A_1009 : i32 to vector<32x512xi32>
    %select_n3A_1011 = arith.select %lt3A_1007, %broadcast_in_dim3A_1010, %select_n3A_1005 : vector<32x512xi1>, vector<32x512xi32>
    %slice3A_1012 = vector.extract_strided_slice %add3A_951 {offsets = [320, 0], sizes = [32, 512], strides = [1, 1]} : vector<576x512xf32> to vector<32x512xf32>
    %lt3A_1013 = arith.cmpf olt, %slice3A_1012, %min3A_1008 : vector<32x512xf32>
    %min3A_1014 = arith.minimumf %min3A_1008, %slice3A_1012 : vector<32x512xf32>
    %jit3A_1015 = arith.constant 154 : i32
    %broadcast_in_dim3A_1016 = vector.broadcast %jit3A_1015 : i32 to vector<32x512xi32>
    %select_n3A_1017 = arith.select %lt3A_1013, %broadcast_in_dim3A_1016, %select_n3A_1011 : vector<32x512xi1>, vector<32x512xi32>
    %slice3A_1018 = vector.extract_strided_slice %add3A_951 {offsets = [352, 0], sizes = [32, 512], strides = [1, 1]} : vector<576x512xf32> to vector<32x512xf32>
    %lt3A_1019 = arith.cmpf olt, %slice3A_1018, %min3A_1014 : vector<32x512xf32>
    %min3A_1020 = arith.minimumf %min3A_1014, %slice3A_1018 : vector<32x512xf32>
    %jit3A_1021 = arith.constant 155 : i32
    %broadcast_in_dim3A_1022 = vector.broadcast %jit3A_1021 : i32 to vector<32x512xi32>
    %select_n3A_1023 = arith.select %lt3A_1019, %broadcast_in_dim3A_1022, %select_n3A_1017 : vector<32x512xi1>, vector<32x512xi32>
    %slice3A_1024 = vector.extract_strided_slice %add3A_951 {offsets = [384, 0], sizes = [32, 512], strides = [1, 1]} : vector<576x512xf32> to vector<32x512xf32>
    %lt3A_1025 = arith.cmpf olt, %slice3A_1024, %min3A_1020 : vector<32x512xf32>
    %min3A_1026 = arith.minimumf %min3A_1020, %slice3A_1024 : vector<32x512xf32>
    %jit3A_1027 = arith.constant 156 : i32
    %broadcast_in_dim3A_1028 = vector.broadcast %jit3A_1027 : i32 to vector<32x512xi32>
    %select_n3A_1029 = arith.select %lt3A_1025, %broadcast_in_dim3A_1028, %select_n3A_1023 : vector<32x512xi1>, vector<32x512xi32>
    %slice3A_1030 = vector.extract_strided_slice %add3A_951 {offsets = [416, 0], sizes = [32, 512], strides = [1, 1]} : vector<576x512xf32> to vector<32x512xf32>
    %lt3A_1031 = arith.cmpf olt, %slice3A_1030, %min3A_1026 : vector<32x512xf32>
    %min3A_1032 = arith.minimumf %min3A_1026, %slice3A_1030 : vector<32x512xf32>
    %jit3A_1033 = arith.constant 157 : i32
    %broadcast_in_dim3A_1034 = vector.broadcast %jit3A_1033 : i32 to vector<32x512xi32>
    %select_n3A_1035 = arith.select %lt3A_1031, %broadcast_in_dim3A_1034, %select_n3A_1029 : vector<32x512xi1>, vector<32x512xi32>
    %slice3A_1036 = vector.extract_strided_slice %add3A_951 {offsets = [448, 0], sizes = [32, 512], strides = [1, 1]} : vector<576x512xf32> to vector<32x512xf32>
    %lt3A_1037 = arith.cmpf olt, %slice3A_1036, %min3A_1032 : vector<32x512xf32>
    %min3A_1038 = arith.minimumf %min3A_1032, %slice3A_1036 : vector<32x512xf32>
    %jit3A_1039 = arith.constant 158 : i32
    %broadcast_in_dim3A_1040 = vector.broadcast %jit3A_1039 : i32 to vector<32x512xi32>
    %select_n3A_1041 = arith.select %lt3A_1037, %broadcast_in_dim3A_1040, %select_n3A_1035 : vector<32x512xi1>, vector<32x512xi32>
    %slice3A_1042 = vector.extract_strided_slice %add3A_951 {offsets = [480, 0], sizes = [32, 512], strides = [1, 1]} : vector<576x512xf32> to vector<32x512xf32>
    %lt3A_1043 = arith.cmpf olt, %slice3A_1042, %min3A_1038 : vector<32x512xf32>
    %min3A_1044 = arith.minimumf %min3A_1038, %slice3A_1042 : vector<32x512xf32>
    %jit3A_1045 = arith.constant 159 : i32
    %broadcast_in_dim3A_1046 = vector.broadcast %jit3A_1045 : i32 to vector<32x512xi32>
    %select_n3A_1047 = arith.select %lt3A_1043, %broadcast_in_dim3A_1046, %select_n3A_1041 : vector<32x512xi1>, vector<32x512xi32>
    %slice3A_1048 = vector.extract_strided_slice %add3A_951 {offsets = [512, 0], sizes = [32, 512], strides = [1, 1]} : vector<576x512xf32> to vector<32x512xf32>
    %lt3A_1049 = arith.cmpf olt, %slice3A_1048, %min3A_1044 : vector<32x512xf32>
    %min3A_1050 = arith.minimumf %min3A_1044, %slice3A_1048 : vector<32x512xf32>
    %jit3A_1051 = arith.constant 160 : i32
    %broadcast_in_dim3A_1052 = vector.broadcast %jit3A_1051 : i32 to vector<32x512xi32>
    %select_n3A_1053 = arith.select %lt3A_1049, %broadcast_in_dim3A_1052, %select_n3A_1047 : vector<32x512xi1>, vector<32x512xi32>
    %slice3A_1054 = vector.extract_strided_slice %add3A_951 {offsets = [544, 0], sizes = [32, 512], strides = [1, 1]} : vector<576x512xf32> to vector<32x512xf32>
    %lt3A_1055 = arith.cmpf olt, %slice3A_1054, %min3A_1050 : vector<32x512xf32>
    %min3A_1056 = arith.minimumf %min3A_1050, %slice3A_1054 : vector<32x512xf32>
    %jit3A_1057 = arith.constant 161 : i32
    %broadcast_in_dim3A_1058 = vector.broadcast %jit3A_1057 : i32 to vector<32x512xi32>
    %select_n3A_1059 = arith.select %lt3A_1055, %broadcast_in_dim3A_1058, %select_n3A_1053 : vector<32x512xi1>, vector<32x512xi32>
    %get3A_1060 = arith.constant 5184 : index
    %get3A_1061 = arith.constant 0 : index
    %get3A_1062 = vector.load %arg2[%get3A_1060, %get3A_1061] : memref<6912x8xf32, #tpu.memory_space<vmem>>, vector<576x8xf32>
    %dot_general3A_1063 = arith.constant dense<0.000000e+00> : vector<576x512xf32>
    %dot_general3A_1064 = tpu.matmul %get3A_1062, %transpose3A, %dot_general3A_1063 {dimension_numbers = #tpu.dot_dimension_numbers<[1], [0], [0], [1], [0, 0, 1, 1], [], []>, transpose_lhs_hint = false} : vector<576x8xf32>, vector<8x512xf32>, vector<576x512xf32> -> vector<576x512xf32>
    %get3A_1065 = arith.constant 5184 : index
    %get3A_1066 = arith.constant 0 : index
    %get3A_1067 = vector.load %arg3[%get3A_1065, %get3A_1066] : memref<6912x1xf32, #tpu.memory_space<vmem>>, vector<576x1xf32>
    %add3A_1068 = vector.broadcast %get3A_1067 : vector<576x1xf32> to vector<576x512xf32>
    %add3A_1069 = arith.addf %dot_general3A_1064, %add3A_1068 : vector<576x512xf32>
    %slice3A_1070 = vector.extract_strided_slice %add3A_1069 {offsets = [0, 0], sizes = [32, 512], strides = [1, 1]} : vector<576x512xf32> to vector<32x512xf32>
    %lt3A_1071 = arith.cmpf olt, %slice3A_1070, %min3A_1056 : vector<32x512xf32>
    %min3A_1072 = arith.minimumf %min3A_1056, %slice3A_1070 : vector<32x512xf32>
    %jit3A_1073 = arith.constant 162 : i32
    %broadcast_in_dim3A_1074 = vector.broadcast %jit3A_1073 : i32 to vector<32x512xi32>
    %select_n3A_1075 = arith.select %lt3A_1071, %broadcast_in_dim3A_1074, %select_n3A_1059 : vector<32x512xi1>, vector<32x512xi32>
    %slice3A_1076 = vector.extract_strided_slice %add3A_1069 {offsets = [32, 0], sizes = [32, 512], strides = [1, 1]} : vector<576x512xf32> to vector<32x512xf32>
    %lt3A_1077 = arith.cmpf olt, %slice3A_1076, %min3A_1072 : vector<32x512xf32>
    %min3A_1078 = arith.minimumf %min3A_1072, %slice3A_1076 : vector<32x512xf32>
    %jit3A_1079 = arith.constant 163 : i32
    %broadcast_in_dim3A_1080 = vector.broadcast %jit3A_1079 : i32 to vector<32x512xi32>
    %select_n3A_1081 = arith.select %lt3A_1077, %broadcast_in_dim3A_1080, %select_n3A_1075 : vector<32x512xi1>, vector<32x512xi32>
    %slice3A_1082 = vector.extract_strided_slice %add3A_1069 {offsets = [64, 0], sizes = [32, 512], strides = [1, 1]} : vector<576x512xf32> to vector<32x512xf32>
    %lt3A_1083 = arith.cmpf olt, %slice3A_1082, %min3A_1078 : vector<32x512xf32>
    %min3A_1084 = arith.minimumf %min3A_1078, %slice3A_1082 : vector<32x512xf32>
    %jit3A_1085 = arith.constant 164 : i32
    %broadcast_in_dim3A_1086 = vector.broadcast %jit3A_1085 : i32 to vector<32x512xi32>
    %select_n3A_1087 = arith.select %lt3A_1083, %broadcast_in_dim3A_1086, %select_n3A_1081 : vector<32x512xi1>, vector<32x512xi32>
    %slice3A_1088 = vector.extract_strided_slice %add3A_1069 {offsets = [96, 0], sizes = [32, 512], strides = [1, 1]} : vector<576x512xf32> to vector<32x512xf32>
    %lt3A_1089 = arith.cmpf olt, %slice3A_1088, %min3A_1084 : vector<32x512xf32>
    %min3A_1090 = arith.minimumf %min3A_1084, %slice3A_1088 : vector<32x512xf32>
    %jit3A_1091 = arith.constant 165 : i32
    %broadcast_in_dim3A_1092 = vector.broadcast %jit3A_1091 : i32 to vector<32x512xi32>
    %select_n3A_1093 = arith.select %lt3A_1089, %broadcast_in_dim3A_1092, %select_n3A_1087 : vector<32x512xi1>, vector<32x512xi32>
    %slice3A_1094 = vector.extract_strided_slice %add3A_1069 {offsets = [128, 0], sizes = [32, 512], strides = [1, 1]} : vector<576x512xf32> to vector<32x512xf32>
    %lt3A_1095 = arith.cmpf olt, %slice3A_1094, %min3A_1090 : vector<32x512xf32>
    %min3A_1096 = arith.minimumf %min3A_1090, %slice3A_1094 : vector<32x512xf32>
    %jit3A_1097 = arith.constant 166 : i32
    %broadcast_in_dim3A_1098 = vector.broadcast %jit3A_1097 : i32 to vector<32x512xi32>
    %select_n3A_1099 = arith.select %lt3A_1095, %broadcast_in_dim3A_1098, %select_n3A_1093 : vector<32x512xi1>, vector<32x512xi32>
    %slice3A_1100 = vector.extract_strided_slice %add3A_1069 {offsets = [160, 0], sizes = [32, 512], strides = [1, 1]} : vector<576x512xf32> to vector<32x512xf32>
    %lt3A_1101 = arith.cmpf olt, %slice3A_1100, %min3A_1096 : vector<32x512xf32>
    %min3A_1102 = arith.minimumf %min3A_1096, %slice3A_1100 : vector<32x512xf32>
    %jit3A_1103 = arith.constant 167 : i32
    %broadcast_in_dim3A_1104 = vector.broadcast %jit3A_1103 : i32 to vector<32x512xi32>
    %select_n3A_1105 = arith.select %lt3A_1101, %broadcast_in_dim3A_1104, %select_n3A_1099 : vector<32x512xi1>, vector<32x512xi32>
    %slice3A_1106 = vector.extract_strided_slice %add3A_1069 {offsets = [192, 0], sizes = [32, 512], strides = [1, 1]} : vector<576x512xf32> to vector<32x512xf32>
    %lt3A_1107 = arith.cmpf olt, %slice3A_1106, %min3A_1102 : vector<32x512xf32>
    %min3A_1108 = arith.minimumf %min3A_1102, %slice3A_1106 : vector<32x512xf32>
    %jit3A_1109 = arith.constant 168 : i32
    %broadcast_in_dim3A_1110 = vector.broadcast %jit3A_1109 : i32 to vector<32x512xi32>
    %select_n3A_1111 = arith.select %lt3A_1107, %broadcast_in_dim3A_1110, %select_n3A_1105 : vector<32x512xi1>, vector<32x512xi32>
    %slice3A_1112 = vector.extract_strided_slice %add3A_1069 {offsets = [224, 0], sizes = [32, 512], strides = [1, 1]} : vector<576x512xf32> to vector<32x512xf32>
    %lt3A_1113 = arith.cmpf olt, %slice3A_1112, %min3A_1108 : vector<32x512xf32>
    %min3A_1114 = arith.minimumf %min3A_1108, %slice3A_1112 : vector<32x512xf32>
    %jit3A_1115 = arith.constant 169 : i32
    %broadcast_in_dim3A_1116 = vector.broadcast %jit3A_1115 : i32 to vector<32x512xi32>
    %select_n3A_1117 = arith.select %lt3A_1113, %broadcast_in_dim3A_1116, %select_n3A_1111 : vector<32x512xi1>, vector<32x512xi32>
    %slice3A_1118 = vector.extract_strided_slice %add3A_1069 {offsets = [256, 0], sizes = [32, 512], strides = [1, 1]} : vector<576x512xf32> to vector<32x512xf32>
    %lt3A_1119 = arith.cmpf olt, %slice3A_1118, %min3A_1114 : vector<32x512xf32>
    %min3A_1120 = arith.minimumf %min3A_1114, %slice3A_1118 : vector<32x512xf32>
    %jit3A_1121 = arith.constant 170 : i32
    %broadcast_in_dim3A_1122 = vector.broadcast %jit3A_1121 : i32 to vector<32x512xi32>
    %select_n3A_1123 = arith.select %lt3A_1119, %broadcast_in_dim3A_1122, %select_n3A_1117 : vector<32x512xi1>, vector<32x512xi32>
    %slice3A_1124 = vector.extract_strided_slice %add3A_1069 {offsets = [288, 0], sizes = [32, 512], strides = [1, 1]} : vector<576x512xf32> to vector<32x512xf32>
    %lt3A_1125 = arith.cmpf olt, %slice3A_1124, %min3A_1120 : vector<32x512xf32>
    %min3A_1126 = arith.minimumf %min3A_1120, %slice3A_1124 : vector<32x512xf32>
    %jit3A_1127 = arith.constant 171 : i32
    %broadcast_in_dim3A_1128 = vector.broadcast %jit3A_1127 : i32 to vector<32x512xi32>
    %select_n3A_1129 = arith.select %lt3A_1125, %broadcast_in_dim3A_1128, %select_n3A_1123 : vector<32x512xi1>, vector<32x512xi32>
    %slice3A_1130 = vector.extract_strided_slice %add3A_1069 {offsets = [320, 0], sizes = [32, 512], strides = [1, 1]} : vector<576x512xf32> to vector<32x512xf32>
    %lt3A_1131 = arith.cmpf olt, %slice3A_1130, %min3A_1126 : vector<32x512xf32>
    %min3A_1132 = arith.minimumf %min3A_1126, %slice3A_1130 : vector<32x512xf32>
    %jit3A_1133 = arith.constant 172 : i32
    %broadcast_in_dim3A_1134 = vector.broadcast %jit3A_1133 : i32 to vector<32x512xi32>
    %select_n3A_1135 = arith.select %lt3A_1131, %broadcast_in_dim3A_1134, %select_n3A_1129 : vector<32x512xi1>, vector<32x512xi32>
    %slice3A_1136 = vector.extract_strided_slice %add3A_1069 {offsets = [352, 0], sizes = [32, 512], strides = [1, 1]} : vector<576x512xf32> to vector<32x512xf32>
    %lt3A_1137 = arith.cmpf olt, %slice3A_1136, %min3A_1132 : vector<32x512xf32>
    %min3A_1138 = arith.minimumf %min3A_1132, %slice3A_1136 : vector<32x512xf32>
    %jit3A_1139 = arith.constant 173 : i32
    %broadcast_in_dim3A_1140 = vector.broadcast %jit3A_1139 : i32 to vector<32x512xi32>
    %select_n3A_1141 = arith.select %lt3A_1137, %broadcast_in_dim3A_1140, %select_n3A_1135 : vector<32x512xi1>, vector<32x512xi32>
    %slice3A_1142 = vector.extract_strided_slice %add3A_1069 {offsets = [384, 0], sizes = [32, 512], strides = [1, 1]} : vector<576x512xf32> to vector<32x512xf32>
    %lt3A_1143 = arith.cmpf olt, %slice3A_1142, %min3A_1138 : vector<32x512xf32>
    %min3A_1144 = arith.minimumf %min3A_1138, %slice3A_1142 : vector<32x512xf32>
    %jit3A_1145 = arith.constant 174 : i32
    %broadcast_in_dim3A_1146 = vector.broadcast %jit3A_1145 : i32 to vector<32x512xi32>
    %select_n3A_1147 = arith.select %lt3A_1143, %broadcast_in_dim3A_1146, %select_n3A_1141 : vector<32x512xi1>, vector<32x512xi32>
    %slice3A_1148 = vector.extract_strided_slice %add3A_1069 {offsets = [416, 0], sizes = [32, 512], strides = [1, 1]} : vector<576x512xf32> to vector<32x512xf32>
    %lt3A_1149 = arith.cmpf olt, %slice3A_1148, %min3A_1144 : vector<32x512xf32>
    %min3A_1150 = arith.minimumf %min3A_1144, %slice3A_1148 : vector<32x512xf32>
    %jit3A_1151 = arith.constant 175 : i32
    %broadcast_in_dim3A_1152 = vector.broadcast %jit3A_1151 : i32 to vector<32x512xi32>
    %select_n3A_1153 = arith.select %lt3A_1149, %broadcast_in_dim3A_1152, %select_n3A_1147 : vector<32x512xi1>, vector<32x512xi32>
    %slice3A_1154 = vector.extract_strided_slice %add3A_1069 {offsets = [448, 0], sizes = [32, 512], strides = [1, 1]} : vector<576x512xf32> to vector<32x512xf32>
    %lt3A_1155 = arith.cmpf olt, %slice3A_1154, %min3A_1150 : vector<32x512xf32>
    %min3A_1156 = arith.minimumf %min3A_1150, %slice3A_1154 : vector<32x512xf32>
    %jit3A_1157 = arith.constant 176 : i32
    %broadcast_in_dim3A_1158 = vector.broadcast %jit3A_1157 : i32 to vector<32x512xi32>
    %select_n3A_1159 = arith.select %lt3A_1155, %broadcast_in_dim3A_1158, %select_n3A_1153 : vector<32x512xi1>, vector<32x512xi32>
    %slice3A_1160 = vector.extract_strided_slice %add3A_1069 {offsets = [480, 0], sizes = [32, 512], strides = [1, 1]} : vector<576x512xf32> to vector<32x512xf32>
    %lt3A_1161 = arith.cmpf olt, %slice3A_1160, %min3A_1156 : vector<32x512xf32>
    %min3A_1162 = arith.minimumf %min3A_1156, %slice3A_1160 : vector<32x512xf32>
    %jit3A_1163 = arith.constant 177 : i32
    %broadcast_in_dim3A_1164 = vector.broadcast %jit3A_1163 : i32 to vector<32x512xi32>
    %select_n3A_1165 = arith.select %lt3A_1161, %broadcast_in_dim3A_1164, %select_n3A_1159 : vector<32x512xi1>, vector<32x512xi32>
    %slice3A_1166 = vector.extract_strided_slice %add3A_1069 {offsets = [512, 0], sizes = [32, 512], strides = [1, 1]} : vector<576x512xf32> to vector<32x512xf32>
    %lt3A_1167 = arith.cmpf olt, %slice3A_1166, %min3A_1162 : vector<32x512xf32>
    %min3A_1168 = arith.minimumf %min3A_1162, %slice3A_1166 : vector<32x512xf32>
    %jit3A_1169 = arith.constant 178 : i32
    %broadcast_in_dim3A_1170 = vector.broadcast %jit3A_1169 : i32 to vector<32x512xi32>
    %select_n3A_1171 = arith.select %lt3A_1167, %broadcast_in_dim3A_1170, %select_n3A_1165 : vector<32x512xi1>, vector<32x512xi32>
    %slice3A_1172 = vector.extract_strided_slice %add3A_1069 {offsets = [544, 0], sizes = [32, 512], strides = [1, 1]} : vector<576x512xf32> to vector<32x512xf32>
    %lt3A_1173 = arith.cmpf olt, %slice3A_1172, %min3A_1168 : vector<32x512xf32>
    %min3A_1174 = arith.minimumf %min3A_1168, %slice3A_1172 : vector<32x512xf32>
    %jit3A_1175 = arith.constant 179 : i32
    %broadcast_in_dim3A_1176 = vector.broadcast %jit3A_1175 : i32 to vector<32x512xi32>
    %select_n3A_1177 = arith.select %lt3A_1173, %broadcast_in_dim3A_1176, %select_n3A_1171 : vector<32x512xi1>, vector<32x512xi32>
    %get3A_1178 = arith.constant 5760 : index
    %get3A_1179 = arith.constant 0 : index
    %get3A_1180 = vector.load %arg2[%get3A_1178, %get3A_1179] : memref<6912x8xf32, #tpu.memory_space<vmem>>, vector<576x8xf32>
    %dot_general3A_1181 = arith.constant dense<0.000000e+00> : vector<576x512xf32>
    %dot_general3A_1182 = tpu.matmul %get3A_1180, %transpose3A, %dot_general3A_1181 {dimension_numbers = #tpu.dot_dimension_numbers<[1], [0], [0], [1], [0, 0, 1, 1], [], []>, transpose_lhs_hint = false} : vector<576x8xf32>, vector<8x512xf32>, vector<576x512xf32> -> vector<576x512xf32>
    %get3A_1183 = arith.constant 5760 : index
    %get3A_1184 = arith.constant 0 : index
    %get3A_1185 = vector.load %arg3[%get3A_1183, %get3A_1184] : memref<6912x1xf32, #tpu.memory_space<vmem>>, vector<576x1xf32>
    %add3A_1186 = vector.broadcast %get3A_1185 : vector<576x1xf32> to vector<576x512xf32>
    %add3A_1187 = arith.addf %dot_general3A_1182, %add3A_1186 : vector<576x512xf32>
    %slice3A_1188 = vector.extract_strided_slice %add3A_1187 {offsets = [0, 0], sizes = [32, 512], strides = [1, 1]} : vector<576x512xf32> to vector<32x512xf32>
    %lt3A_1189 = arith.cmpf olt, %slice3A_1188, %min3A_1174 : vector<32x512xf32>
    %min3A_1190 = arith.minimumf %min3A_1174, %slice3A_1188 : vector<32x512xf32>
    %jit3A_1191 = arith.constant 180 : i32
    %broadcast_in_dim3A_1192 = vector.broadcast %jit3A_1191 : i32 to vector<32x512xi32>
    %select_n3A_1193 = arith.select %lt3A_1189, %broadcast_in_dim3A_1192, %select_n3A_1177 : vector<32x512xi1>, vector<32x512xi32>
    %slice3A_1194 = vector.extract_strided_slice %add3A_1187 {offsets = [32, 0], sizes = [32, 512], strides = [1, 1]} : vector<576x512xf32> to vector<32x512xf32>
    %lt3A_1195 = arith.cmpf olt, %slice3A_1194, %min3A_1190 : vector<32x512xf32>
    %min3A_1196 = arith.minimumf %min3A_1190, %slice3A_1194 : vector<32x512xf32>
    %jit3A_1197 = arith.constant 181 : i32
    %broadcast_in_dim3A_1198 = vector.broadcast %jit3A_1197 : i32 to vector<32x512xi32>
    %select_n3A_1199 = arith.select %lt3A_1195, %broadcast_in_dim3A_1198, %select_n3A_1193 : vector<32x512xi1>, vector<32x512xi32>
    %slice3A_1200 = vector.extract_strided_slice %add3A_1187 {offsets = [64, 0], sizes = [32, 512], strides = [1, 1]} : vector<576x512xf32> to vector<32x512xf32>
    %lt3A_1201 = arith.cmpf olt, %slice3A_1200, %min3A_1196 : vector<32x512xf32>
    %min3A_1202 = arith.minimumf %min3A_1196, %slice3A_1200 : vector<32x512xf32>
    %jit3A_1203 = arith.constant 182 : i32
    %broadcast_in_dim3A_1204 = vector.broadcast %jit3A_1203 : i32 to vector<32x512xi32>
    %select_n3A_1205 = arith.select %lt3A_1201, %broadcast_in_dim3A_1204, %select_n3A_1199 : vector<32x512xi1>, vector<32x512xi32>
    %slice3A_1206 = vector.extract_strided_slice %add3A_1187 {offsets = [96, 0], sizes = [32, 512], strides = [1, 1]} : vector<576x512xf32> to vector<32x512xf32>
    %lt3A_1207 = arith.cmpf olt, %slice3A_1206, %min3A_1202 : vector<32x512xf32>
    %min3A_1208 = arith.minimumf %min3A_1202, %slice3A_1206 : vector<32x512xf32>
    %jit3A_1209 = arith.constant 183 : i32
    %broadcast_in_dim3A_1210 = vector.broadcast %jit3A_1209 : i32 to vector<32x512xi32>
    %select_n3A_1211 = arith.select %lt3A_1207, %broadcast_in_dim3A_1210, %select_n3A_1205 : vector<32x512xi1>, vector<32x512xi32>
    %slice3A_1212 = vector.extract_strided_slice %add3A_1187 {offsets = [128, 0], sizes = [32, 512], strides = [1, 1]} : vector<576x512xf32> to vector<32x512xf32>
    %lt3A_1213 = arith.cmpf olt, %slice3A_1212, %min3A_1208 : vector<32x512xf32>
    %min3A_1214 = arith.minimumf %min3A_1208, %slice3A_1212 : vector<32x512xf32>
    %jit3A_1215 = arith.constant 184 : i32
    %broadcast_in_dim3A_1216 = vector.broadcast %jit3A_1215 : i32 to vector<32x512xi32>
    %select_n3A_1217 = arith.select %lt3A_1213, %broadcast_in_dim3A_1216, %select_n3A_1211 : vector<32x512xi1>, vector<32x512xi32>
    %slice3A_1218 = vector.extract_strided_slice %add3A_1187 {offsets = [160, 0], sizes = [32, 512], strides = [1, 1]} : vector<576x512xf32> to vector<32x512xf32>
    %lt3A_1219 = arith.cmpf olt, %slice3A_1218, %min3A_1214 : vector<32x512xf32>
    %min3A_1220 = arith.minimumf %min3A_1214, %slice3A_1218 : vector<32x512xf32>
    %jit3A_1221 = arith.constant 185 : i32
    %broadcast_in_dim3A_1222 = vector.broadcast %jit3A_1221 : i32 to vector<32x512xi32>
    %select_n3A_1223 = arith.select %lt3A_1219, %broadcast_in_dim3A_1222, %select_n3A_1217 : vector<32x512xi1>, vector<32x512xi32>
    %slice3A_1224 = vector.extract_strided_slice %add3A_1187 {offsets = [192, 0], sizes = [32, 512], strides = [1, 1]} : vector<576x512xf32> to vector<32x512xf32>
    %lt3A_1225 = arith.cmpf olt, %slice3A_1224, %min3A_1220 : vector<32x512xf32>
    %min3A_1226 = arith.minimumf %min3A_1220, %slice3A_1224 : vector<32x512xf32>
    %jit3A_1227 = arith.constant 186 : i32
    %broadcast_in_dim3A_1228 = vector.broadcast %jit3A_1227 : i32 to vector<32x512xi32>
    %select_n3A_1229 = arith.select %lt3A_1225, %broadcast_in_dim3A_1228, %select_n3A_1223 : vector<32x512xi1>, vector<32x512xi32>
    %slice3A_1230 = vector.extract_strided_slice %add3A_1187 {offsets = [224, 0], sizes = [32, 512], strides = [1, 1]} : vector<576x512xf32> to vector<32x512xf32>
    %lt3A_1231 = arith.cmpf olt, %slice3A_1230, %min3A_1226 : vector<32x512xf32>
    %min3A_1232 = arith.minimumf %min3A_1226, %slice3A_1230 : vector<32x512xf32>
    %jit3A_1233 = arith.constant 187 : i32
    %broadcast_in_dim3A_1234 = vector.broadcast %jit3A_1233 : i32 to vector<32x512xi32>
    %select_n3A_1235 = arith.select %lt3A_1231, %broadcast_in_dim3A_1234, %select_n3A_1229 : vector<32x512xi1>, vector<32x512xi32>
    %slice3A_1236 = vector.extract_strided_slice %add3A_1187 {offsets = [256, 0], sizes = [32, 512], strides = [1, 1]} : vector<576x512xf32> to vector<32x512xf32>
    %lt3A_1237 = arith.cmpf olt, %slice3A_1236, %min3A_1232 : vector<32x512xf32>
    %min3A_1238 = arith.minimumf %min3A_1232, %slice3A_1236 : vector<32x512xf32>
    %jit3A_1239 = arith.constant 188 : i32
    %broadcast_in_dim3A_1240 = vector.broadcast %jit3A_1239 : i32 to vector<32x512xi32>
    %select_n3A_1241 = arith.select %lt3A_1237, %broadcast_in_dim3A_1240, %select_n3A_1235 : vector<32x512xi1>, vector<32x512xi32>
    %slice3A_1242 = vector.extract_strided_slice %add3A_1187 {offsets = [288, 0], sizes = [32, 512], strides = [1, 1]} : vector<576x512xf32> to vector<32x512xf32>
    %lt3A_1243 = arith.cmpf olt, %slice3A_1242, %min3A_1238 : vector<32x512xf32>
    %min3A_1244 = arith.minimumf %min3A_1238, %slice3A_1242 : vector<32x512xf32>
    %jit3A_1245 = arith.constant 189 : i32
    %broadcast_in_dim3A_1246 = vector.broadcast %jit3A_1245 : i32 to vector<32x512xi32>
    %select_n3A_1247 = arith.select %lt3A_1243, %broadcast_in_dim3A_1246, %select_n3A_1241 : vector<32x512xi1>, vector<32x512xi32>
    %slice3A_1248 = vector.extract_strided_slice %add3A_1187 {offsets = [320, 0], sizes = [32, 512], strides = [1, 1]} : vector<576x512xf32> to vector<32x512xf32>
    %lt3A_1249 = arith.cmpf olt, %slice3A_1248, %min3A_1244 : vector<32x512xf32>
    %min3A_1250 = arith.minimumf %min3A_1244, %slice3A_1248 : vector<32x512xf32>
    %jit3A_1251 = arith.constant 190 : i32
    %broadcast_in_dim3A_1252 = vector.broadcast %jit3A_1251 : i32 to vector<32x512xi32>
    %select_n3A_1253 = arith.select %lt3A_1249, %broadcast_in_dim3A_1252, %select_n3A_1247 : vector<32x512xi1>, vector<32x512xi32>
    %slice3A_1254 = vector.extract_strided_slice %add3A_1187 {offsets = [352, 0], sizes = [32, 512], strides = [1, 1]} : vector<576x512xf32> to vector<32x512xf32>
    %lt3A_1255 = arith.cmpf olt, %slice3A_1254, %min3A_1250 : vector<32x512xf32>
    %min3A_1256 = arith.minimumf %min3A_1250, %slice3A_1254 : vector<32x512xf32>
    %jit3A_1257 = arith.constant 191 : i32
    %broadcast_in_dim3A_1258 = vector.broadcast %jit3A_1257 : i32 to vector<32x512xi32>
    %select_n3A_1259 = arith.select %lt3A_1255, %broadcast_in_dim3A_1258, %select_n3A_1253 : vector<32x512xi1>, vector<32x512xi32>
    %slice3A_1260 = vector.extract_strided_slice %add3A_1187 {offsets = [384, 0], sizes = [32, 512], strides = [1, 1]} : vector<576x512xf32> to vector<32x512xf32>
    %lt3A_1261 = arith.cmpf olt, %slice3A_1260, %min3A_1256 : vector<32x512xf32>
    %min3A_1262 = arith.minimumf %min3A_1256, %slice3A_1260 : vector<32x512xf32>
    %jit3A_1263 = arith.constant 192 : i32
    %broadcast_in_dim3A_1264 = vector.broadcast %jit3A_1263 : i32 to vector<32x512xi32>
    %select_n3A_1265 = arith.select %lt3A_1261, %broadcast_in_dim3A_1264, %select_n3A_1259 : vector<32x512xi1>, vector<32x512xi32>
    %slice3A_1266 = vector.extract_strided_slice %add3A_1187 {offsets = [416, 0], sizes = [32, 512], strides = [1, 1]} : vector<576x512xf32> to vector<32x512xf32>
    %lt3A_1267 = arith.cmpf olt, %slice3A_1266, %min3A_1262 : vector<32x512xf32>
    %min3A_1268 = arith.minimumf %min3A_1262, %slice3A_1266 : vector<32x512xf32>
    %jit3A_1269 = arith.constant 193 : i32
    %broadcast_in_dim3A_1270 = vector.broadcast %jit3A_1269 : i32 to vector<32x512xi32>
    %select_n3A_1271 = arith.select %lt3A_1267, %broadcast_in_dim3A_1270, %select_n3A_1265 : vector<32x512xi1>, vector<32x512xi32>
    %slice3A_1272 = vector.extract_strided_slice %add3A_1187 {offsets = [448, 0], sizes = [32, 512], strides = [1, 1]} : vector<576x512xf32> to vector<32x512xf32>
    %lt3A_1273 = arith.cmpf olt, %slice3A_1272, %min3A_1268 : vector<32x512xf32>
    %min3A_1274 = arith.minimumf %min3A_1268, %slice3A_1272 : vector<32x512xf32>
    %jit3A_1275 = arith.constant 194 : i32
    %broadcast_in_dim3A_1276 = vector.broadcast %jit3A_1275 : i32 to vector<32x512xi32>
    %select_n3A_1277 = arith.select %lt3A_1273, %broadcast_in_dim3A_1276, %select_n3A_1271 : vector<32x512xi1>, vector<32x512xi32>
    %slice3A_1278 = vector.extract_strided_slice %add3A_1187 {offsets = [480, 0], sizes = [32, 512], strides = [1, 1]} : vector<576x512xf32> to vector<32x512xf32>
    %lt3A_1279 = arith.cmpf olt, %slice3A_1278, %min3A_1274 : vector<32x512xf32>
    %min3A_1280 = arith.minimumf %min3A_1274, %slice3A_1278 : vector<32x512xf32>
    %jit3A_1281 = arith.constant 195 : i32
    %broadcast_in_dim3A_1282 = vector.broadcast %jit3A_1281 : i32 to vector<32x512xi32>
    %select_n3A_1283 = arith.select %lt3A_1279, %broadcast_in_dim3A_1282, %select_n3A_1277 : vector<32x512xi1>, vector<32x512xi32>
    %slice3A_1284 = vector.extract_strided_slice %add3A_1187 {offsets = [512, 0], sizes = [32, 512], strides = [1, 1]} : vector<576x512xf32> to vector<32x512xf32>
    %lt3A_1285 = arith.cmpf olt, %slice3A_1284, %min3A_1280 : vector<32x512xf32>
    %min3A_1286 = arith.minimumf %min3A_1280, %slice3A_1284 : vector<32x512xf32>
    %jit3A_1287 = arith.constant 196 : i32
    %broadcast_in_dim3A_1288 = vector.broadcast %jit3A_1287 : i32 to vector<32x512xi32>
    %select_n3A_1289 = arith.select %lt3A_1285, %broadcast_in_dim3A_1288, %select_n3A_1283 : vector<32x512xi1>, vector<32x512xi32>
    %slice3A_1290 = vector.extract_strided_slice %add3A_1187 {offsets = [544, 0], sizes = [32, 512], strides = [1, 1]} : vector<576x512xf32> to vector<32x512xf32>
    %lt3A_1291 = arith.cmpf olt, %slice3A_1290, %min3A_1286 : vector<32x512xf32>
    %min3A_1292 = arith.minimumf %min3A_1286, %slice3A_1290 : vector<32x512xf32>
    %jit3A_1293 = arith.constant 197 : i32
    %broadcast_in_dim3A_1294 = vector.broadcast %jit3A_1293 : i32 to vector<32x512xi32>
    %select_n3A_1295 = arith.select %lt3A_1291, %broadcast_in_dim3A_1294, %select_n3A_1289 : vector<32x512xi1>, vector<32x512xi32>
    %get3A_1296 = arith.constant 6336 : index
    %get3A_1297 = arith.constant 0 : index
    %get3A_1298 = vector.load %arg2[%get3A_1296, %get3A_1297] : memref<6912x8xf32, #tpu.memory_space<vmem>>, vector<576x8xf32>
    %dot_general3A_1299 = arith.constant dense<0.000000e+00> : vector<576x512xf32>
    %dot_general3A_1300 = tpu.matmul %get3A_1298, %transpose3A, %dot_general3A_1299 {dimension_numbers = #tpu.dot_dimension_numbers<[1], [0], [0], [1], [0, 0, 1, 1], [], []>, transpose_lhs_hint = false} : vector<576x8xf32>, vector<8x512xf32>, vector<576x512xf32> -> vector<576x512xf32>
    %get3A_1301 = arith.constant 6336 : index
    %get3A_1302 = arith.constant 0 : index
    %get3A_1303 = vector.load %arg3[%get3A_1301, %get3A_1302] : memref<6912x1xf32, #tpu.memory_space<vmem>>, vector<576x1xf32>
    %add3A_1304 = vector.broadcast %get3A_1303 : vector<576x1xf32> to vector<576x512xf32>
    %add3A_1305 = arith.addf %dot_general3A_1300, %add3A_1304 : vector<576x512xf32>
    %slice3A_1306 = vector.extract_strided_slice %add3A_1305 {offsets = [0, 0], sizes = [32, 512], strides = [1, 1]} : vector<576x512xf32> to vector<32x512xf32>
    %lt3A_1307 = arith.cmpf olt, %slice3A_1306, %min3A_1292 : vector<32x512xf32>
    %min3A_1308 = arith.minimumf %min3A_1292, %slice3A_1306 : vector<32x512xf32>
    %jit3A_1309 = arith.constant 198 : i32
    %broadcast_in_dim3A_1310 = vector.broadcast %jit3A_1309 : i32 to vector<32x512xi32>
    %select_n3A_1311 = arith.select %lt3A_1307, %broadcast_in_dim3A_1310, %select_n3A_1295 : vector<32x512xi1>, vector<32x512xi32>
    %slice3A_1312 = vector.extract_strided_slice %add3A_1305 {offsets = [32, 0], sizes = [32, 512], strides = [1, 1]} : vector<576x512xf32> to vector<32x512xf32>
    %lt3A_1313 = arith.cmpf olt, %slice3A_1312, %min3A_1308 : vector<32x512xf32>
    %min3A_1314 = arith.minimumf %min3A_1308, %slice3A_1312 : vector<32x512xf32>
    %jit3A_1315 = arith.constant 199 : i32
    %broadcast_in_dim3A_1316 = vector.broadcast %jit3A_1315 : i32 to vector<32x512xi32>
    %select_n3A_1317 = arith.select %lt3A_1313, %broadcast_in_dim3A_1316, %select_n3A_1311 : vector<32x512xi1>, vector<32x512xi32>
    %slice3A_1318 = vector.extract_strided_slice %add3A_1305 {offsets = [64, 0], sizes = [32, 512], strides = [1, 1]} : vector<576x512xf32> to vector<32x512xf32>
    %lt3A_1319 = arith.cmpf olt, %slice3A_1318, %min3A_1314 : vector<32x512xf32>
    %min3A_1320 = arith.minimumf %min3A_1314, %slice3A_1318 : vector<32x512xf32>
    %jit3A_1321 = arith.constant 200 : i32
    %broadcast_in_dim3A_1322 = vector.broadcast %jit3A_1321 : i32 to vector<32x512xi32>
    %select_n3A_1323 = arith.select %lt3A_1319, %broadcast_in_dim3A_1322, %select_n3A_1317 : vector<32x512xi1>, vector<32x512xi32>
    %slice3A_1324 = vector.extract_strided_slice %add3A_1305 {offsets = [96, 0], sizes = [32, 512], strides = [1, 1]} : vector<576x512xf32> to vector<32x512xf32>
    %lt3A_1325 = arith.cmpf olt, %slice3A_1324, %min3A_1320 : vector<32x512xf32>
    %min3A_1326 = arith.minimumf %min3A_1320, %slice3A_1324 : vector<32x512xf32>
    %jit3A_1327 = arith.constant 201 : i32
    %broadcast_in_dim3A_1328 = vector.broadcast %jit3A_1327 : i32 to vector<32x512xi32>
    %select_n3A_1329 = arith.select %lt3A_1325, %broadcast_in_dim3A_1328, %select_n3A_1323 : vector<32x512xi1>, vector<32x512xi32>
    %slice3A_1330 = vector.extract_strided_slice %add3A_1305 {offsets = [128, 0], sizes = [32, 512], strides = [1, 1]} : vector<576x512xf32> to vector<32x512xf32>
    %lt3A_1331 = arith.cmpf olt, %slice3A_1330, %min3A_1326 : vector<32x512xf32>
    %min3A_1332 = arith.minimumf %min3A_1326, %slice3A_1330 : vector<32x512xf32>
    %jit3A_1333 = arith.constant 202 : i32
    %broadcast_in_dim3A_1334 = vector.broadcast %jit3A_1333 : i32 to vector<32x512xi32>
    %select_n3A_1335 = arith.select %lt3A_1331, %broadcast_in_dim3A_1334, %select_n3A_1329 : vector<32x512xi1>, vector<32x512xi32>
    %slice3A_1336 = vector.extract_strided_slice %add3A_1305 {offsets = [160, 0], sizes = [32, 512], strides = [1, 1]} : vector<576x512xf32> to vector<32x512xf32>
    %lt3A_1337 = arith.cmpf olt, %slice3A_1336, %min3A_1332 : vector<32x512xf32>
    %min3A_1338 = arith.minimumf %min3A_1332, %slice3A_1336 : vector<32x512xf32>
    %jit3A_1339 = arith.constant 203 : i32
    %broadcast_in_dim3A_1340 = vector.broadcast %jit3A_1339 : i32 to vector<32x512xi32>
    %select_n3A_1341 = arith.select %lt3A_1337, %broadcast_in_dim3A_1340, %select_n3A_1335 : vector<32x512xi1>, vector<32x512xi32>
    %slice3A_1342 = vector.extract_strided_slice %add3A_1305 {offsets = [192, 0], sizes = [32, 512], strides = [1, 1]} : vector<576x512xf32> to vector<32x512xf32>
    %lt3A_1343 = arith.cmpf olt, %slice3A_1342, %min3A_1338 : vector<32x512xf32>
    %min3A_1344 = arith.minimumf %min3A_1338, %slice3A_1342 : vector<32x512xf32>
    %jit3A_1345 = arith.constant 204 : i32
    %broadcast_in_dim3A_1346 = vector.broadcast %jit3A_1345 : i32 to vector<32x512xi32>
    %select_n3A_1347 = arith.select %lt3A_1343, %broadcast_in_dim3A_1346, %select_n3A_1341 : vector<32x512xi1>, vector<32x512xi32>
    %slice3A_1348 = vector.extract_strided_slice %add3A_1305 {offsets = [224, 0], sizes = [32, 512], strides = [1, 1]} : vector<576x512xf32> to vector<32x512xf32>
    %lt3A_1349 = arith.cmpf olt, %slice3A_1348, %min3A_1344 : vector<32x512xf32>
    %min3A_1350 = arith.minimumf %min3A_1344, %slice3A_1348 : vector<32x512xf32>
    %jit3A_1351 = arith.constant 205 : i32
    %broadcast_in_dim3A_1352 = vector.broadcast %jit3A_1351 : i32 to vector<32x512xi32>
    %select_n3A_1353 = arith.select %lt3A_1349, %broadcast_in_dim3A_1352, %select_n3A_1347 : vector<32x512xi1>, vector<32x512xi32>
    %slice3A_1354 = vector.extract_strided_slice %add3A_1305 {offsets = [256, 0], sizes = [32, 512], strides = [1, 1]} : vector<576x512xf32> to vector<32x512xf32>
    %lt3A_1355 = arith.cmpf olt, %slice3A_1354, %min3A_1350 : vector<32x512xf32>
    %min3A_1356 = arith.minimumf %min3A_1350, %slice3A_1354 : vector<32x512xf32>
    %jit3A_1357 = arith.constant 206 : i32
    %broadcast_in_dim3A_1358 = vector.broadcast %jit3A_1357 : i32 to vector<32x512xi32>
    %select_n3A_1359 = arith.select %lt3A_1355, %broadcast_in_dim3A_1358, %select_n3A_1353 : vector<32x512xi1>, vector<32x512xi32>
    %slice3A_1360 = vector.extract_strided_slice %add3A_1305 {offsets = [288, 0], sizes = [32, 512], strides = [1, 1]} : vector<576x512xf32> to vector<32x512xf32>
    %lt3A_1361 = arith.cmpf olt, %slice3A_1360, %min3A_1356 : vector<32x512xf32>
    %min3A_1362 = arith.minimumf %min3A_1356, %slice3A_1360 : vector<32x512xf32>
    %jit3A_1363 = arith.constant 207 : i32
    %broadcast_in_dim3A_1364 = vector.broadcast %jit3A_1363 : i32 to vector<32x512xi32>
    %select_n3A_1365 = arith.select %lt3A_1361, %broadcast_in_dim3A_1364, %select_n3A_1359 : vector<32x512xi1>, vector<32x512xi32>
    %slice3A_1366 = vector.extract_strided_slice %add3A_1305 {offsets = [320, 0], sizes = [32, 512], strides = [1, 1]} : vector<576x512xf32> to vector<32x512xf32>
    %lt3A_1367 = arith.cmpf olt, %slice3A_1366, %min3A_1362 : vector<32x512xf32>
    %min3A_1368 = arith.minimumf %min3A_1362, %slice3A_1366 : vector<32x512xf32>
    %jit3A_1369 = arith.constant 208 : i32
    %broadcast_in_dim3A_1370 = vector.broadcast %jit3A_1369 : i32 to vector<32x512xi32>
    %select_n3A_1371 = arith.select %lt3A_1367, %broadcast_in_dim3A_1370, %select_n3A_1365 : vector<32x512xi1>, vector<32x512xi32>
    %slice3A_1372 = vector.extract_strided_slice %add3A_1305 {offsets = [352, 0], sizes = [32, 512], strides = [1, 1]} : vector<576x512xf32> to vector<32x512xf32>
    %lt3A_1373 = arith.cmpf olt, %slice3A_1372, %min3A_1368 : vector<32x512xf32>
    %min3A_1374 = arith.minimumf %min3A_1368, %slice3A_1372 : vector<32x512xf32>
    %jit3A_1375 = arith.constant 209 : i32
    %broadcast_in_dim3A_1376 = vector.broadcast %jit3A_1375 : i32 to vector<32x512xi32>
    %select_n3A_1377 = arith.select %lt3A_1373, %broadcast_in_dim3A_1376, %select_n3A_1371 : vector<32x512xi1>, vector<32x512xi32>
    %slice3A_1378 = vector.extract_strided_slice %add3A_1305 {offsets = [384, 0], sizes = [32, 512], strides = [1, 1]} : vector<576x512xf32> to vector<32x512xf32>
    %lt3A_1379 = arith.cmpf olt, %slice3A_1378, %min3A_1374 : vector<32x512xf32>
    %min3A_1380 = arith.minimumf %min3A_1374, %slice3A_1378 : vector<32x512xf32>
    %jit3A_1381 = arith.constant 210 : i32
    %broadcast_in_dim3A_1382 = vector.broadcast %jit3A_1381 : i32 to vector<32x512xi32>
    %select_n3A_1383 = arith.select %lt3A_1379, %broadcast_in_dim3A_1382, %select_n3A_1377 : vector<32x512xi1>, vector<32x512xi32>
    %slice3A_1384 = vector.extract_strided_slice %add3A_1305 {offsets = [416, 0], sizes = [32, 512], strides = [1, 1]} : vector<576x512xf32> to vector<32x512xf32>
    %lt3A_1385 = arith.cmpf olt, %slice3A_1384, %min3A_1380 : vector<32x512xf32>
    %min3A_1386 = arith.minimumf %min3A_1380, %slice3A_1384 : vector<32x512xf32>
    %jit3A_1387 = arith.constant 211 : i32
    %broadcast_in_dim3A_1388 = vector.broadcast %jit3A_1387 : i32 to vector<32x512xi32>
    %select_n3A_1389 = arith.select %lt3A_1385, %broadcast_in_dim3A_1388, %select_n3A_1383 : vector<32x512xi1>, vector<32x512xi32>
    %slice3A_1390 = vector.extract_strided_slice %add3A_1305 {offsets = [448, 0], sizes = [32, 512], strides = [1, 1]} : vector<576x512xf32> to vector<32x512xf32>
    %lt3A_1391 = arith.cmpf olt, %slice3A_1390, %min3A_1386 : vector<32x512xf32>
    %min3A_1392 = arith.minimumf %min3A_1386, %slice3A_1390 : vector<32x512xf32>
    %jit3A_1393 = arith.constant 212 : i32
    %broadcast_in_dim3A_1394 = vector.broadcast %jit3A_1393 : i32 to vector<32x512xi32>
    %select_n3A_1395 = arith.select %lt3A_1391, %broadcast_in_dim3A_1394, %select_n3A_1389 : vector<32x512xi1>, vector<32x512xi32>
    %slice3A_1396 = vector.extract_strided_slice %add3A_1305 {offsets = [480, 0], sizes = [32, 512], strides = [1, 1]} : vector<576x512xf32> to vector<32x512xf32>
    %lt3A_1397 = arith.cmpf olt, %slice3A_1396, %min3A_1392 : vector<32x512xf32>
    %min3A_1398 = arith.minimumf %min3A_1392, %slice3A_1396 : vector<32x512xf32>
    %jit3A_1399 = arith.constant 213 : i32
    %broadcast_in_dim3A_1400 = vector.broadcast %jit3A_1399 : i32 to vector<32x512xi32>
    %select_n3A_1401 = arith.select %lt3A_1397, %broadcast_in_dim3A_1400, %select_n3A_1395 : vector<32x512xi1>, vector<32x512xi32>
    %slice3A_1402 = vector.extract_strided_slice %add3A_1305 {offsets = [512, 0], sizes = [32, 512], strides = [1, 1]} : vector<576x512xf32> to vector<32x512xf32>
    %lt3A_1403 = arith.cmpf olt, %slice3A_1402, %min3A_1398 : vector<32x512xf32>
    %min3A_1404 = arith.minimumf %min3A_1398, %slice3A_1402 : vector<32x512xf32>
    %jit3A_1405 = arith.constant 214 : i32
    %broadcast_in_dim3A_1406 = vector.broadcast %jit3A_1405 : i32 to vector<32x512xi32>
    %select_n3A_1407 = arith.select %lt3A_1403, %broadcast_in_dim3A_1406, %select_n3A_1401 : vector<32x512xi1>, vector<32x512xi32>
    %slice3A_1408 = vector.extract_strided_slice %add3A_1305 {offsets = [544, 0], sizes = [32, 512], strides = [1, 1]} : vector<576x512xf32> to vector<32x512xf32>
    %lt3A_1409 = arith.cmpf olt, %slice3A_1408, %min3A_1404 : vector<32x512xf32>
    %min3A_1410 = arith.minimumf %min3A_1404, %slice3A_1408 : vector<32x512xf32>
    %jit3A_1411 = arith.constant 215 : i32
    %broadcast_in_dim3A_1412 = vector.broadcast %jit3A_1411 : i32 to vector<32x512xi32>
    %select_n3A_1413 = arith.select %lt3A_1409, %broadcast_in_dim3A_1412, %select_n3A_1407 : vector<32x512xi1>, vector<32x512xi32>
    %iota3A = tpu.iota {dimensions = array<i32: 0>} : vector<32x512xi32>
    %mul3A = arith.constant 32 : i32
    %mul3A_1414 = vector.broadcast %mul3A : i32 to vector<32x512xi32>
    %mul3A_1415 = arith.muli %select_n3A_1413, %mul3A_1414 : vector<32x512xi32>
    %add3A_1416 = arith.addi %mul3A_1415, %iota3A : vector<32x512xi32>
    %reduce_min3A = arith.constant dense<0x7F800000> : vector<512xf32>
    %reduce_min3A_1417 = vector.multi_reduction <minimumf>, %min3A_1410, %reduce_min3A [0] : vector<32x512xf32> to vector<512xf32>
    %broadcast_in_dim3A_1418 = vector.shape_cast %reduce_min3A_1417 : vector<512xf32> to vector<1x512xf32>
    %eq3A = vector.broadcast %broadcast_in_dim3A_1418 : vector<1x512xf32> to vector<32x512xf32>
    %eq3A_1419 = arith.cmpf oeq, %min3A_1410, %eq3A : vector<32x512xf32>
    %jit3A_1420 = arith.constant 1073741824 : i32
    %broadcast_in_dim3A_1421 = vector.broadcast %jit3A_1420 : i32 to vector<32x512xi32>
    %select_n3A_1422 = arith.select %eq3A_1419, %add3A_1416, %broadcast_in_dim3A_1421 : vector<32x512xi1>, vector<32x512xi32>
    %reduce_min3A_1423 = arith.constant dense<2147483647> : vector<512xi32>
    %reduce_min3A_1424 = vector.multi_reduction <minsi>, %select_n3A_1422, %reduce_min3A_1423 [0] : vector<32x512xi32> to vector<512xi32>
    %jit3A_1425 = arith.constant 0 : i32
    %jit3A_1426 = arith.constant 6911 : i32
    %max3A = vector.broadcast %jit3A_1425 : i32 to vector<512xi32>
    %max3A_1427 = arith.maxsi %max3A, %reduce_min3A_1424 : vector<512xi32>
    %min3A_1428 = vector.broadcast %jit3A_1426 : i32 to vector<512xi32>
    %min3A_1429 = arith.minsi %min3A_1428, %max3A_1427 : vector<512xi32>
    %swap3A = arith.constant 0 : index
    %swap3A_1430 = vector.load %arg4[%swap3A] : memref<512xi32, #tpu.memory_space<vmem>>, vector<512xi32>
    tpu.vector_store %arg4[%swap3A], %min3A_1429 {strides = array<i32>} : memref<512xi32, #tpu.memory_space<vmem>>, vector<512xi32>,
    return
  }
  func.func @transform_0(%arg0: i32) -> (i32, i32) {
    %c0_i32 = arith.constant 0 : i32
    %c0_i32_0 = arith.constant 0 : i32
    return %arg0, %c0_i32 : i32, i32
  }
  func.func @transform_1(%arg0: i32) -> (i32, i32) {
    %c0_i32 = arith.constant 0 : i32
    %c0_i32_0 = arith.constant 0 : i32
    %c0_i32_1 = arith.constant 0 : i32
    return %c0_i32, %c0_i32_0 : i32, i32
  }
  func.func @transform_2(%arg0: i32) -> (i32, i32) {
    %c0_i32 = arith.constant 0 : i32
    %c0_i32_0 = arith.constant 0 : i32
    %c0_i32_1 = arith.constant 0 : i32
    return %c0_i32, %c0_i32_0 : i32, i32
  }
  func.func @transform_3(%arg0: i32) -> i32 {
    %c0_i32 = arith.constant 0 : i32
    return %arg0 : i32
  }
}

</mosaic_0001>

<sc_bundles>
// kernel: kernel.5.cloned.1.call-start
scs
__scs_entry_jumppad:
0x0: {  	(pc) =	sbr.rel $0x88, $3  }
0x1: {  	(tag) =	ssettag $0x0;
	lr =	simm.s32 $0x1  }
0x2: {  	[smem:$0x3F9C] =	sst lr;
	_ =	strace $0xD0000000  }
0x3: {  	_ = 	snop  }
0x4: {  	_ = 	snop  }
0x5: {  	_ = 	snop  }
0x6: {  	_ = 	snop  }
0x7: {  	_ = 	snop  }
__scs_overlays_trampoline_lowered:
0x8: {  	[smem:$0x3FAB] =	sst s0  }
0x9: {  	[smem:$0x3FAC] =	sst s1  }
0xa: {  	[smem:$0x3FAD] =	sst s2  }
0xb: {  	[smem:$0x3FAE] =	sst s3  }
0xc: {  	[smem:$0x3FAF] =	sst s4  }
0xd: {  	[smem:$0x3FB0] =	sst s5  }
0xe: {  	[smem:$0x3FB1] =	sst s6  }
0xf: {  	[smem:$0x3FB2] =	sst s7  }
0x10: {  	[smem:$0x3FB3] =	sst s8  }
0x11: {  	[smem:$0x3FB4] =	sst s9;
	s0 =	simm.s32 @!p0 $0x0  }
0x12: {  	s1 =	sld [smem:$0x3F9A];
	s0 =	simm.s32 @p0 $0x1  }
0x13: {  	[smem:$0x3FB5] =	sst s0;
	s0 =	simm.s32 @!p1 $0x0  }
0x14: {  	s2 =	sld [smem:$0x3F99];
	s0 =	simm.s32 @p1 $0x1  }
0x15: {  	[smem:$0x3FB6] =	sst s0;
	s0 =	simm.s32 @!p2 $0x0  }
0x16: {  	s3 =	sld [smem:$0x3FDB];
	s0 =	simm.s32 @p2 $0x1  }
0x17: {  	s4 =	simm.s32 $0x1BF5;
	[smem:$0x3FB8] =	sst s0  }
0x18: {  	s0 =	sld [smem:$0x3F9B];
	_ =	swait.ge [sflag:s4], $0x0  }
0x19: {  	s7 =	sld [smem:$0x3F9C]  }
0x1a: {  	s8 =	sadd.s32 $0xFFFFE003, lr  }
0x1b: {  	s9 =	sadd.s32 $0xFFFFFEF7, lr;
	s5 =	simm.s32 $0xFFFFFFFF;
	p2 =	slt.u32 s8, $0xFFFFF086  }
0x1c: {  	p1 =	slt.u32 s9, $0xF7A;
	s5 =	simm.s32 @!p2 $0x0  }
0x1d: {  	s5 =	simm.s32 @p1 $0x1;
	p0 =	seq.s32 s7, s2  }
0x1e: {  	s7 =	smul.u32 @!p0 $0xF7A, s2;
	p2 =	seq.s32 @!p0 s5, $0x0  }
0x1f: {  	s9 =	smul.u32 $0xF7A, s1;
	s8 =	simm.s32 @!p0 $0x1BF5;
	p2 =	por !p2, p0  }
0x20: {  	[sflag:s8] =	ssyncset.s32 @!p0 $0xFFFFF086;
	s6 =	sadd.s32 @!p0 s3, s7;
	s7 =	simm.s32 @!p0 $0x108  }
0x21: {  	s3 =	sadd.s32 s3, s9;
	s6 =	sadd.s32 @!p0 $0x88, s6;
	s7 =	simm.s32 @p2 $0x1082  }
0x22: {  	[simem:s7], [sflag:s8] =	dma.local @!p0 [hbm:s6], $0xF7A  }
0x23: {  	s9 =	sor.u32 $0xD0000000, s2;
	s6 =	simm.s32 $0x108;
	_ =	swait.ge @!p0 [sflag:s8], $0x0  }
0x24: {  	s3 =	sadd.s32 $0x88, s3;
	s6 =	simm.s32 @!p1 $0x1082;
	[sflag:s4] =	ssyncset.s32 $0xFFFFF086  }
0x25: {  	[simem:s6], [sflag:s4] =	dma.local [hbm:s3], $0xF7A  }
0x26: {  	[smem:$0x3F9C] =	sst s1;
	(tag) =	ssettag s2;
	_ =	strace s9  }
0x27: {  	s1 =	sld [smem:$0x3FAC]  }
0x28: {  	s2 =	sld [smem:$0x3FAD]  }
0x29: {  	s4 =	sld [smem:$0x3FAF]  }
0x2a: {  	p0 =	seq.s32 s5, $0x0;
	s5 =	sld [smem:$0x3FB0]  }
0x2b: {  	s6 =	sld [smem:$0x3FB1]  }
0x2c: {  	s7 =	sld [smem:$0x3FB2]  }
0x2d: {  	s3 =	simm.s32 $0x108;
	s8 =	sld [smem:$0x3FB3]  }
0x2e: {  	s3 =	simm.s32 @!p0 $0x1082;
	s9 =	sld [smem:$0x3FB4]  }
0x2f: {  	lr =	sadd.s32 s0, s3;
	s0 =	sld [smem:$0x3FAB]  }
0x30: {  	s3 =	sld [smem:$0x3FAE]  }
0x31: {  	[smem:$0x3FB7] =	sst s10  }
0x32: {  	s10 =	sld [smem:$0x3FB5];
	_ =	sdelay $0x3  }
0x33: {  	p0 =	seq.s32 s10, $0x1;
	s10 =	sld [smem:$0x3FB7];
	_ =	sdelay $0x3  }
0x34: {  	[smem:$0x3FB7] =	sst s10  }
0x35: {  	s10 =	sld [smem:$0x3FB6];
	_ =	sdelay $0x3  }
0x36: {  	p1 =	seq.s32 s10, $0x1;
	s10 =	sld [smem:$0x3FB7];
	_ =	sdelay $0x3  }
0x37: {  	[smem:$0x3FB7] =	sst s10  }
0x38: {  	s10 =	sld [smem:$0x3FB8]  }
0x39: {  	_ = 	snop;
	(pc) =	sbr.ind lr, $3  }
0x3a: {  	_ = 	snop  }
0x3b: {  	_ = 	snop  }
0x3c: {  	p2 =	seq.s32 s10, $0x1;
	s10 =	sld [smem:$0x3FB7]  }
0x3d: {  	_ =	shalt  }
0x3e: {  	_ =	shalt  }
0x3f: {  	_ =	shalt  }
0x40: {  	_ =	shalt  }
0x41: {  	_ =	shalt  }
0x42: {  	_ =	shalt  }
0x43: {  	_ =	shalt  }
0x44: {  	_ =	shalt  }
0x45: {  	_ =	shalt  }
0x46: {  	_ =	shalt  }
0x47: {  	_ =	shalt  }
0x48: {  	_ =	shalt  }
0x49: {  	_ =	shalt  }
0x4a: {  	_ =	shalt  }
0x4b: {  	_ =	shalt  }
0x4c: {  	_ =	shalt  }
0x4d: {  	_ =	shalt  }
0x4e: {  	_ =	shalt  }
0x4f: {  	_ =	shalt  }
0x50: {  	_ =	shalt  }
0x51: {  	_ =	shalt  }
0x52: {  	_ =	shalt  }
0x53: {  	_ =	shalt  }
0x54: {  	_ =	shalt  }
0x55: {  	_ =	shalt  }
0x56: {  	_ =	shalt  }
0x57: {  	_ =	shalt  }
0x58: {  	_ =	shalt  }
0x59: {  	_ =	shalt  }
0x5a: {  	_ =	shalt  }
0x5b: {  	_ =	shalt  }
0x5c: {  	_ =	shalt  }
0x5d: {  	_ =	shalt  }
0x5e: {  	_ =	shalt  }
0x5f: {  	_ =	shalt  }
0x60: {  	_ =	shalt  }
0x61: {  	_ =	shalt  }
0x62: {  	_ =	shalt  }
0x63: {  	_ =	shalt  }
0x64: {  	_ =	shalt  }
0x65: {  	_ =	shalt  }
0x66: {  	_ =	shalt  }
0x67: {  	_ =	shalt  }
0x68: {  	_ =	shalt  }
0x69: {  	_ =	shalt  }
0x6a: {  	_ =	shalt  }
0x6b: {  	_ =	shalt  }
0x6c: {  	_ =	shalt  }
0x6d: {  	_ =	shalt  }
0x6e: {  	_ =	shalt  }
0x6f: {  	_ =	shalt  }
0x70: {  	_ =	shalt  }
0x71: {  	_ =	shalt  }
0x72: {  	_ =	shalt  }
0x73: {  	_ =	shalt  }
0x74: {  	_ =	shalt  }
0x75: {  	_ =	shalt  }
0x76: {  	_ =	shalt  }
0x77: {  	_ =	shalt  }
0x78: {  	_ =	shalt  }
0x79: {  	_ =	shalt  }
0x7a: {  	_ =	shalt  }
0x7b: {  	_ =	shalt  }
0x7c: {  	_ =	shalt  }
0x7d: {  	_ =	shalt  }
0x7e: {  	_ =	shalt  }
0x7f: {  	_ =	shalt  }
0x80: {  	_ =	shalt  }
0x81: {  	_ =	shalt  }
0x82: {  	_ =	shalt  }
0x83: {  	_ =	shalt  }
0x84: {  	_ =	shalt  }
0x85: {  	_ =	shalt  }
0x86: {  	_ =	shalt  }
0x87: {  	_ =	shalt  }
.Lfunc_end0:
.L_simem_size_0:
called_computation_lowered:
.L_overlay_start_0:
0x88: {  	s2 =	sld [smem:$0x3FD9]  }
0x89: {  	s3 =	sld [smem:$0x3FFE];
	_ =	sdelay $0x1  }
0x8a: {  	s1 =	srdreg.scid  }
0x8b: {  	s0 =	sand.u32 $0x1, s1  }
0x8c: {  	s14 =	sshll.u32 s0, $0xA;
	s2 =	sadd.s32 s3, s2  }
0x8d: {  	s2 =	sadd.s32 s2, s14  }
0x8e: {  	[smem:$0x3FC3] =	sst s2  }
0x8f: {  	_ = 	snop  }
0x90: {  	s2 =	sld [smem:$0x3FD0];
	_ =	sdelay $0x2  }
0x91: {  	s15 =	simm.s32 $0xA;
	s4 =	simm.s32 $0x10  }
0x92: {  	[smem:s4], [sflag:s15] =	dma.local [hbm:s2], $0x1  }
0x93: {  	_ =	swait.eq [sflag:s15], $0x1  }
0x94: {  	s16 =	sld [smem:$0x10];
	[sflag:s15] =	ssyncset.done $0x0  }
0x95: {  	s17 =	sld [smem:$0x11];
	[sflag:s15] =	ssyncadd.s32 $0xFFFFFFFF  }
0x96: {  	s18 =	sld [smem:$0x12];
	(tm) =	ssettm $0x1  }
0x97: {  	s5 =	sld [smem:$0x3FFB];
	_ =	sdelay $0x3  }
0x98: {  	_ =	strace s5  }
0x99: {  	s5 =	sld [smem:$0x3FFC];
	_ =	sdelay $0x3  }
0x9a: {  	_ =	strace s5  }
0x9b: {  	s5 =	sld [smem:$0x3FFD];
	_ =	sdelay $0x3  }
0x9c: {  	_ =	strace s5  }
0x9d: {  	_ =	strace $0x8FFFFFFF  }
0x9e: {  	s19 =	sld [smem:$0x3FDB];
	_ =	sdelay $0x1  }
0x9f: {  	s6 =	simm.s32 $_scs_section_size  }
0xa0: {  	s7 =	simm.s32 $_size__tile_overlayer_lowered;
	s8 =	simm.s32 $_tile_overlayer_lowered  }
0xa1: {  	s22 =	simm.s32 $0x1BFF;
	s21 =	sshll.u32 s8, $0x1;
	s5 =	sadd.s32 s6, s19  }
0xa2: {  	s9 =	simm.s32 $0x0;
	s20 =	sshll.u32 s7, $0x1;
	s7 =	sadd.s32 s21, s5  }
0xa3: {  	[timem:s9], [sflag:s22] =	dma.local [hbm:s7], s20  }
0xa4: {  	_ =	swait.ge [sflag:s22], s20  }
0xa5: {  	s6 =	ssub.s32 $0x0, s20;
	[sflag:s22] =	ssyncset.done $0x0  }
0xa6: {  	[sflag:s22] =	ssyncadd.s32 s6;
	_ =	sdelay $0x1  }
0xa7: {  	s23 =	simm.s32 $0x1B8B  }
0xa8: {  	_ =	swait.ge [sflag:s23], $0x1  }
0xa9: {  	[sflag:s23] =	ssyncset.done $0x0  }
0xaa: {  	s25 =	simm.s32 $0x1B8E;
	s24 =	sld [smem:$0x3FFE];
	[sflag:s23] =	ssyncadd.s32 $0xFFFFFFFF  }
0xab: {  	s26 =	simm.s32 $execute0_lowered;
	[smem:$0x3FD2] =	sst s25  }
0xac: {  	s7 =	sshll.u32 s26, $0x1;
	_ =	strace $0x80000046;
	[dreg:$0x1] =	wrdreg $0xFFFFFFFF  }
0xad: {  	s28 =	simm.s32 $_size_execute0_lowered;
	s5 =	sadd.s32 s5, s7;
	[dreg:$0x0] =	wrdreg $0x0  }
0xae: {  	s7 =	sshll.u32 s28, $0x1;
	[dreg:$0x2] =	wrdreg s5  }
0xaf: {  	[dreg:$0x3] =	wrdreg s7  }
0xb0: {  	[dreg:$0x4] =	wrdreg $0xC0  }
0xb1: {  	_ =	task [dreg:s9], $0x5FFFF  }
0xb2: {  	[dreg:$0x1] =	wrdreg $0xFFFFFFFF  }
0xb3: {  	[dreg:$0x0] =	wrdreg $0x60  }
0xb4: {  	[dreg:$0x2] =	wrdreg s16  }
0xb5: {  	[dreg:$0x3] =	wrdreg s18  }
0xb6: {  	[dreg:$0x4] =	wrdreg s17  }
0xb7: {  	[dreg:$0x5] =	wrdreg s24  }
0xb8: {  	[dreg:$0x6] =	wrdreg $0x9  }
0xb9: {  	_ =	task.clear_ibuf [dreg:s9], $0x7FFFF;
	_ =	strace $0x90000046  }
0xba: {  	s29 =	simm.s32 $0x9;
	_ =	strace $0x80000048  }
0xbb: {  	_ =	swait.ge [sflag:s29], $0x1  }
0xbc: {  	[sflag:s29] =	ssyncadd.s32 $0xFFFFFFFF  }
0xbd: {  	_ =	strace $0x90000048  }
0xbe: {  	_ =	sfence  }
0xbf: {  	s30 =	sld [smem:$0x0];
	_ =	sdelay $0x2  }
0xc0: {  	s31 =	sshll.u32 s1, $0xD;
	s1 =	sshrl.u32 s1, $0x2  }
0xc1: {  	s3 =	sand.u32 $0x4000, s31;
	s1 =	sadd.s32 s1, s30  }
0xc2: {  	s0 =	sor.u32 s3, s0;
	s1 =	sshll.u32 s1, $0x11  }
0xc3: {  	s0 =	sor.u32 s1, s0  }
0xc4: {  	s0 =	sadd.s32 $0x8F2B, s0  }
0xc5: {  	[sflag:s0] =	ssyncadd.remote.s32 $0x1  }
0xc6: {  	_ =	sfence.sel $0xFFFF  }
0xc7: {  	[dreg:$0x0] =	wrdreg $0xFFFFFFFF;
	(pc) =	sbr.abs _section_cstart, $3  }
0xc8: {  	[dreg:$0x1] =	wrdreg $0xFFFFFFFF  }
0xc9: {  	_ =	task.clear_ibuf [dreg:s9], $0x2FFFF;
	_ =	strace $0x9FFFFFFF  }
0xca: {  	(tm) =	ssettm $0x7FFFFFFF  }
0xcb: {  	_ =	shalt  }
tec
execute0_lowered:
.L_overlay_start_1:
0x0: {  	(tag) =	ssettag $0x1  }
0x1: {  	s1 =	rddreg [dreg:$0x0]  }
0x2: {  	s9 =	rddreg [dreg:$0x1]  }
0x3: {  	s10 =	rddreg [dreg:$0x2]  }
0x4: {  	s4 =	rddreg [dreg:$0x3]  }
0x5: {  	s0 =	rddreg [dreg:$0x4];
	s3 =	simm.s32 $0x0;
	s5 =	srdreg.scid  }
0x6: {  	s2 =	stileid.u32;
	s17 =	simm.s32 $0x620;
	s18 =	simm.s32 $0x1  }
0x7: {  	s19 =	simm.s32 $0x9920;
	s20 =	simm.s32 $0xCA20;
	s21 =	simm.s32 $0x0  }
0x8: {  	[smem:$0x7FF] =	sst s3;
	s5 =	sand.u32 $0x1, s5;
	s6 =	sshll.u32 s2, $0x1  }
0x9: {  	s11 =	sadd.s32 $0x1800, s4;
	s12 =	sadd.s32 $0x63800, s4;
	s6 =	sor.u32 s5, s6  }
0xa: {  	s13 =	sadd.s32 $0x32800, s4;
	s5 =	ssub.s32 $0x2, s5;
	s7 =	smul.u32 $0xC40, s6  }
0xb: {  	_ =	strace $0x80000047;
	s29 =	sshrl.u32 s5, $0x1;
	s8 =	smul.u32 $0x1880, s6  }
0xc: {  	s14 =	ssub.s32 s5, s29;
	s30 =	sshrl.u32 s7, $0x3;
	s5 =	sadd.s32 s10, s7  }
0xd: {  	s15 =	sadd.s32 $0x620, s7;
	s6 =	sadd.s32 s11, s8;
	s7 =	sadd.s32 s12, s7  }
0xe: {  	s8 =	sadd.s32 s13, s8;
	s14 =	smax.u32 s14, $0x1;
	s4 =	sadd.s32 s9, s30  }
0xf: {  	s16 =	sshrl.u32 s15, $0x3;
	s31 =	sshll.u32 s15, $0x1;
	s10 =	sadd.s32 s10, s15  }
0x10: {  	s12 =	sadd.s32 s12, s15;
	s15 =	simm.s32 $0x2;
	s9 =	sadd.s32 s9, s16  }
0x11: {  	v0 =	vlaneseq.u32;
	s11 =	sadd.s32 s11, s31;
	s13 =	sadd.s32 s13, s31;
	s16 =	simm.s32 $0x6820  }
.LBB2_1:
0x12: {  	[tilespmem:s3], [sflag:$0x2] =	stream.linear.gather [hbm4b:s4+s3], $0x620, $0x38;
	[tilespmem:$0x12C20] =	vst v63  }
0x13: {  	_ =	swait.ge [sflag:s15], $0x620  }
0x14: {  	[sflag:s15] =	ssyncset.done $0x0  }
0x15: {  	[sflag:s15] =	ssyncadd.s32 $0xFFFFF9E0  }
0x16: {  	[tilespmem:s16], [sflag:$0x2] =	stream.linear.gather [hbm4b:s5+s3], $0x3100, $0x38;
	[tilespmem:$0x12C20] =	vst v63  }
0x17: {  	v3 =	vor.u32 s3, v0;
	_ =	swait.ge [sflag:s15], $0x3100  }
0x18: {  	v1 =	vshll.u32 v3, $0x3;
	[sflag:s15] =	ssyncset.done $0x0  }
0x19: {  	v2 =	vor.u32 $0x4, v1;
	[sflag:s15] =	ssyncadd.s32 $0xFFFFCF00  }
0x1a: {  	v4 =	vor.u32 $0x3, v1;
	[tilespmem:s17], [sflag:$0x1] =	stream.indirect.gather [hbm4b:s1+s17], $0x10, s3, s17, $0xb8;
	[tilespmem:$0x12C20] =	vst v63  }
0x1b: {  	_ =	swait.ge [sflag:s18], $0x6200  }
0x1c: {  	v5 =	vor.u32 $0x5, v1;
	[sflag:s18] =	ssyncset.done $0x0  }
0x1d: {  	[sflag:s18] =	ssyncadd.s32 $0xFFFF9E00  }
0x1e: {  	v6 =	vor.u32 $0x6, v1;
	v12 =	vld.idx.msk [tilespmem:v2+s16+$0x0], $0xffff  }
0x1f: {  	v20 =	vld.idx.msk [tilespmem:v4+s16+$0x0], $0xffff;
	_ =	sdelay $0x1  }
0x20: {  	v14 =	vld.idx.msk [tilespmem:v5+s16+$0x0], $0xffff;
	_ =	sdelay $0x1  }
0x21: {  	v23 =	vld.idx.msk [tilespmem:v6+s16+$0x0], $0xffff  }
0x22: {  	v2 =	vmul.f32 v12, v12;
	v4 =	vmul.f32 v20, v20;
	_ =	sdelay $0x1  }
0x23: {  	v2 =	vadd.f32 v2, v4;
	v4 =	vmul.f32 v14, v14;
	_ =	sdelay $0x1  }
0x24: {  	v2 =	vadd.f32 v4, v2;
	v4 =	vmul.f32 v23, v23;
	_ =	sdelay $0x1  }
0x25: {  	v2 =	vadd.f32 v4, v2;
	_ =	sdelay $0x1  }
0x26: {  	v4 =	vshrl.u32 v2, $0x1;
	v7 =	vmul.f32 $5.000000000e-01, v2  }
0x27: {  	v4 =	vsub.s32 $0x5F3759DF, v4  }
0x28: {  	v2 =	vmul.f32 v4, v7;
	_ =	sdelay $0x1  }
0x29: {  	v2 =	vmul.f32 v4, v2;
	_ =	sdelay $0x1  }
0x2a: {  	v5 =	vsub.f32 $1.500000000e+00, v2;
	_ =	sdelay $0x1  }
0x2b: {  	v10 =	vmul.f32 v4, v5  }
0x2c: {  	v8 =	vshll.u32 v3, $0x4  }
0x2d: {  	v3 =	vor.u32 $0x4, v8;
	v5 =	vmul.f32 v10, v7  }
0x2e: {  	v9 =	vor.u32 $0x1, v8  }
0x2f: {  	v2 =	vor.u32 $0x2, v1;
	v6 =	vmul.f32 v5, v10  }
0x30: {  	v34 =	vld.idx.msk [tilespmem:v1+s16+$0x0], $0xffff;
	v4 =	vor.u32 $0x1, v1  }
0x31: {  	v16 =	vld.idx.msk [tilespmem:v8+s17+$0x0], $0xffff;
	v5 =	vor.u32 $0x5, v8;
	v11 =	vsub.f32 $1.500000000e+00, v6  }
0x32: {  	v18 =	vld.idx.msk [tilespmem:v3+s17+$0x0], $0xffff;
	v6 =	vor.u32 $0x6, v8  }
0x33: {  	v19 =	vld.idx.msk [tilespmem:v9+s17+$0x0], $0xffff;
	v11 =	vmul.f32 v11, v10  }
0x34: {  	v22 =	vld.idx.msk [tilespmem:v2+s16+$0x0], $0xffff  }
0x35: {  	v24 =	vld.idx.msk [tilespmem:v4+s16+$0x0], $0xffff;
	v7 =	vmul.f32 v11, v7  }
0x36: {  	v21 =	vld.idx.msk [tilespmem:v5+s17+$0x0], $0xffff  }
0x37: {  	v10 =	vor.u32 $0x2, v8;
	v13 =	vld.idx.msk [tilespmem:v6+s17+$0x0], $0xffff;
	v15 =	vmul.f32 v7, v11  }
0x38: {  	v17 =	vor.u32 $0x9, v8  }
0x39: {  	v15 =	vsub.f32 $1.500000000e+00, v15  }
0x3a: {  	v28 =	vmul.f32 v34, v16;
	v27 =	vmul.f32 v34, v18;
	v7 =	vor.u32 $0x8, v8  }
0x3b: {  	v33 =	vor.u32 $0xB, v8;
	v31 =	vmul.f32 v24, v19;
	v30 =	vmul.f32 v15, v11  }
0x3c: {  	v32 =	vmul.f32 v24, v21;
	v15 =	vld.idx.msk [tilespmem:v10+s17+$0x0], $0xffff;
	v37 =	vmul.f32 v22, v13;
	v11 =	vor.u32 $0x3, v8  }
0x3d: {  	v36 =	vor.u32 $0xA, v8;
	v17 =	vld.idx.msk [tilespmem:v17+s17+$0x0], $0xffff;
	v25 =	vmul.f32 v30, v14;
	v26 =	vmul.f32 v30, v23  }
0x3e: {  	v29 =	vmul.f32 v30, v20;
	v30 =	vmul.f32 v30, v12;
	v20 =	vadd.f32 v32, v27  }
0x3f: {  	v14 =	vld.idx.msk [tilespmem:v7+s17+$0x0], $0xffff;
	v12 =	vor.u32 $0x7, v8;
	v32 =	vmul.f32 v25, v25;
	v38 =	vmul.f32 v26, v26  }
0x40: {  	v40 =	vadd.f32 v31, v28;
	v23 =	vld.idx.msk [tilespmem:v33+s17+$0x0], $0xffff;
	v27 =	vmul.f32 v25, v30;
	v35 =	vmul.f32 v30, v30  }
0x41: {  	v28 =	vadd.f32 v37, v20;
	v31 =	vmul.f32 v26, v29;
	v42 =	vmul.f32 v22, v15;
	v33 =	vld.idx.msk [tilespmem:v11+s17+$0x0], $0xffff  }
0x42: {  	v37 =	vmul.f32 v24, v17;
	v20 =	vld.idx.msk [tilespmem:v36+s17+$0x0], $0xffff;
	v39 =	vadd.f32 v38, v32;
	v41 =	vadd.f32 v38, v35  }
0x43: {  	v36 =	vmul.f32 v26, v30;
	v38 =	vmul.f32 v25, v29;
	v40 =	vadd.f32 v42, v40  }
0x44: {  	s22 =	simm.s32 $0x10;
	v24 =	vadd.f32 v39, v39;
	v39 =	vmul.f32 v34, v14;
	v34 =	vld.idx.msk [tilespmem:v12+s17+$0x0], $0xffff;
	v41 =	vadd.f32 v41, v41  }
.LBB2_2:
0x45: {  	p0 =	sne.s32 s22, $0x610;
	v42 =	vadd.f32 v31, v27;
	v29 =	vmul.f32 v30, v29;
	v30 =	vadd.f32 v32, v35;
	s23 =	smov.u32 s22;
	s22 =	sadd.s32 $0x10, s22  }
0x46: {  	v25 =	vmul.f32 v26, v25;
	v32 =	vsub.f32 $1.000000000e+00, v41;
	v26 =	vadd.f32 v40, v33  }
0x47: {  	v35 =	vadd.f32 v37, v39;
	v22 =	vmul.f32 v22, v20;
	v33 =	vadd.f32 v42, v42  }
0x48: {  	v37 =	vadd.f32 v38, v36;
	v36 =	vsub.f32 v36, v38;
	v38 =	vmul.f32 v32, v19  }
0x49: {  	v27 =	vsub.f32 v27, v31;
	v22 =	vadd.f32 v22, v35;
	v31 =	vmul.f32 v33, v17  }
0x4a: {  	v35 =	vadd.f32 v29, v25;
	v28 =	vadd.f32 v28, v34;
	v34 =	vmul.f32 v33, v21  }
0x4b: {  	v27 =	vadd.f32 v27, v27;
	v39 =	vmul.f32 v32, v21;
	v22 =	vadd.f32 v22, v23  }
0x4c: {  	v23 =	vsub.f32 v25, v29;
	v25 =	vadd.f32 v35, v35;
	[tilespmem:v1+s19+$0x0] =	vst.idx.msk $0xffff, v26  }
0x4d: {  	v29 =	vmul.f32 v27, v16;
	v26 =	vadd.f32 v30, v30;
	v30 =	vmul.f32 v27, v18  }
0x4e: {  	v35 =	vor.u32 s23, v0;
	v23 =	vadd.f32 v23, v23;
	v40 =	vmul.f32 v25, v15  }
0x4f: {  	v37 =	vadd.f32 v37, v37;
	v1 =	vshll.u32 v35, $0x3;
	v29 =	vadd.f32 v38, v29  }
0x50: {  	v38 =	vor.u32 $0x3, v1;
	v41 =	vor.u32 $0x4, v1;
	v21 =	vmul.f32 v23, v21  }
0x51: {  	v24 =	vsub.f32 $1.000000000e+00, v24;
	v42 =	vmul.f32 v37, v16;
	v43 =	vmul.f32 v23, v19  }
0x52: {  	v26 =	vsub.f32 $1.000000000e+00, v26;
	v19 =	vmul.f32 v33, v19;
	v33 =	vmul.f32 v37, v18  }
0x53: {  	v36 =	vadd.f32 v36, v36;
	v16 =	vmul.f32 v24, v16;
	v18 =	vmul.f32 v24, v18  }
0x54: {  	v45 =	vmul.f32 v25, v13;
	v44 =	vor.u32 $0x6, v1;
	v24 =	vmul.f32 v24, v14  }
0x55: {  	v27 =	vmul.f32 v27, v14;
	v16 =	vadd.f32 v16, v19;
	v19 =	vmul.f32 v36, v15  }
0x56: {  	v32 =	vmul.f32 v32, v17;
	v42 =	vadd.f32 v43, v42;
	v43 =	vmul.f32 v26, v13  }
0x57: {  	v16 =	vadd.f32 v16, v19;
	v19 =	vadd.f32 v39, v30;
	v30 =	vmul.f32 v26, v20  }
0x58: {  	v29 =	vadd.f32 v29, v40;
	v13 =	vmul.f32 v36, v13;
	v39 =	vor.u32 $0x5, v1  }
0x59: {  	[tilespmem:v8+s20+$0x0] =	vst.idx.msk $0xffff, v16;
	v8 =	vmul.f32 v26, v15;
	v15 =	vadd.f32 v18, v34  }
0x5a: {  	v16 =	vmul.f32 v23, v17;
	[tilespmem:v9+s20+$0x0] =	vst.idx.msk $0xffff, v29;
	v9 =	vadd.f32 v21, v33  }
0x5b: {  	v8 =	vadd.f32 v8, v42;
	v13 =	vadd.f32 v15, v13;
	v15 =	vmul.f32 v36, v20  }
0x5c: {  	v14 =	vmul.f32 v37, v14;
	v17 =	vadd.f32 v19, v45;
	v18 =	vadd.f32 v32, v27  }
0x5d: {  	[tilespmem:v10+s20+$0x0] =	vst.idx.msk $0xffff, v8;
	v8 =	vadd.f32 v43, v9;
	v9 =	vadd.f32 v24, v31  }
0x5e: {  	[tilespmem:v4+s19+$0x0] =	vst.idx.msk $0xffff, v28;
	v4 =	vmul.f32 v25, v20  }
0x5f: {  	v10 =	vadd.f32 v16, v14;
	[tilespmem:v11+s20+$0x0] =	vst.idx.msk $0xffff, v13;
	v9 =	vadd.f32 v9, v15  }
0x60: {  	[tilespmem:v3+s20+$0x0] =	vst.idx.msk $0xffff, v17;
	v3 =	vadd.f32 v18, v4  }
0x61: {  	v4 =	vadd.f32 v30, v10;
	[tilespmem:v5+s20+$0x0] =	vst.idx.msk $0xffff, v8  }
0x62: {  	[tilespmem:v2+s19+$0x0] =	vst.idx.msk $0xffff, v22  }
0x63: {  	[tilespmem:v6+s20+$0x0] =	vst.idx.msk $0xffff, v9  }
0x64: {  	[tilespmem:v12+s20+$0x0] =	vst.idx.msk $0xffff, v3  }
0x65: {  	[tilespmem:v7+s20+$0x0] =	vst.idx.msk $0xffff, v4  }
0x66: {  	v12 =	vld.idx.msk [tilespmem:v41+s16+$0x0], $0xffff  }
0x67: {  	v20 =	vld.idx.msk [tilespmem:v38+s16+$0x0], $0xffff;
	_ =	sdelay $0x1  }
0x68: {  	v24 =	vld.idx.msk [tilespmem:v39+s16+$0x0], $0xffff;
	_ =	sdelay $0x1  }
0x69: {  	v26 =	vld.idx.msk [tilespmem:v44+s16+$0x0], $0xffff  }
0x6a: {  	v2 =	vmul.f32 v12, v12  }
0x6b: {  	v3 =	vmul.f32 v20, v20;
	_ =	sdelay $0x1  }
0x6c: {  	v2 =	vadd.f32 v2, v3;
	v3 =	vmul.f32 v24, v24;
	_ =	sdelay $0x1  }
0x6d: {  	v2 =	vadd.f32 v3, v2;
	v3 =	vmul.f32 v26, v26;
	_ =	sdelay $0x1  }
0x6e: {  	v2 =	vadd.f32 v3, v2;
	_ =	sdelay $0x1  }
0x6f: {  	v3 =	vshrl.u32 v2, $0x1;
	v7 =	vmul.f32 $5.000000000e-01, v2  }
0x70: {  	v3 =	vsub.s32 $0x5F3759DF, v3  }
0x71: {  	v2 =	vmul.f32 v3, v7;
	_ =	sdelay $0x1  }
0x72: {  	v5 =	vmul.f32 v3, v2  }
0x73: {  	v2 =	vor.u32 $0x2, v1  }
0x74: {  	v4 =	vor.u32 $0x1, v1;
	v5 =	vsub.f32 $1.500000000e+00, v5;
	_ =	sdelay $0x1  }
0x75: {  	v8 =	vshll.u32 v35, $0x4;
	v11 =	vmul.f32 v3, v5  }
0x76: {  	v28 =	vor.u32 $0xA, v8;
	v13 =	vor.u32 $0xB, v8;
	v3 =	vor.u32 $0x4, v8  }
0x77: {  	v9 =	vor.u32 $0x1, v8;
	v6 =	vmul.f32 v11, v7;
	v22 =	vld.idx.msk [tilespmem:v2+s16+$0x0], $0xffff  }
0x78: {  	v5 =	vor.u32 $0x5, v8;
	v34 =	vld.idx.msk [tilespmem:v4+s16+$0x0], $0xffff  }
0x79: {  	v10 =	vor.u32 $0x2, v8;
	v14 =	vmul.f32 v6, v11;
	v38 =	vld.idx.msk [tilespmem:v1+s16+$0x0], $0xffff  }
0x7a: {  	v6 =	vor.u32 $0x6, v8;
	v16 =	vld.idx.msk [tilespmem:v8+s17+$0x0], $0xffff  }
0x7b: {  	v14 =	vsub.f32 $1.500000000e+00, v14;
	v18 =	vld.idx.msk [tilespmem:v3+s17+$0x0], $0xffff  }
0x7c: {  	v19 =	vld.idx.msk [tilespmem:v9+s17+$0x0], $0xffff  }
0x7d: {  	v17 =	vor.u32 $0x9, v8;
	v14 =	vmul.f32 v14, v11;
	v21 =	vld.idx.msk [tilespmem:v5+s17+$0x0], $0xffff  }
0x7e: {  	v23 =	vld.idx.msk [tilespmem:v13+s17+$0x0], $0xffff  }
0x7f: {  	v11 =	vmul.f32 v14, v7;
	v13 =	vld.idx.msk [tilespmem:v6+s17+$0x0], $0xffff  }
0x80: {  	v31 =	vmul.f32 v38, v16;
	v15 =	vld.idx.msk [tilespmem:v10+s17+$0x0], $0xffff  }
0x81: {  	v7 =	vor.u32 $0x8, v8;
	v25 =	vmul.f32 v11, v14;
	v27 =	vmul.f32 v38, v18  }
0x82: {  	v36 =	vmul.f32 v34, v19  }
0x83: {  	v11 =	vor.u32 $0x3, v8;
	v25 =	vsub.f32 $1.500000000e+00, v25  }
0x84: {  	v32 =	vmul.f32 v34, v21  }
0x85: {  	v30 =	vmul.f32 v25, v14;
	v37 =	vmul.f32 v22, v13;
	v17 =	vld.idx.msk [tilespmem:v17+s17+$0x0], $0xffff  }
0x86: {  	v14 =	vld.idx.msk [tilespmem:v7+s17+$0x0], $0xffff  }
0x87: {  	v25 =	vmul.f32 v30, v24;
	v26 =	vmul.f32 v30, v26  }
0x88: {  	v29 =	vmul.f32 v30, v20;
	v30 =	vmul.f32 v30, v12;
	v24 =	vadd.f32 v32, v27  }
0x89: {  	v12 =	vor.u32 $0x7, v8;
	v32 =	vmul.f32 v25, v25;
	v39 =	vmul.f32 v26, v26  }
.Ltmp0:
0x8a: {  	v40 =	vadd.f32 v36, v31;
	v27 =	vmul.f32 v25, v30;
	v35 =	vmul.f32 v30, v30;
	v33 =	vld.idx.msk [tilespmem:v11+s17+$0x0], $0xffff;
	(pc) =	sbr.rel @p0 .LBB2_2-.Ltmp0, $4  }
0x8b: {  	v42 =	vmul.f32 v22, v15;
	v36 =	vadd.f32 v39, v32;
	v20 =	vld.idx.msk [tilespmem:v28+s17+$0x0], $0xffff;
	v28 =	vadd.f32 v37, v24  }
0x8c: {  	v31 =	vmul.f32 v26, v29;
	v41 =	vadd.f32 v39, v35;
	v37 =	vmul.f32 v34, v17  }
0x8d: {  	v39 =	vmul.f32 v38, v14;
	v24 =	vadd.f32 v36, v36;
	v36 =	vmul.f32 v26, v30  }
0x8e: {  	v40 =	vadd.f32 v42, v40;
	v38 =	vmul.f32 v25, v29;
	v41 =	vadd.f32 v41, v41;
	v34 =	vld.idx.msk [tilespmem:v12+s17+$0x0], $0xffff  }
0x8f: {  	v42 =	vadd.f32 v31, v27;
	v29 =	vmul.f32 v30, v29;
	v30 =	vadd.f32 v32, v35  }
0x90: {  	v59 =	vadd.f32 v37, v39;
	v27 =	vsub.f32 v27, v31  }
0x91: {  	v24 =	vsub.f32 $1.000000000e+00, v24;
	v57 =	vsub.f32 $1.000000000e+00, v41  }
0x92: {  	v25 =	vmul.f32 v26, v25;
	v26 =	vadd.f32 v40, v33;
	v60 =	vadd.f32 v38, v36  }
0x93: {  	v61 =	vsub.f32 v36, v38;
	v58 =	vadd.f32 v42, v42  }
0x94: {  	v22 =	vmul.f32 v22, v20;
	v62 =	vadd.f32 v29, v25;
	v25 =	vsub.f32 v25, v29  }
0x95: {  	v27 =	vadd.f32 v27, v27;
	v30 =	vadd.f32 v30, v30;
	v31 =	vmul.f32 v57, v19  }
0x96: {  	v22 =	vadd.f32 v22, v59;
	v32 =	vmul.f32 v57, v17;
	v63 =	vmul.f32 v58, v17  }
0x97: {  	v37 =	vadd.f32 v60, v60;
	v29 =	vmul.f32 v58, v21;
	v46 =	vmul.f32 v27, v16  }
0x98: {  	v52 =	vadd.f32 v61, v61;
	v47 =	vmul.f32 v27, v18;
	v27 =	vmul.f32 v27, v14  }
0x99: {  	v22 =	vadd.f32 v22, v23;
	v23 =	vmul.f32 v57, v21;
	v49 =	vmul.f32 v37, v16  }
0x9a: {  	v25 =	vadd.f32 v25, v25;
	v51 =	vmul.f32 v37, v18;
	v16 =	vmul.f32 v24, v16  }
0x9b: {  	v45 =	vadd.f32 v62, v62;
	v18 =	vmul.f32 v24, v18;
	v24 =	vmul.f32 v24, v14  }
0x9c: {  	v28 =	vadd.f32 v28, v34;
	v50 =	vmul.f32 v25, v19;
	v19 =	vmul.f32 v58, v19  }
0x9d: {  	[tilespmem:v1+s19+$0x0] =	vst.idx.msk $0xffff, v26;
	v1 =	vsub.f32 $1.000000000e+00, v30;
	v14 =	vmul.f32 v37, v14;
	v48 =	vmul.f32 v45, v15  }
0x9e: {  	v21 =	vmul.f32 v25, v21;
	v16 =	vadd.f32 v16, v19;
	v19 =	vmul.f32 v52, v15  }
0x9f: {  	v31 =	vadd.f32 v31, v46;
	v26 =	vmul.f32 v45, v13;
	v53 =	vmul.f32 v1, v13  }
0xa0: {  	v30 =	vadd.f32 v50, v49;
	v15 =	vmul.f32 v1, v15;
	v16 =	vadd.f32 v16, v19  }
0xa1: {  	v13 =	vmul.f32 v52, v13;
	v19 =	vadd.f32 v23, v47;
	v23 =	vadd.f32 v31, v48  }
0xa2: {  	v15 =	vadd.f32 v15, v30;
	[tilespmem:v8+s20+$0x0] =	vst.idx.msk $0xffff, v16;
	v8 =	vadd.f32 v18, v29  }
0xa3: {  	v1 =	vmul.f32 v1, v20;
	v16 =	vmul.f32 v25, v17;
	[tilespmem:v9+s20+$0x0] =	vst.idx.msk $0xffff, v23  }
0xa4: {  	v9 =	vadd.f32 v21, v51;
	v8 =	vadd.f32 v8, v13;
	[tilespmem:v10+s20+$0x0] =	vst.idx.msk $0xffff, v15  }
0xa5: {  	v13 =	vmul.f32 v52, v20;
	v10 =	vadd.f32 v19, v26;
	[tilespmem:v4+s19+$0x0] =	vst.idx.msk $0xffff, v28  }
0xa6: {  	v4 =	vadd.f32 v53, v9;
	v9 =	vadd.f32 v24, v63;
	[tilespmem:v11+s20+$0x0] =	vst.idx.msk $0xffff, v8  }
0xa7: {  	v8 =	vadd.f32 v32, v27;
	v11 =	vmul.f32 v45, v20;
	[tilespmem:v3+s20+$0x0] =	vst.idx.msk $0xffff, v10  }
0xa8: {  	v3 =	vadd.f32 v9, v13;
	v9 =	vadd.f32 v16, v14;
	[tilespmem:v5+s20+$0x0] =	vst.idx.msk $0xffff, v4  }
0xa9: {  	v4 =	vadd.f32 v8, v11;
	[tilespmem:v2+s19+$0x0] =	vst.idx.msk $0xffff, v22  }
0xaa: {  	v1 =	vadd.f32 v1, v9;
	[tilespmem:v6+s20+$0x0] =	vst.idx.msk $0xffff, v3  }
0xab: {  	[tilespmem:v12+s20+$0x0] =	vst.idx.msk $0xffff, v4  }
0xac: {  	s22 =	simm.s32 $0x0;
	[tilespmem:v7+s20+$0x0] =	vst.idx.msk $0xffff, v1  }
0xad: {  	[hbm4b:s6+s22] =	stream.linear.scatter [tilespmem:s17], [sflag:$0x2], $0x6200, $0x38;
	[tilespmem:$0x12C20] =	vst v63  }
0xae: {  	_ =	swait.ge [sflag:s15], $0x6200  }
0xaf: {  	[sflag:s15] =	ssyncset.done $0x0  }
0xb0: {  	[sflag:s15] =	ssyncadd.s32 $0xFFFF9E00  }
0xb1: {  	[hbm4b:s7+s22] =	stream.linear.scatter [tilespmem:s19], [sflag:$0x2], $0x3100, $0x38;
	[tilespmem:$0x12C20] =	vst v63  }
0xb2: {  	_ =	swait.ge [sflag:s15], $0x3100  }
0xb3: {  	[sflag:s15] =	ssyncset.done $0x0  }
0xb4: {  	[sflag:s15] =	ssyncadd.s32 $0xFFFFCF00  }
0xb5: {  	[hbm4b:s8+s22] =	stream.linear.scatter [tilespmem:s20], [sflag:$0x2], $0x6200, $0x38;
	[tilespmem:$0x12C20] =	vst v63  }
0xb6: {  	_ =	swait.ge [sflag:s15], $0x6200  }
0xb7: {  	[sflag:s15] =	ssyncset.done $0x0  }
0xb8: {  	[sflag:s15] =	ssyncadd.s32 $0xFFFF9E00  }
0xb9: {  	[tilespmem:s22], [sflag:$0x2] =	stream.linear.gather [hbm4b:s9+s22], $0x620, $0x38;
	[tilespmem:$0x12C20] =	vst v63  }
0xba: {  	_ =	swait.ge [sflag:s15], $0x620  }
0xbb: {  	[sflag:s15] =	ssyncset.done $0x0  }
0xbc: {  	[sflag:s15] =	ssyncadd.s32 $0xFFFFF9E0  }
0xbd: {  	[tilespmem:s16], [sflag:$0x2] =	stream.linear.gather [hbm4b:s10+s22], $0x3100, $0x38;
	[tilespmem:$0x12C20] =	vst v63  }
0xbe: {  	v3 =	vor.u32 s22, v0;
	_ =	swait.ge [sflag:s15], $0x3100  }
0xbf: {  	v1 =	vshll.u32 v3, $0x3;
	[sflag:s15] =	ssyncset.done $0x0  }
0xc0: {  	v2 =	vor.u32 $0x4, v1;
	[sflag:s15] =	ssyncadd.s32 $0xFFFFCF00  }
0xc1: {  	v4 =	vor.u32 $0x3, v1;
	[tilespmem:s17], [sflag:$0x1] =	stream.indirect.gather [hbm4b:s1+s17], $0x10, s22, s17, $0xb8;
	[tilespmem:$0x12C20] =	vst v63  }
0xc2: {  	_ =	swait.ge [sflag:s18], $0x6200  }
0xc3: {  	v5 =	vor.u32 $0x5, v1;
	[sflag:s18] =	ssyncset.done $0x0  }
0xc4: {  	[sflag:s18] =	ssyncadd.s32 $0xFFFF9E00  }
0xc5: {  	v6 =	vor.u32 $0x6, v1;
	v12 =	vld.idx.msk [tilespmem:v2+s16+$0x0], $0xffff  }
0xc6: {  	v20 =	vld.idx.msk [tilespmem:v4+s16+$0x0], $0xffff;
	_ =	sdelay $0x1  }
0xc7: {  	v14 =	vld.idx.msk [tilespmem:v5+s16+$0x0], $0xffff;
	_ =	sdelay $0x1  }
0xc8: {  	v23 =	vld.idx.msk [tilespmem:v6+s16+$0x0], $0xffff  }
0xc9: {  	v2 =	vmul.f32 v12, v12;
	v4 =	vmul.f32 v20, v20;
	_ =	sdelay $0x1  }
0xca: {  	v2 =	vadd.f32 v2, v4;
	v4 =	vmul.f32 v14, v14;
	_ =	sdelay $0x1  }
0xcb: {  	v2 =	vadd.f32 v4, v2;
	v4 =	vmul.f32 v23, v23;
	_ =	sdelay $0x1  }
0xcc: {  	v2 =	vadd.f32 v4, v2;
	_ =	sdelay $0x1  }
0xcd: {  	v4 =	vshrl.u32 v2, $0x1;
	v7 =	vmul.f32 $5.000000000e-01, v2  }
0xce: {  	v4 =	vsub.s32 $0x5F3759DF, v4  }
0xcf: {  	v2 =	vmul.f32 v4, v7;
	_ =	sdelay $0x1  }
0xd0: {  	v2 =	vmul.f32 v4, v2;
	_ =	sdelay $0x1  }
0xd1: {  	v5 =	vsub.f32 $1.500000000e+00, v2;
	_ =	sdelay $0x1  }
0xd2: {  	v8 =	vshll.u32 v3, $0x4;
	v10 =	vmul.f32 v4, v5  }
0xd3: {  	v3 =	vor.u32 $0x4, v8  }
0xd4: {  	v9 =	vor.u32 $0x1, v8;
	v5 =	vmul.f32 v10, v7  }
0xd5: {  	v17 =	vor.u32 $0x9, v8  }
0xd6: {  	v54 =	vld.idx.msk [tilespmem:v1+s16+$0x0], $0xffff;
	v2 =	vor.u32 $0x2, v1;
	v6 =	vmul.f32 v5, v10  }
0xd7: {  	v16 =	vld.idx.msk [tilespmem:v8+s17+$0x0], $0xffff;
	v4 =	vor.u32 $0x1, v1  }
0xd8: {  	v18 =	vld.idx.msk [tilespmem:v3+s17+$0x0], $0xffff;
	v5 =	vor.u32 $0x5, v8;
	v11 =	vsub.f32 $1.500000000e+00, v6  }
0xd9: {  	v19 =	vld.idx.msk [tilespmem:v9+s17+$0x0], $0xffff;
	v6 =	vor.u32 $0x6, v8  }
0xda: {  	v17 =	vld.idx.msk [tilespmem:v17+s17+$0x0], $0xffff;
	v11 =	vmul.f32 v11, v10  }
0xdb: {  	v22 =	vld.idx.msk [tilespmem:v2+s16+$0x0], $0xffff  }
0xdc: {  	v24 =	vld.idx.msk [tilespmem:v4+s16+$0x0], $0xffff;
	v7 =	vmul.f32 v11, v7  }
0xdd: {  	v21 =	vld.idx.msk [tilespmem:v5+s17+$0x0], $0xffff  }
0xde: {  	v10 =	vor.u32 $0x2, v8;
	v13 =	vld.idx.msk [tilespmem:v6+s17+$0x0], $0xffff;
	v15 =	vmul.f32 v7, v11;
	_ =	sdelay $0x1  }
0xdf: {  	v28 =	vmul.f32 v54, v16;
	v15 =	vsub.f32 $1.500000000e+00, v15  }
0xe0: {  	v27 =	vmul.f32 v54, v18;
	v31 =	vmul.f32 v24, v19;
	v7 =	vor.u32 $0x8, v8  }
0xe1: {  	v37 =	vmul.f32 v24, v17;
	v30 =	vmul.f32 v15, v11  }
0xe2: {  	v57 =	vmul.f32 v24, v21;
	v15 =	vld.idx.msk [tilespmem:v10+s17+$0x0], $0xffff;
	v58 =	vmul.f32 v22, v13;
	v11 =	vor.u32 $0x3, v8  }
0xe3: {  	v55 =	vor.u32 $0xA, v8;
	v25 =	vmul.f32 v30, v14;
	v26 =	vmul.f32 v30, v23  }
0xe4: {  	v56 =	vor.u32 $0xB, v8;
	v29 =	vmul.f32 v30, v20;
	v30 =	vmul.f32 v30, v12  }
0xe5: {  	v14 =	vld.idx.msk [tilespmem:v7+s17+$0x0], $0xffff;
	v20 =	vadd.f32 v57, v27;
	v12 =	vor.u32 $0x7, v8;
	v32 =	vmul.f32 v25, v25  }
0xe6: {  	v60 =	vadd.f32 v31, v28;
	v59 =	vmul.f32 v26, v26;
	v35 =	vmul.f32 v30, v30  }
0xe7: {  	v27 =	vmul.f32 v25, v30;
	v28 =	vadd.f32 v58, v20;
	v62 =	vmul.f32 v22, v15;
	v33 =	vld.idx.msk [tilespmem:v11+s17+$0x0], $0xffff  }
0xe8: {  	v31 =	vmul.f32 v26, v29;
	v20 =	vld.idx.msk [tilespmem:v55+s17+$0x0], $0xffff;
	v61 =	vadd.f32 v59, v32;
	v63 =	vadd.f32 v59, v35  }
0xe9: {  	v23 =	vld.idx.msk [tilespmem:v56+s17+$0x0], $0xffff;
	v36 =	vmul.f32 v26, v30;
	v38 =	vmul.f32 v25, v29;
	v40 =	vadd.f32 v62, v60  }
0xea: {  	s22 =	simm.s32 $0x10;
	v39 =	vmul.f32 v54, v14;
	v34 =	vld.idx.msk [tilespmem:v12+s17+$0x0], $0xffff;
	v24 =	vadd.f32 v61, v61;
	v41 =	vadd.f32 v63, v63  }
.LBB2_4:
0xeb: {  	p0 =	sne.s32 s22, $0x610;
	v42 =	vadd.f32 v31, v27;
	v29 =	vmul.f32 v30, v29;
	v30 =	vadd.f32 v32, v35;
	s23 =	smov.u32 s22;
	s22 =	sadd.s32 $0x10, s22  }
0xec: {  	v25 =	vmul.f32 v26, v25;
	v32 =	vsub.f32 $1.000000000e+00, v41;
	v26 =	vadd.f32 v40, v33  }
0xed: {  	v35 =	vadd.f32 v37, v39;
	v22 =	vmul.f32 v22, v20;
	v33 =	vadd.f32 v42, v42  }
0xee: {  	v37 =	vadd.f32 v38, v36;
	v36 =	vsub.f32 v36, v38;
	v38 =	vmul.f32 v32, v19  }
0xef: {  	v27 =	vsub.f32 v27, v31;
	v22 =	vadd.f32 v22, v35;
	v31 =	vmul.f32 v33, v17  }
0xf0: {  	v35 =	vadd.f32 v29, v25;
	v28 =	vadd.f32 v28, v34;
	v34 =	vmul.f32 v33, v21  }
0xf1: {  	v27 =	vadd.f32 v27, v27;
	v39 =	vmul.f32 v32, v21;
	v22 =	vadd.f32 v22, v23  }
0xf2: {  	v23 =	vsub.f32 v25, v29;
	v25 =	vadd.f32 v35, v35;
	[tilespmem:v1+s19+$0x0] =	vst.idx.msk $0xffff, v26  }
0xf3: {  	v29 =	vmul.f32 v27, v16;
	v26 =	vadd.f32 v30, v30;
	v30 =	vmul.f32 v27, v18  }
0xf4: {  	v35 =	vor.u32 s23, v0;
	v23 =	vadd.f32 v23, v23;
	v40 =	vmul.f32 v25, v15  }
0xf5: {  	v37 =	vadd.f32 v37, v37;
	v1 =	vshll.u32 v35, $0x3;
	v29 =	vadd.f32 v38, v29  }
0xf6: {  	v38 =	vor.u32 $0x3, v1;
	v41 =	vor.u32 $0x4, v1;
	v21 =	vmul.f32 v23, v21  }
0xf7: {  	v24 =	vsub.f32 $1.000000000e+00, v24;
	v42 =	vmul.f32 v37, v16;
	v43 =	vmul.f32 v23, v19  }
0xf8: {  	v26 =	vsub.f32 $1.000000000e+00, v26;
	v19 =	vmul.f32 v33, v19;
	v33 =	vmul.f32 v37, v18  }
0xf9: {  	v36 =	vadd.f32 v36, v36;
	v16 =	vmul.f32 v24, v16;
	v18 =	vmul.f32 v24, v18  }
0xfa: {  	v45 =	vmul.f32 v25, v13;
	v44 =	vor.u32 $0x6, v1;
	v24 =	vmul.f32 v24, v14  }
0xfb: {  	v27 =	vmul.f32 v27, v14;
	v16 =	vadd.f32 v16, v19;
	v19 =	vmul.f32 v36, v15  }
0xfc: {  	v32 =	vmul.f32 v32, v17;
	v42 =	vadd.f32 v43, v42;
	v43 =	vmul.f32 v26, v13  }
0xfd: {  	v16 =	vadd.f32 v16, v19;
	v19 =	vadd.f32 v39, v30;
	v30 =	vmul.f32 v26, v20  }
0xfe: {  	v29 =	vadd.f32 v29, v40;
	v13 =	vmul.f32 v36, v13;
	v39 =	vor.u32 $0x5, v1  }
0xff: {  	[tilespmem:v8+s20+$0x0] =	vst.idx.msk $0xffff, v16;
	v8 =	vmul.f32 v26, v15;
	v15 =	vadd.f32 v18, v34  }
0x100: {  	v16 =	vmul.f32 v23, v17;
	[tilespmem:v9+s20+$0x0] =	vst.idx.msk $0xffff, v29;
	v9 =	vadd.f32 v21, v33  }
0x101: {  	v8 =	vadd.f32 v8, v42;
	v13 =	vadd.f32 v15, v13;
	v15 =	vmul.f32 v36, v20  }
0x102: {  	v14 =	vmul.f32 v37, v14;
	v17 =	vadd.f32 v19, v45;
	v18 =	vadd.f32 v32, v27  }
0x103: {  	[tilespmem:v10+s20+$0x0] =	vst.idx.msk $0xffff, v8;
	v8 =	vadd.f32 v43, v9;
	v9 =	vadd.f32 v24, v31  }
0x104: {  	[tilespmem:v4+s19+$0x0] =	vst.idx.msk $0xffff, v28;
	v4 =	vmul.f32 v25, v20  }
0x105: {  	v10 =	vadd.f32 v16, v14;
	[tilespmem:v11+s20+$0x0] =	vst.idx.msk $0xffff, v13;
	v9 =	vadd.f32 v9, v15  }
0x106: {  	[tilespmem:v3+s20+$0x0] =	vst.idx.msk $0xffff, v17;
	v3 =	vadd.f32 v18, v4  }
0x107: {  	v4 =	vadd.f32 v30, v10;
	[tilespmem:v5+s20+$0x0] =	vst.idx.msk $0xffff, v8  }
0x108: {  	[tilespmem:v2+s19+$0x0] =	vst.idx.msk $0xffff, v22  }
0x109: {  	[tilespmem:v6+s20+$0x0] =	vst.idx.msk $0xffff, v9  }
0x10a: {  	[tilespmem:v12+s20+$0x0] =	vst.idx.msk $0xffff, v3  }
0x10b: {  	[tilespmem:v7+s20+$0x0] =	vst.idx.msk $0xffff, v4  }
0x10c: {  	v12 =	vld.idx.msk [tilespmem:v41+s16+$0x0], $0xffff  }
0x10d: {  	v20 =	vld.idx.msk [tilespmem:v38+s16+$0x0], $0xffff;
	_ =	sdelay $0x1  }
0x10e: {  	v24 =	vld.idx.msk [tilespmem:v39+s16+$0x0], $0xffff;
	_ =	sdelay $0x1  }
0x10f: {  	v26 =	vld.idx.msk [tilespmem:v44+s16+$0x0], $0xffff  }
0x110: {  	v2 =	vmul.f32 v12, v12  }
0x111: {  	v3 =	vmul.f32 v20, v20;
	_ =	sdelay $0x1  }
0x112: {  	v2 =	vadd.f32 v2, v3;
	v3 =	vmul.f32 v24, v24;
	_ =	sdelay $0x1  }
0x113: {  	v2 =	vadd.f32 v3, v2;
	v3 =	vmul.f32 v26, v26;
	_ =	sdelay $0x1  }
0x114: {  	v2 =	vadd.f32 v3, v2;
	_ =	sdelay $0x1  }
0x115: {  	v3 =	vshrl.u32 v2, $0x1;
	v7 =	vmul.f32 $5.000000000e-01, v2  }
0x116: {  	v3 =	vsub.s32 $0x5F3759DF, v3  }
0x117: {  	v2 =	vmul.f32 v3, v7;
	_ =	sdelay $0x1  }
0x118: {  	v5 =	vmul.f32 v3, v2  }
0x119: {  	v2 =	vor.u32 $0x2, v1  }
0x11a: {  	v4 =	vor.u32 $0x1, v1;
	v5 =	vsub.f32 $1.500000000e+00, v5;
	_ =	sdelay $0x1  }
0x11b: {  	v8 =	vshll.u32 v35, $0x4;
	v11 =	vmul.f32 v3, v5  }
0x11c: {  	v28 =	vor.u32 $0xA, v8;
	v13 =	vor.u32 $0xB, v8;
	v3 =	vor.u32 $0x4, v8  }
0x11d: {  	v9 =	vor.u32 $0x1, v8;
	v6 =	vmul.f32 v11, v7;
	v22 =	vld.idx.msk [tilespmem:v2+s16+$0x0], $0xffff  }
0x11e: {  	v5 =	vor.u32 $0x5, v8;
	v34 =	vld.idx.msk [tilespmem:v4+s16+$0x0], $0xffff  }
0x11f: {  	v10 =	vor.u32 $0x2, v8;
	v14 =	vmul.f32 v6, v11;
	v38 =	vld.idx.msk [tilespmem:v1+s16+$0x0], $0xffff  }
0x120: {  	v6 =	vor.u32 $0x6, v8;
	v16 =	vld.idx.msk [tilespmem:v8+s17+$0x0], $0xffff  }
0x121: {  	v14 =	vsub.f32 $1.500000000e+00, v14;
	v18 =	vld.idx.msk [tilespmem:v3+s17+$0x0], $0xffff  }
0x122: {  	v19 =	vld.idx.msk [tilespmem:v9+s17+$0x0], $0xffff  }
0x123: {  	v17 =	vor.u32 $0x9, v8;
	v14 =	vmul.f32 v14, v11;
	v21 =	vld.idx.msk [tilespmem:v5+s17+$0x0], $0xffff  }
0x124: {  	v23 =	vld.idx.msk [tilespmem:v13+s17+$0x0], $0xffff  }
0x125: {  	v11 =	vmul.f32 v14, v7;
	v13 =	vld.idx.msk [tilespmem:v6+s17+$0x0], $0xffff  }
0x126: {  	v31 =	vmul.f32 v38, v16;
	v15 =	vld.idx.msk [tilespmem:v10+s17+$0x0], $0xffff  }
0x127: {  	v7 =	vor.u32 $0x8, v8;
	v25 =	vmul.f32 v11, v14;
	v27 =	vmul.f32 v38, v18  }
0x128: {  	v36 =	vmul.f32 v34, v19  }
0x129: {  	v11 =	vor.u32 $0x3, v8;
	v25 =	vsub.f32 $1.500000000e+00, v25  }
0x12a: {  	v32 =	vmul.f32 v34, v21  }
0x12b: {  	v30 =	vmul.f32 v25, v14;
	v37 =	vmul.f32 v22, v13;
	v17 =	vld.idx.msk [tilespmem:v17+s17+$0x0], $0xffff  }
0x12c: {  	v14 =	vld.idx.msk [tilespmem:v7+s17+$0x0], $0xffff  }
0x12d: {  	v25 =	vmul.f32 v30, v24;
	v26 =	vmul.f32 v30, v26  }
0x12e: {  	v29 =	vmul.f32 v30, v20;
	v30 =	vmul.f32 v30, v12;
	v24 =	vadd.f32 v32, v27  }
0x12f: {  	v12 =	vor.u32 $0x7, v8;
	v32 =	vmul.f32 v25, v25;
	v39 =	vmul.f32 v26, v26  }
.Ltmp1:
0x130: {  	v40 =	vadd.f32 v36, v31;
	v27 =	vmul.f32 v25, v30;
	v35 =	vmul.f32 v30, v30;
	v33 =	vld.idx.msk [tilespmem:v11+s17+$0x0], $0xffff;
	(pc) =	sbr.rel @p0 .LBB2_4-.Ltmp1, $4  }
0x131: {  	v42 =	vmul.f32 v22, v15;
	v36 =	vadd.f32 v39, v32;
	v20 =	vld.idx.msk [tilespmem:v28+s17+$0x0], $0xffff;
	v28 =	vadd.f32 v37, v24  }
0x132: {  	v31 =	vmul.f32 v26, v29;
	v41 =	vadd.f32 v39, v35;
	v37 =	vmul.f32 v34, v17  }
0x133: {  	v39 =	vmul.f32 v38, v14;
	v24 =	vadd.f32 v36, v36;
	v36 =	vmul.f32 v26, v30  }
0x134: {  	v40 =	vadd.f32 v42, v40;
	v38 =	vmul.f32 v25, v29;
	v41 =	vadd.f32 v41, v41;
	v34 =	vld.idx.msk [tilespmem:v12+s17+$0x0], $0xffff  }
0x135: {  	v42 =	vadd.f32 v31, v27;
	v44 =	vadd.f32 v32, v35  }
0x136: {  	v47 =	vadd.f32 v37, v39;
	v50 =	vsub.f32 v27, v31  }
0x137: {  	v29 =	vmul.f32 v30, v29;
	v24 =	vsub.f32 $1.000000000e+00, v24;
	v32 =	vsub.f32 $1.000000000e+00, v41  }
0x138: {  	v25 =	vmul.f32 v26, v25;
	v45 =	vadd.f32 v40, v33;
	v48 =	vadd.f32 v38, v36  }
0x139: {  	v49 =	vsub.f32 v36, v38;
	v46 =	vadd.f32 v42, v42  }
0x13a: {  	v22 =	vmul.f32 v22, v20;
	v52 =	vadd.f32 v29, v25;
	v25 =	vsub.f32 v25, v29  }
0x13b: {  	v27 =	vadd.f32 v50, v50;
	v36 =	vmul.f32 v24, v16;
	v43 =	vmul.f32 v24, v18  }
0x13c: {  	v30 =	vadd.f32 v44, v44;
	v24 =	vmul.f32 v24, v14;
	v51 =	vmul.f32 v32, v19  }
0x13d: {  	v22 =	vadd.f32 v22, v47;
	v54 =	vmul.f32 v32, v21;
	v37 =	vadd.f32 v48, v48  }
0x13e: {  	v63 =	vadd.f32 v49, v49;
	v32 =	vmul.f32 v32, v17;
	v38 =	vmul.f32 v46, v17  }
0x13f: {  	v28 =	vadd.f32 v28, v34;
	v53 =	vmul.f32 v46, v21;
	v55 =	vmul.f32 v27, v16  }
0x140: {  	v34 =	vadd.f32 v52, v52;
	v56 =	vmul.f32 v27, v18;
	v61 =	vmul.f32 v46, v19  }
0x141: {  	v25 =	vadd.f32 v25, v25;
	v27 =	vmul.f32 v27, v14;
	v59 =	vmul.f32 v37, v16  }
0x142: {  	[tilespmem:v1+s19+$0x0] =	vst.idx.msk $0xffff, v45;
	v1 =	vsub.f32 $1.000000000e+00, v30;
	v62 =	vmul.f32 v37, v18;
	v45 =	vmul.f32 v63, v15  }
0x143: {  	v22 =	vadd.f32 v22, v23;
	v57 =	vmul.f32 v34, v15;
	v58 =	vmul.f32 v25, v21  }
0x144: {  	v60 =	vmul.f32 v25, v19;
	v31 =	vadd.f32 v51, v55;
	v16 =	vadd.f32 v36, v61  }
0x145: {  	v44 =	vmul.f32 v34, v13;
	v47 =	vmul.f32 v1, v13;
	v48 =	vadd.f32 v54, v56  }
0x146: {  	v49 =	vmul.f32 v1, v15;
	v46 =	vadd.f32 v60, v59;
	v16 =	vadd.f32 v16, v45  }
0x147: {  	v1 =	vmul.f32 v1, v20;
	v51 =	vmul.f32 v63, v13;
	v50 =	vadd.f32 v31, v57  }
0x148: {  	v52 =	vadd.f32 v43, v53;
	[tilespmem:v8+s20+$0x0] =	vst.idx.msk $0xffff, v16;
	v15 =	vadd.f32 v49, v46  }
0x149: {  	v54 =	vmul.f32 v25, v17;
	v55 =	vmul.f32 v63, v20;
	[tilespmem:v9+s20+$0x0] =	vst.idx.msk $0xffff, v50  }
0x14a: {  	v53 =	vadd.f32 v58, v62;
	v8 =	vadd.f32 v52, v51;
	[tilespmem:v10+s20+$0x0] =	vst.idx.msk $0xffff, v15  }
0x14b: {  	v56 =	vadd.f32 v48, v44;
	v57 =	vmul.f32 v37, v14;
	[tilespmem:v4+s19+$0x0] =	vst.idx.msk $0xffff, v28  }
0x14c: {  	v59 =	vadd.f32 v24, v38;
	v58 =	vadd.f32 v47, v53;
	[tilespmem:v11+s20+$0x0] =	vst.idx.msk $0xffff, v8  }
0x14d: {  	v61 =	vmul.f32 v34, v20;
	v60 =	vadd.f32 v32, v27;
	[tilespmem:v3+s20+$0x0] =	vst.idx.msk $0xffff, v56  }
0x14e: {  	v62 =	vadd.f32 v54, v57;
	v3 =	vadd.f32 v59, v55;
	[tilespmem:v5+s20+$0x0] =	vst.idx.msk $0xffff, v58  }
0x14f: {  	v63 =	vadd.f32 v60, v61;
	[tilespmem:v2+s19+$0x0] =	vst.idx.msk $0xffff, v22  }
0x150: {  	v1 =	vadd.f32 v1, v62;
	[tilespmem:v6+s20+$0x0] =	vst.idx.msk $0xffff, v3  }
0x151: {  	[tilespmem:v12+s20+$0x0] =	vst.idx.msk $0xffff, v63  }
0x152: {  	[tilespmem:v7+s20+$0x0] =	vst.idx.msk $0xffff, v1  }
0x153: {  	[hbm4b:s11+s3] =	stream.linear.scatter [tilespmem:s17], [sflag:$0x2], $0x6200, $0x38;
	[tilespmem:$0x12C20] =	vst v63  }
0x154: {  	_ =	swait.ge [sflag:s15], $0x6200  }
0x155: {  	[sflag:s15] =	ssyncset.done $0x0  }
0x156: {  	[sflag:s15] =	ssyncadd.s32 $0xFFFF9E00  }
0x157: {  	[hbm4b:s12+s3] =	stream.linear.scatter [tilespmem:s19], [sflag:$0x2], $0x3100, $0x38;
	[tilespmem:$0x12C20] =	vst v63  }
0x158: {  	s21 =	sadd.s32 $0x1, s21;
	_ =	swait.ge [sflag:s15], $0x3100  }
0x159: {  	p0 =	sne.s32 s21, s14;
	[sflag:s15] =	ssyncset.done $0x0  }
.Ltmp2:
0x15a: {  	[sflag:s15] =	ssyncadd.s32 $0xFFFFCF00;
	(pc) =	sbr.rel @p0 .LBB2_1-.Ltmp2, $4  }
0x15b: {  	[hbm4b:s13+s3] =	stream.linear.scatter [tilespmem:s20], [sflag:$0x2], $0x6200, $0x38;
	[tilespmem:$0x12C20] =	vst v63  }
0x15c: {  	_ =	swait.ge [sflag:s15], $0x6200  }
0x15d: {  	[sflag:s15] =	ssyncset.done $0x0  }
0x15e: {  	[sflag:s15] =	ssyncadd.s32 $0xFFFF9E00  }
0x15f: {  	_ =	sfence.sel $0x180000  }
0x160: {  	[bflag:$0x0] =	sbarrier.arrive $0xFFFF  }
0x161: {  	p0 =	sne.s32 s2, $0x0;
	_ =	strace $0x90000047  }
0x162: {  	s0 =	sadd.s32 @!p0 $0x100000, s0;
	[bflag:$0x2] =	sbarrier.arrive $0xFFFF  }
0x163: {  	[sflag:s0] =	ssyncadd.tile.s32 @!p0 $0x1;
	_ =	shalt  }
.Lfunc_end2:
_tile_overlayer_lowered:
.L_overlay_start_2:
0x164: {  	(tag) =	ssettag $0x2  }
0x165: {  	s0 =	rddreg [dreg:$0x0];
	s2 =	stileid.u32  }
0x166: {  	s1 =	rddreg [dreg:$0x1];
	p0 =	sne.s32 s2, $0x0  }
0x167: {  	s3 =	rddreg [dreg:$0x2];
	[bflag:$0x3] =	sbarrier.arrive $0xFFFF;
	s2 =	simm.s32 @!p0 $0x1C02  }
0x168: {  	[timem:s3], [sflag:s2] =	dma.local @!p0 [hbm:s0], s1  }
0x169: {  	s0 =	simm.s32 @!p0 $0x2  }
0x16a: {  	_ =	swait.ge @!p0 [sflag:s0], s1  }
0x16b: {  	s1 =	ssub.s32 @!p0 $0x0, s1;
	[sflag:s0] =	ssyncset.done @!p0 $0x0  }
0x16c: {  	[sflag:s0] =	ssyncadd.s32 @!p0 s1  }
0x16d: {  	[bflag:$0x3] =	sbarrier.arrive $0xFFFF  }
0x16e: {  	_ =	shalt  }

</sc_bundles>
